<compile_context>
chip_gen: v7x
topology: tpu7x:2x2x1
jax: 0.10.2.dev20260603
libtpu: 0.0.44.dev20260713+nightly
codegen_flags: <defaults>
</compile_context>

<pallas_src>
import functools

import jax
import jax.numpy as jnp
from jax import lax
from jax.experimental import pallas as pl
from jax.experimental.pallas import tpu as pltpu
from jax.experimental.pallas import tpu_sc as plsc

VECDIM = 32


@functools.cache
def _build_gather(B: int, D: int, chunk: int):
    info = plsc.get_sparse_core_info()
    nc, ns = info.num_cores, info.num_subcores
    nw = nc * ns
    assert B % nw == 0
    b_per_w = B // nw
    assert b_per_w % chunk == 0
    n_chunks = b_per_w // chunk
    mesh = plsc.VectorSubcoreMesh(core_axis_name="c", subcore_axis_name="s")

    @functools.partial(
        pl.kernel,
        mesh=mesh,
        out_type=jax.ShapeDtypeStruct((B, D), jnp.float32),
        scratch_types=[
            pltpu.VMEM((b_per_w,), jnp.int32),
            pltpu.VMEM((4, chunk, D), jnp.float32),
            pltpu.SemaphoreType.DMA,
            pltpu.SemaphoreType.DMA,
            pltpu.SemaphoreType.DMA,
            pltpu.SemaphoreType.DMA,
        ],
        compiler_params=pltpu.CompilerParams(use_tc_tiling_on_sc=False),
    )
    def k(idx_hbm, table_hbm, out_hbm, idx_all, rows, s0, s1, s2, s3):
        wid = lax.axis_index("s") * nc + lax.axis_index("c")
        base = wid * b_per_w
        K = 4
        sems = (s0, s1, s2, s3)

        pltpu.sync_copy(idx_hbm.at[pl.ds(base, b_per_w)], idx_all)

        def gather_chunk(c, b):
            return pltpu.async_copy(
                table_hbm.at[idx_all.at[pl.ds(c * chunk, chunk)]],
                rows.at[b], sems[b])

        g = [None] * K
        for b in range(min(K, n_chunks)):
            g[b] = gather_chunk(b, b)
        for c in range(n_chunks):
            b = c % K
            g[b].wait()
            pltpu.sync_copy(rows.at[b], out_hbm.at[pl.ds(base + c * chunk, chunk)])
            if c + K < n_chunks:
                g[b] = gather_chunk(c + K, b)

    return k


def kernel(x, table):
    bsz, hist = x.shape
    B = bsz * hist
    out2d = _build_gather(B, VECDIM, 800)(x.reshape(B), table)
    return out2d.reshape(bsz, hist, VECDIM)

# --- scband reference (transcript-rebuilt; emitter-appended) ---
"""Pipeline reference for scband-model-with-embedding-5746666242677 (READ-ONLY COPY).

The authoritative reference and input builder live on the scoring server;
editing this copy changes nothing except your own understanding.
"""

import jax, jax.numpy as jnp
import numpy as np

WORDNUM = 1000000
VECDIM = 32
BATCH = 4096
HIST = 200

def setup_inputs(seed: int = 0) -> dict:
    key = jax.random.key(seed)
    k1, k2 = jax.random.split(key)
    x = jax.random.randint(k1, (BATCH, HIST), 0, WORDNUM)
    table = jax.random.normal(k2, (WORDNUM, VECDIM), dtype=jnp.float32) * 0.02
    return {"x": x, "table": table}

def reference(x, table):
    # ModelWithEmbedding.forward: self.model(self.embedding(x))
    # inner `model` is supplied as identity (null), so forward reduces to the embedding lookup
    emb = jnp.take(table, x, axis=0)
    return emb

if __name__ == "__main__":
    import jax
    _d = setup_inputs()
    print(jax.jit(kernel)(*tuple(_d.values())))

</pallas_src>

<mosaic_0001>
#map = affine_map<(d0, d1) -> (0)>
#map1 = affine_map<(d0, d1) -> (0, 0)>
module attributes {stable_mosaic.version = 14 : i64} {
  func.func @k(%arg0: i32, %arg1: i32, %arg2: memref<819200xi32, #tpu.memory_space<hbm>>, %arg3: memref<1000000x32xf32, #tpu.memory_space<hbm>>, %arg4: memref<819200x32xf32, #tpu.memory_space<hbm>>, %arg5: memref<25600xi32, #tpu.memory_space<vmem>>, %arg6: memref<4x800x32xf32, #tpu.memory_space<vmem>>, %arg7: memref<!tpu.dma_semaphore, #tpu.memory_space<semaphore_mem>>, %arg8: memref<!tpu.dma_semaphore, #tpu.memory_space<semaphore_mem>>, %arg9: memref<!tpu.dma_semaphore, #tpu.memory_space<semaphore_mem>>, %arg10: memref<!tpu.dma_semaphore, #tpu.memory_space<semaphore_mem>>) attributes {dimension_semantics = [#tpu.dimension_semantics<core_parallel>, #tpu.dimension_semantics<subcore_parallel>], iteration_bounds = array<i64: 2, 16>, scalar_prefetch = 0 : i64, scratch_operands = 6 : i64, tpu.core_type = #tpu.core_type<sc_vector_subcore>, window_params = [{transform_indices = #map}, {transform_indices = #map1}, {transform_indices = #map1}]} {
    %mul3A = arith.constant 2 : i32
    %mul3A_0 = arith.muli %arg1, %mul3A : i32
    %add3A = arith.addi %mul3A_0, %arg0 : i32
    %mul3A_1 = arith.constant 25600 : i32
    %mul3A_2 = arith.muli %add3A, %mul3A_1 : i32
    "tpu.region"() ({
      %run_scoped3A_736 = tpu.sem_alloc : memref<!tpu.dma_semaphore, #tpu.memory_space<semaphore_mem>>
      %dma_start3A_737 = tpu.memref_slice %arg2[%mul3A_2] : memref<819200xi32, #tpu.memory_space<hbm>> -> memref<25600xi32, #tpu.memory_space<hbm>>
      %dma_start3A_738 = tpu.memref_slice %arg2[%mul3A_2] : memref<819200xi32, #tpu.memory_space<hbm>> -> memref<25600xi32, #tpu.memory_space<hbm>>
      tpu.enqueue_dma source(%dma_start3A_738 : memref<25600xi32, #tpu.memory_space<hbm>>) target(%arg5 : memref<25600xi32, #tpu.memory_space<vmem>>) target_semaphore(%run_scoped3A_736 : memref<!tpu.dma_semaphore, #tpu.memory_space<semaphore_mem>>)
      %dma_wait3A_739 = tpu.memref_slice %arg2[%mul3A_2] : memref<819200xi32, #tpu.memory_space<hbm>> -> memref<25600xi32, #tpu.memory_space<hbm>>
      %dma_wait3A_740 = tpu.memref_slice %arg2[%mul3A_2] : memref<819200xi32, #tpu.memory_space<hbm>> -> memref<25600xi32, #tpu.memory_space<hbm>>
      tpu.wait_dma2 semaphore(%run_scoped3A_736 : memref<!tpu.dma_semaphore, #tpu.memory_space<semaphore_mem>>) src(%dma_wait3A_740 : memref<25600xi32, #tpu.memory_space<hbm>>) dst(%arg5 : memref<25600xi32, #tpu.memory_space<vmem>>)
      tpu.yield
    }) : () -> ()
    %dma_start3A = arith.constant 0 : i32
    %dma_start3A_3 = arith.constant 0 : i32
    %dma_start3A_4 = arith.constant 0 : i32
    %dma_start3A_5 = tpu.memref_slice %arg6[%dma_start3A, %dma_start3A_3, %dma_start3A_4] : memref<4x800x32xf32, #tpu.memory_space<vmem>> -> memref<1x800x32xf32, #tpu.memory_space<vmem>>
    %dma_start3A_6 = tpu.memref_squeeze %dma_start3A_5 : memref<1x800x32xf32, #tpu.memory_space<vmem>> -> memref<800x32xf32, #tpu.memory_space<vmem>>
    %dma_start3A_7 = arith.constant 0 : i32
    %dma_start3A_8 = tpu.memref_slice %arg5[%dma_start3A_7] : memref<25600xi32, #tpu.memory_space<vmem>> -> memref<800xi32, #tpu.memory_space<vmem>>
    %dma_start3A_9 = arith.constant 0 : i32
    %dma_start3A_10 = arith.constant 0 : i32
    %dma_start3A_11 = tpu.memref_slice %arg3[%dma_start3A_9, %dma_start3A_10] : memref<1000000x32xf32, #tpu.memory_space<hbm>> -> memref<1000000x32xf32, #tpu.memory_space<hbm>>
    tpu.enqueue_indirect_dma source(%dma_start3A_11 : memref<1000000x32xf32, #tpu.memory_space<hbm>>) target(%dma_start3A_6 : memref<800x32xf32, #tpu.memory_space<vmem>>) offsets(%dma_start3A_8 : memref<800xi32, #tpu.memory_space<vmem>>) semaphore(%arg7 : memref<!tpu.dma_semaphore, #tpu.memory_space<semaphore_mem>>)
    %dma_start3A_12 = arith.constant 1 : i32
    %dma_start3A_13 = arith.constant 0 : i32
    %dma_start3A_14 = arith.constant 0 : i32
    %dma_start3A_15 = tpu.memref_slice %arg6[%dma_start3A_12, %dma_start3A_13, %dma_start3A_14] : memref<4x800x32xf32, #tpu.memory_space<vmem>> -> memref<1x800x32xf32, #tpu.memory_space<vmem>>
    %dma_start3A_16 = tpu.memref_squeeze %dma_start3A_15 : memref<1x800x32xf32, #tpu.memory_space<vmem>> -> memref<800x32xf32, #tpu.memory_space<vmem>>
    %dma_start3A_17 = arith.constant 800 : i32
    %dma_start3A_18 = tpu.memref_slice %arg5[%dma_start3A_17] : memref<25600xi32, #tpu.memory_space<vmem>> -> memref<800xi32, #tpu.memory_space<vmem>>
    %dma_start3A_19 = arith.constant 0 : i32
    %dma_start3A_20 = arith.constant 0 : i32
    %dma_start3A_21 = tpu.memref_slice %arg3[%dma_start3A_19, %dma_start3A_20] : memref<1000000x32xf32, #tpu.memory_space<hbm>> -> memref<1000000x32xf32, #tpu.memory_space<hbm>>
    tpu.enqueue_indirect_dma source(%dma_start3A_21 : memref<1000000x32xf32, #tpu.memory_space<hbm>>) target(%dma_start3A_16 : memref<800x32xf32, #tpu.memory_space<vmem>>) offsets(%dma_start3A_18 : memref<800xi32, #tpu.memory_space<vmem>>) semaphore(%arg8 : memref<!tpu.dma_semaphore, #tpu.memory_space<semaphore_mem>>)
    %dma_start3A_22 = arith.constant 2 : i32
    %dma_start3A_23 = arith.constant 0 : i32
    %dma_start3A_24 = arith.constant 0 : i32
    %dma_start3A_25 = tpu.memref_slice %arg6[%dma_start3A_22, %dma_start3A_23, %dma_start3A_24] : memref<4x800x32xf32, #tpu.memory_space<vmem>> -> memref<1x800x32xf32, #tpu.memory_space<vmem>>
    %dma_start3A_26 = tpu.memref_squeeze %dma_start3A_25 : memref<1x800x32xf32, #tpu.memory_space<vmem>> -> memref<800x32xf32, #tpu.memory_space<vmem>>
    %dma_start3A_27 = arith.constant 1600 : i32
    %dma_start3A_28 = tpu.memref_slice %arg5[%dma_start3A_27] : memref<25600xi32, #tpu.memory_space<vmem>> -> memref<800xi32, #tpu.memory_space<vmem>>
    %dma_start3A_29 = arith.constant 0 : i32
    %dma_start3A_30 = arith.constant 0 : i32
    %dma_start3A_31 = tpu.memref_slice %arg3[%dma_start3A_29, %dma_start3A_30] : memref<1000000x32xf32, #tpu.memory_space<hbm>> -> memref<1000000x32xf32, #tpu.memory_space<hbm>>
    tpu.enqueue_indirect_dma source(%dma_start3A_31 : memref<1000000x32xf32, #tpu.memory_space<hbm>>) target(%dma_start3A_26 : memref<800x32xf32, #tpu.memory_space<vmem>>) offsets(%dma_start3A_28 : memref<800xi32, #tpu.memory_space<vmem>>) semaphore(%arg9 : memref<!tpu.dma_semaphore, #tpu.memory_space<semaphore_mem>>)
    %dma_start3A_32 = arith.constant 3 : i32
    %dma_start3A_33 = arith.constant 0 : i32
    %dma_start3A_34 = arith.constant 0 : i32
    %dma_start3A_35 = tpu.memref_slice %arg6[%dma_start3A_32, %dma_start3A_33, %dma_start3A_34] : memref<4x800x32xf32, #tpu.memory_space<vmem>> -> memref<1x800x32xf32, #tpu.memory_space<vmem>>
    %dma_start3A_36 = tpu.memref_squeeze %dma_start3A_35 : memref<1x800x32xf32, #tpu.memory_space<vmem>> -> memref<800x32xf32, #tpu.memory_space<vmem>>
    %dma_start3A_37 = arith.constant 2400 : i32
    %dma_start3A_38 = tpu.memref_slice %arg5[%dma_start3A_37] : memref<25600xi32, #tpu.memory_space<vmem>> -> memref<800xi32, #tpu.memory_space<vmem>>
    %dma_start3A_39 = arith.constant 0 : i32
    %dma_start3A_40 = arith.constant 0 : i32
    %dma_start3A_41 = tpu.memref_slice %arg3[%dma_start3A_39, %dma_start3A_40] : memref<1000000x32xf32, #tpu.memory_space<hbm>> -> memref<1000000x32xf32, #tpu.memory_space<hbm>>
    tpu.enqueue_indirect_dma source(%dma_start3A_41 : memref<1000000x32xf32, #tpu.memory_space<hbm>>) target(%dma_start3A_36 : memref<800x32xf32, #tpu.memory_space<vmem>>) offsets(%dma_start3A_38 : memref<800xi32, #tpu.memory_space<vmem>>) semaphore(%arg10 : memref<!tpu.dma_semaphore, #tpu.memory_space<semaphore_mem>>)
    %dma_wait3A = arith.constant 0 : i32
    %dma_wait3A_42 = arith.constant 0 : i32
    %dma_wait3A_43 = arith.constant 0 : i32
    %dma_wait3A_44 = tpu.memref_slice %arg6[%dma_wait3A, %dma_wait3A_42, %dma_wait3A_43] : memref<4x800x32xf32, #tpu.memory_space<vmem>> -> memref<1x800x32xf32, #tpu.memory_space<vmem>>
    %dma_wait3A_45 = tpu.memref_squeeze %dma_wait3A_44 : memref<1x800x32xf32, #tpu.memory_space<vmem>> -> memref<800x32xf32, #tpu.memory_space<vmem>>
    %dma_wait3A_46 = arith.constant 0 : i32
    %dma_wait3A_47 = tpu.memref_slice %arg5[%dma_wait3A_46] : memref<25600xi32, #tpu.memory_space<vmem>> -> memref<800xi32, #tpu.memory_space<vmem>>
    %dma_wait3A_48 = arith.constant 0 : i32
    %dma_wait3A_49 = arith.constant 0 : i32
    %dma_wait3A_50 = tpu.memref_slice %arg3[%dma_wait3A_48, %dma_wait3A_49] : memref<1000000x32xf32, #tpu.memory_space<hbm>> -> memref<1000000x32xf32, #tpu.memory_space<hbm>>
    tpu.wait_indirect_dma semaphore(%arg7 : memref<!tpu.dma_semaphore, #tpu.memory_space<semaphore_mem>>) src(%dma_wait3A_50 : memref<1000000x32xf32, #tpu.memory_space<hbm>>) dst(%dma_wait3A_45 : memref<800x32xf32, #tpu.memory_space<vmem>>)
    %add3A_51 = arith.constant 0 : i32
    %add3A_52 = arith.addi %mul3A_2, %add3A_51 : i32
    %run_scoped3A = arith.constant 0 : i32
    "tpu.region"() ({
      %run_scoped3A_736 = tpu.sem_alloc : memref<!tpu.dma_semaphore, #tpu.memory_space<semaphore_mem>>
      %dma_start3A_737 = arith.constant 0 : i32
      %dma_start3A_738 = arith.constant 0 : i32
      %dma_start3A_739 = tpu.memref_slice %arg6[%run_scoped3A, %dma_start3A_737, %dma_start3A_738] : memref<4x800x32xf32, #tpu.memory_space<vmem>> -> memref<1x800x32xf32, #tpu.memory_space<vmem>>
      %dma_start3A_740 = tpu.memref_squeeze %dma_start3A_739 : memref<1x800x32xf32, #tpu.memory_space<vmem>> -> memref<800x32xf32, #tpu.memory_space<vmem>>
      %dma_start3A_741 = arith.constant 0 : i32
      %dma_start3A_742 = tpu.memref_slice %arg4[%add3A_52, %dma_start3A_741] : memref<819200x32xf32, #tpu.memory_space<hbm>> -> memref<800x32xf32, #tpu.memory_space<hbm>>
      %dma_start3A_743 = arith.constant 0 : i32
      %dma_start3A_744 = tpu.memref_slice %arg4[%add3A_52, %dma_start3A_743] : memref<819200x32xf32, #tpu.memory_space<hbm>> -> memref<800x32xf32, #tpu.memory_space<hbm>>
      %dma_start3A_745 = arith.constant 0 : i32
      %dma_start3A_746 = arith.constant 0 : i32
      %dma_start3A_747 = tpu.memref_slice %arg6[%run_scoped3A, %dma_start3A_745, %dma_start3A_746] : memref<4x800x32xf32, #tpu.memory_space<vmem>> -> memref<1x800x32xf32, #tpu.memory_space<vmem>>
      %dma_start3A_748 = tpu.memref_squeeze %dma_start3A_747 : memref<1x800x32xf32, #tpu.memory_space<vmem>> -> memref<800x32xf32, #tpu.memory_space<vmem>>
      tpu.enqueue_dma source(%dma_start3A_748 : memref<800x32xf32, #tpu.memory_space<vmem>>) target(%dma_start3A_744 : memref<800x32xf32, #tpu.memory_space<hbm>>) target_semaphore(%run_scoped3A_736 : memref<!tpu.dma_semaphore, #tpu.memory_space<semaphore_mem>>)
      %dma_wait3A_749 = arith.constant 0 : i32
      %dma_wait3A_750 = arith.constant 0 : i32
      %dma_wait3A_751 = tpu.memref_slice %arg6[%run_scoped3A, %dma_wait3A_749, %dma_wait3A_750] : memref<4x800x32xf32, #tpu.memory_space<vmem>> -> memref<1x800x32xf32, #tpu.memory_space<vmem>>
      %dma_wait3A_752 = tpu.memref_squeeze %dma_wait3A_751 : memref<1x800x32xf32, #tpu.memory_space<vmem>> -> memref<800x32xf32, #tpu.memory_space<vmem>>
      %dma_wait3A_753 = arith.constant 0 : i32
      %dma_wait3A_754 = tpu.memref_slice %arg4[%add3A_52, %dma_wait3A_753] : memref<819200x32xf32, #tpu.memory_space<hbm>> -> memref<800x32xf32, #tpu.memory_space<hbm>>
      %dma_wait3A_755 = arith.constant 0 : i32
      %dma_wait3A_756 = tpu.memref_slice %arg4[%add3A_52, %dma_wait3A_755] : memref<819200x32xf32, #tpu.memory_space<hbm>> -> memref<800x32xf32, #tpu.memory_space<hbm>>
      %dma_wait3A_757 = arith.constant 0 : i32
      %dma_wait3A_758 = arith.constant 0 : i32
      %dma_wait3A_759 = tpu.memref_slice %arg6[%run_scoped3A, %dma_wait3A_757, %dma_wait3A_758] : memref<4x800x32xf32, #tpu.memory_space<vmem>> -> memref<1x800x32xf32, #tpu.memory_space<vmem>>
      %dma_wait3A_760 = tpu.memref_squeeze %dma_wait3A_759 : memref<1x800x32xf32, #tpu.memory_space<vmem>> -> memref<800x32xf32, #tpu.memory_space<vmem>>
      tpu.wait_dma2 semaphore(%run_scoped3A_736 : memref<!tpu.dma_semaphore, #tpu.memory_space<semaphore_mem>>) src(%dma_wait3A_760 : memref<800x32xf32, #tpu.memory_space<vmem>>) dst(%dma_wait3A_756 : memref<800x32xf32, #tpu.memory_space<hbm>>)
      tpu.yield
    }) : () -> ()
    %dma_start3A_53 = arith.constant 0 : i32
    %dma_start3A_54 = arith.constant 0 : i32
    %dma_start3A_55 = arith.constant 0 : i32
    %dma_start3A_56 = tpu.memref_slice %arg6[%dma_start3A_53, %dma_start3A_54, %dma_start3A_55] : memref<4x800x32xf32, #tpu.memory_space<vmem>> -> memref<1x800x32xf32, #tpu.memory_space<vmem>>
    %dma_start3A_57 = tpu.memref_squeeze %dma_start3A_56 : memref<1x800x32xf32, #tpu.memory_space<vmem>> -> memref<800x32xf32, #tpu.memory_space<vmem>>
    %dma_start3A_58 = arith.constant 3200 : i32
    %dma_start3A_59 = tpu.memref_slice %arg5[%dma_start3A_58] : memref<25600xi32, #tpu.memory_space<vmem>> -> memref<800xi32, #tpu.memory_space<vmem>>
    %dma_start3A_60 = arith.constant 0 : i32
    %dma_start3A_61 = arith.constant 0 : i32
    %dma_start3A_62 = tpu.memref_slice %arg3[%dma_start3A_60, %dma_start3A_61] : memref<1000000x32xf32, #tpu.memory_space<hbm>> -> memref<1000000x32xf32, #tpu.memory_space<hbm>>
    tpu.enqueue_indirect_dma source(%dma_start3A_62 : memref<1000000x32xf32, #tpu.memory_space<hbm>>) target(%dma_start3A_57 : memref<800x32xf32, #tpu.memory_space<vmem>>) offsets(%dma_start3A_59 : memref<800xi32, #tpu.memory_space<vmem>>) semaphore(%arg7 : memref<!tpu.dma_semaphore, #tpu.memory_space<semaphore_mem>>)
    %dma_wait3A_63 = arith.constant 1 : i32
    %dma_wait3A_64 = arith.constant 0 : i32
    %dma_wait3A_65 = arith.constant 0 : i32
    %dma_wait3A_66 = tpu.memref_slice %arg6[%dma_wait3A_63, %dma_wait3A_64, %dma_wait3A_65] : memref<4x800x32xf32, #tpu.memory_space<vmem>> -> memref<1x800x32xf32, #tpu.memory_space<vmem>>
    %dma_wait3A_67 = tpu.memref_squeeze %dma_wait3A_66 : memref<1x800x32xf32, #tpu.memory_space<vmem>> -> memref<800x32xf32, #tpu.memory_space<vmem>>
    %dma_wait3A_68 = arith.constant 800 : i32
    %dma_wait3A_69 = tpu.memref_slice %arg5[%dma_wait3A_68] : memref<25600xi32, #tpu.memory_space<vmem>> -> memref<800xi32, #tpu.memory_space<vmem>>
    %dma_wait3A_70 = arith.constant 0 : i32
    %dma_wait3A_71 = arith.constant 0 : i32
    %dma_wait3A_72 = tpu.memref_slice %arg3[%dma_wait3A_70, %dma_wait3A_71] : memref<1000000x32xf32, #tpu.memory_space<hbm>> -> memref<1000000x32xf32, #tpu.memory_space<hbm>>
    tpu.wait_indirect_dma semaphore(%arg8 : memref<!tpu.dma_semaphore, #tpu.memory_space<semaphore_mem>>) src(%dma_wait3A_72 : memref<1000000x32xf32, #tpu.memory_space<hbm>>) dst(%dma_wait3A_67 : memref<800x32xf32, #tpu.memory_space<vmem>>)
    %add3A_73 = arith.constant 800 : i32
    %add3A_74 = arith.addi %mul3A_2, %add3A_73 : i32
    %run_scoped3A_75 = arith.constant 1 : i32
    "tpu.region"() ({
      %run_scoped3A_736 = tpu.sem_alloc : memref<!tpu.dma_semaphore, #tpu.memory_space<semaphore_mem>>
      %dma_start3A_737 = arith.constant 0 : i32
      %dma_start3A_738 = arith.constant 0 : i32
      %dma_start3A_739 = tpu.memref_slice %arg6[%run_scoped3A_75, %dma_start3A_737, %dma_start3A_738] : memref<4x800x32xf32, #tpu.memory_space<vmem>> -> memref<1x800x32xf32, #tpu.memory_space<vmem>>
      %dma_start3A_740 = tpu.memref_squeeze %dma_start3A_739 : memref<1x800x32xf32, #tpu.memory_space<vmem>> -> memref<800x32xf32, #tpu.memory_space<vmem>>
      %dma_start3A_741 = arith.constant 0 : i32
      %dma_start3A_742 = tpu.memref_slice %arg4[%add3A_74, %dma_start3A_741] : memref<819200x32xf32, #tpu.memory_space<hbm>> -> memref<800x32xf32, #tpu.memory_space<hbm>>
      %dma_start3A_743 = arith.constant 0 : i32
      %dma_start3A_744 = tpu.memref_slice %arg4[%add3A_74, %dma_start3A_743] : memref<819200x32xf32, #tpu.memory_space<hbm>> -> memref<800x32xf32, #tpu.memory_space<hbm>>
      %dma_start3A_745 = arith.constant 0 : i32
      %dma_start3A_746 = arith.constant 0 : i32
      %dma_start3A_747 = tpu.memref_slice %arg6[%run_scoped3A_75, %dma_start3A_745, %dma_start3A_746] : memref<4x800x32xf32, #tpu.memory_space<vmem>> -> memref<1x800x32xf32, #tpu.memory_space<vmem>>
      %dma_start3A_748 = tpu.memref_squeeze %dma_start3A_747 : memref<1x800x32xf32, #tpu.memory_space<vmem>> -> memref<800x32xf32, #tpu.memory_space<vmem>>
      tpu.enqueue_dma source(%dma_start3A_748 : memref<800x32xf32, #tpu.memory_space<vmem>>) target(%dma_start3A_744 : memref<800x32xf32, #tpu.memory_space<hbm>>) target_semaphore(%run_scoped3A_736 : memref<!tpu.dma_semaphore, #tpu.memory_space<semaphore_mem>>)
      %dma_wait3A_749 = arith.constant 0 : i32
      %dma_wait3A_750 = arith.constant 0 : i32
      %dma_wait3A_751 = tpu.memref_slice %arg6[%run_scoped3A_75, %dma_wait3A_749, %dma_wait3A_750] : memref<4x800x32xf32, #tpu.memory_space<vmem>> -> memref<1x800x32xf32, #tpu.memory_space<vmem>>
      %dma_wait3A_752 = tpu.memref_squeeze %dma_wait3A_751 : memref<1x800x32xf32, #tpu.memory_space<vmem>> -> memref<800x32xf32, #tpu.memory_space<vmem>>
      %dma_wait3A_753 = arith.constant 0 : i32
      %dma_wait3A_754 = tpu.memref_slice %arg4[%add3A_74, %dma_wait3A_753] : memref<819200x32xf32, #tpu.memory_space<hbm>> -> memref<800x32xf32, #tpu.memory_space<hbm>>
      %dma_wait3A_755 = arith.constant 0 : i32
      %dma_wait3A_756 = tpu.memref_slice %arg4[%add3A_74, %dma_wait3A_755] : memref<819200x32xf32, #tpu.memory_space<hbm>> -> memref<800x32xf32, #tpu.memory_space<hbm>>
      %dma_wait3A_757 = arith.constant 0 : i32
      %dma_wait3A_758 = arith.constant 0 : i32
      %dma_wait3A_759 = tpu.memref_slice %arg6[%run_scoped3A_75, %dma_wait3A_757, %dma_wait3A_758] : memref<4x800x32xf32, #tpu.memory_space<vmem>> -> memref<1x800x32xf32, #tpu.memory_space<vmem>>
      %dma_wait3A_760 = tpu.memref_squeeze %dma_wait3A_759 : memref<1x800x32xf32, #tpu.memory_space<vmem>> -> memref<800x32xf32, #tpu.memory_space<vmem>>
      tpu.wait_dma2 semaphore(%run_scoped3A_736 : memref<!tpu.dma_semaphore, #tpu.memory_space<semaphore_mem>>) src(%dma_wait3A_760 : memref<800x32xf32, #tpu.memory_space<vmem>>) dst(%dma_wait3A_756 : memref<800x32xf32, #tpu.memory_space<hbm>>)
      tpu.yield
    }) : () -> ()
    %dma_start3A_76 = arith.constant 1 : i32
    %dma_start3A_77 = arith.constant 0 : i32
    %dma_start3A_78 = arith.constant 0 : i32
    %dma_start3A_79 = tpu.memref_slice %arg6[%dma_start3A_76, %dma_start3A_77, %dma_start3A_78] : memref<4x800x32xf32, #tpu.memory_space<vmem>> -> memref<1x800x32xf32, #tpu.memory_space<vmem>>
    %dma_start3A_80 = tpu.memref_squeeze %dma_start3A_79 : memref<1x800x32xf32, #tpu.memory_space<vmem>> -> memref<800x32xf32, #tpu.memory_space<vmem>>
    %dma_start3A_81 = arith.constant 4000 : i32
    %dma_start3A_82 = tpu.memref_slice %arg5[%dma_start3A_81] : memref<25600xi32, #tpu.memory_space<vmem>> -> memref<800xi32, #tpu.memory_space<vmem>>
    %dma_start3A_83 = arith.constant 0 : i32
    %dma_start3A_84 = arith.constant 0 : i32
    %dma_start3A_85 = tpu.memref_slice %arg3[%dma_start3A_83, %dma_start3A_84] : memref<1000000x32xf32, #tpu.memory_space<hbm>> -> memref<1000000x32xf32, #tpu.memory_space<hbm>>
    tpu.enqueue_indirect_dma source(%dma_start3A_85 : memref<1000000x32xf32, #tpu.memory_space<hbm>>) target(%dma_start3A_80 : memref<800x32xf32, #tpu.memory_space<vmem>>) offsets(%dma_start3A_82 : memref<800xi32, #tpu.memory_space<vmem>>) semaphore(%arg8 : memref<!tpu.dma_semaphore, #tpu.memory_space<semaphore_mem>>)
    %dma_wait3A_86 = arith.constant 2 : i32
    %dma_wait3A_87 = arith.constant 0 : i32
    %dma_wait3A_88 = arith.constant 0 : i32
    %dma_wait3A_89 = tpu.memref_slice %arg6[%dma_wait3A_86, %dma_wait3A_87, %dma_wait3A_88] : memref<4x800x32xf32, #tpu.memory_space<vmem>> -> memref<1x800x32xf32, #tpu.memory_space<vmem>>
    %dma_wait3A_90 = tpu.memref_squeeze %dma_wait3A_89 : memref<1x800x32xf32, #tpu.memory_space<vmem>> -> memref<800x32xf32, #tpu.memory_space<vmem>>
    %dma_wait3A_91 = arith.constant 1600 : i32
    %dma_wait3A_92 = tpu.memref_slice %arg5[%dma_wait3A_91] : memref<25600xi32, #tpu.memory_space<vmem>> -> memref<800xi32, #tpu.memory_space<vmem>>
    %dma_wait3A_93 = arith.constant 0 : i32
    %dma_wait3A_94 = arith.constant 0 : i32
    %dma_wait3A_95 = tpu.memref_slice %arg3[%dma_wait3A_93, %dma_wait3A_94] : memref<1000000x32xf32, #tpu.memory_space<hbm>> -> memref<1000000x32xf32, #tpu.memory_space<hbm>>
    tpu.wait_indirect_dma semaphore(%arg9 : memref<!tpu.dma_semaphore, #tpu.memory_space<semaphore_mem>>) src(%dma_wait3A_95 : memref<1000000x32xf32, #tpu.memory_space<hbm>>) dst(%dma_wait3A_90 : memref<800x32xf32, #tpu.memory_space<vmem>>)
    %add3A_96 = arith.constant 1600 : i32
    %add3A_97 = arith.addi %mul3A_2, %add3A_96 : i32
    %run_scoped3A_98 = arith.constant 2 : i32
    "tpu.region"() ({
      %run_scoped3A_736 = tpu.sem_alloc : memref<!tpu.dma_semaphore, #tpu.memory_space<semaphore_mem>>
      %dma_start3A_737 = arith.constant 0 : i32
      %dma_start3A_738 = arith.constant 0 : i32
      %dma_start3A_739 = tpu.memref_slice %arg6[%run_scoped3A_98, %dma_start3A_737, %dma_start3A_738] : memref<4x800x32xf32, #tpu.memory_space<vmem>> -> memref<1x800x32xf32, #tpu.memory_space<vmem>>
      %dma_start3A_740 = tpu.memref_squeeze %dma_start3A_739 : memref<1x800x32xf32, #tpu.memory_space<vmem>> -> memref<800x32xf32, #tpu.memory_space<vmem>>
      %dma_start3A_741 = arith.constant 0 : i32
      %dma_start3A_742 = tpu.memref_slice %arg4[%add3A_97, %dma_start3A_741] : memref<819200x32xf32, #tpu.memory_space<hbm>> -> memref<800x32xf32, #tpu.memory_space<hbm>>
      %dma_start3A_743 = arith.constant 0 : i32
      %dma_start3A_744 = tpu.memref_slice %arg4[%add3A_97, %dma_start3A_743] : memref<819200x32xf32, #tpu.memory_space<hbm>> -> memref<800x32xf32, #tpu.memory_space<hbm>>
      %dma_start3A_745 = arith.constant 0 : i32
      %dma_start3A_746 = arith.constant 0 : i32
      %dma_start3A_747 = tpu.memref_slice %arg6[%run_scoped3A_98, %dma_start3A_745, %dma_start3A_746] : memref<4x800x32xf32, #tpu.memory_space<vmem>> -> memref<1x800x32xf32, #tpu.memory_space<vmem>>
      %dma_start3A_748 = tpu.memref_squeeze %dma_start3A_747 : memref<1x800x32xf32, #tpu.memory_space<vmem>> -> memref<800x32xf32, #tpu.memory_space<vmem>>
      tpu.enqueue_dma source(%dma_start3A_748 : memref<800x32xf32, #tpu.memory_space<vmem>>) target(%dma_start3A_744 : memref<800x32xf32, #tpu.memory_space<hbm>>) target_semaphore(%run_scoped3A_736 : memref<!tpu.dma_semaphore, #tpu.memory_space<semaphore_mem>>)
      %dma_wait3A_749 = arith.constant 0 : i32
      %dma_wait3A_750 = arith.constant 0 : i32
      %dma_wait3A_751 = tpu.memref_slice %arg6[%run_scoped3A_98, %dma_wait3A_749, %dma_wait3A_750] : memref<4x800x32xf32, #tpu.memory_space<vmem>> -> memref<1x800x32xf32, #tpu.memory_space<vmem>>
      %dma_wait3A_752 = tpu.memref_squeeze %dma_wait3A_751 : memref<1x800x32xf32, #tpu.memory_space<vmem>> -> memref<800x32xf32, #tpu.memory_space<vmem>>
      %dma_wait3A_753 = arith.constant 0 : i32
      %dma_wait3A_754 = tpu.memref_slice %arg4[%add3A_97, %dma_wait3A_753] : memref<819200x32xf32, #tpu.memory_space<hbm>> -> memref<800x32xf32, #tpu.memory_space<hbm>>
      %dma_wait3A_755 = arith.constant 0 : i32
      %dma_wait3A_756 = tpu.memref_slice %arg4[%add3A_97, %dma_wait3A_755] : memref<819200x32xf32, #tpu.memory_space<hbm>> -> memref<800x32xf32, #tpu.memory_space<hbm>>
      %dma_wait3A_757 = arith.constant 0 : i32
      %dma_wait3A_758 = arith.constant 0 : i32
      %dma_wait3A_759 = tpu.memref_slice %arg6[%run_scoped3A_98, %dma_wait3A_757, %dma_wait3A_758] : memref<4x800x32xf32, #tpu.memory_space<vmem>> -> memref<1x800x32xf32, #tpu.memory_space<vmem>>
      %dma_wait3A_760 = tpu.memref_squeeze %dma_wait3A_759 : memref<1x800x32xf32, #tpu.memory_space<vmem>> -> memref<800x32xf32, #tpu.memory_space<vmem>>
      tpu.wait_dma2 semaphore(%run_scoped3A_736 : memref<!tpu.dma_semaphore, #tpu.memory_space<semaphore_mem>>) src(%dma_wait3A_760 : memref<800x32xf32, #tpu.memory_space<vmem>>) dst(%dma_wait3A_756 : memref<800x32xf32, #tpu.memory_space<hbm>>)
      tpu.yield
    }) : () -> ()
    %dma_start3A_99 = arith.constant 2 : i32
    %dma_start3A_100 = arith.constant 0 : i32
    %dma_start3A_101 = arith.constant 0 : i32
    %dma_start3A_102 = tpu.memref_slice %arg6[%dma_start3A_99, %dma_start3A_100, %dma_start3A_101] : memref<4x800x32xf32, #tpu.memory_space<vmem>> -> memref<1x800x32xf32, #tpu.memory_space<vmem>>
    %dma_start3A_103 = tpu.memref_squeeze %dma_start3A_102 : memref<1x800x32xf32, #tpu.memory_space<vmem>> -> memref<800x32xf32, #tpu.memory_space<vmem>>
    %dma_start3A_104 = arith.constant 4800 : i32
    %dma_start3A_105 = tpu.memref_slice %arg5[%dma_start3A_104] : memref<25600xi32, #tpu.memory_space<vmem>> -> memref<800xi32, #tpu.memory_space<vmem>>
    %dma_start3A_106 = arith.constant 0 : i32
    %dma_start3A_107 = arith.constant 0 : i32
    %dma_start3A_108 = tpu.memref_slice %arg3[%dma_start3A_106, %dma_start3A_107] : memref<1000000x32xf32, #tpu.memory_space<hbm>> -> memref<1000000x32xf32, #tpu.memory_space<hbm>>
    tpu.enqueue_indirect_dma source(%dma_start3A_108 : memref<1000000x32xf32, #tpu.memory_space<hbm>>) target(%dma_start3A_103 : memref<800x32xf32, #tpu.memory_space<vmem>>) offsets(%dma_start3A_105 : memref<800xi32, #tpu.memory_space<vmem>>) semaphore(%arg9 : memref<!tpu.dma_semaphore, #tpu.memory_space<semaphore_mem>>)
    %dma_wait3A_109 = arith.constant 3 : i32
    %dma_wait3A_110 = arith.constant 0 : i32
    %dma_wait3A_111 = arith.constant 0 : i32
    %dma_wait3A_112 = tpu.memref_slice %arg6[%dma_wait3A_109, %dma_wait3A_110, %dma_wait3A_111] : memref<4x800x32xf32, #tpu.memory_space<vmem>> -> memref<1x800x32xf32, #tpu.memory_space<vmem>>
    %dma_wait3A_113 = tpu.memref_squeeze %dma_wait3A_112 : memref<1x800x32xf32, #tpu.memory_space<vmem>> -> memref<800x32xf32, #tpu.memory_space<vmem>>
    %dma_wait3A_114 = arith.constant 2400 : i32
    %dma_wait3A_115 = tpu.memref_slice %arg5[%dma_wait3A_114] : memref<25600xi32, #tpu.memory_space<vmem>> -> memref<800xi32, #tpu.memory_space<vmem>>
    %dma_wait3A_116 = arith.constant 0 : i32
    %dma_wait3A_117 = arith.constant 0 : i32
    %dma_wait3A_118 = tpu.memref_slice %arg3[%dma_wait3A_116, %dma_wait3A_117] : memref<1000000x32xf32, #tpu.memory_space<hbm>> -> memref<1000000x32xf32, #tpu.memory_space<hbm>>
    tpu.wait_indirect_dma semaphore(%arg10 : memref<!tpu.dma_semaphore, #tpu.memory_space<semaphore_mem>>) src(%dma_wait3A_118 : memref<1000000x32xf32, #tpu.memory_space<hbm>>) dst(%dma_wait3A_113 : memref<800x32xf32, #tpu.memory_space<vmem>>)
    %add3A_119 = arith.constant 2400 : i32
    %add3A_120 = arith.addi %mul3A_2, %add3A_119 : i32
    %run_scoped3A_121 = arith.constant 3 : i32
    "tpu.region"() ({
      %run_scoped3A_736 = tpu.sem_alloc : memref<!tpu.dma_semaphore, #tpu.memory_space<semaphore_mem>>
      %dma_start3A_737 = arith.constant 0 : i32
      %dma_start3A_738 = arith.constant 0 : i32
      %dma_start3A_739 = tpu.memref_slice %arg6[%run_scoped3A_121, %dma_start3A_737, %dma_start3A_738] : memref<4x800x32xf32, #tpu.memory_space<vmem>> -> memref<1x800x32xf32, #tpu.memory_space<vmem>>
      %dma_start3A_740 = tpu.memref_squeeze %dma_start3A_739 : memref<1x800x32xf32, #tpu.memory_space<vmem>> -> memref<800x32xf32, #tpu.memory_space<vmem>>
      %dma_start3A_741 = arith.constant 0 : i32
      %dma_start3A_742 = tpu.memref_slice %arg4[%add3A_120, %dma_start3A_741] : memref<819200x32xf32, #tpu.memory_space<hbm>> -> memref<800x32xf32, #tpu.memory_space<hbm>>
      %dma_start3A_743 = arith.constant 0 : i32
      %dma_start3A_744 = tpu.memref_slice %arg4[%add3A_120, %dma_start3A_743] : memref<819200x32xf32, #tpu.memory_space<hbm>> -> memref<800x32xf32, #tpu.memory_space<hbm>>
      %dma_start3A_745 = arith.constant 0 : i32
      %dma_start3A_746 = arith.constant 0 : i32
      %dma_start3A_747 = tpu.memref_slice %arg6[%run_scoped3A_121, %dma_start3A_745, %dma_start3A_746] : memref<4x800x32xf32, #tpu.memory_space<vmem>> -> memref<1x800x32xf32, #tpu.memory_space<vmem>>
      %dma_start3A_748 = tpu.memref_squeeze %dma_start3A_747 : memref<1x800x32xf32, #tpu.memory_space<vmem>> -> memref<800x32xf32, #tpu.memory_space<vmem>>
      tpu.enqueue_dma source(%dma_start3A_748 : memref<800x32xf32, #tpu.memory_space<vmem>>) target(%dma_start3A_744 : memref<800x32xf32, #tpu.memory_space<hbm>>) target_semaphore(%run_scoped3A_736 : memref<!tpu.dma_semaphore, #tpu.memory_space<semaphore_mem>>)
      %dma_wait3A_749 = arith.constant 0 : i32
      %dma_wait3A_750 = arith.constant 0 : i32
      %dma_wait3A_751 = tpu.memref_slice %arg6[%run_scoped3A_121, %dma_wait3A_749, %dma_wait3A_750] : memref<4x800x32xf32, #tpu.memory_space<vmem>> -> memref<1x800x32xf32, #tpu.memory_space<vmem>>
      %dma_wait3A_752 = tpu.memref_squeeze %dma_wait3A_751 : memref<1x800x32xf32, #tpu.memory_space<vmem>> -> memref<800x32xf32, #tpu.memory_space<vmem>>
      %dma_wait3A_753 = arith.constant 0 : i32
      %dma_wait3A_754 = tpu.memref_slice %arg4[%add3A_120, %dma_wait3A_753] : memref<819200x32xf32, #tpu.memory_space<hbm>> -> memref<800x32xf32, #tpu.memory_space<hbm>>
      %dma_wait3A_755 = arith.constant 0 : i32
      %dma_wait3A_756 = tpu.memref_slice %arg4[%add3A_120, %dma_wait3A_755] : memref<819200x32xf32, #tpu.memory_space<hbm>> -> memref<800x32xf32, #tpu.memory_space<hbm>>
      %dma_wait3A_757 = arith.constant 0 : i32
      %dma_wait3A_758 = arith.constant 0 : i32
      %dma_wait3A_759 = tpu.memref_slice %arg6[%run_scoped3A_121, %dma_wait3A_757, %dma_wait3A_758] : memref<4x800x32xf32, #tpu.memory_space<vmem>> -> memref<1x800x32xf32, #tpu.memory_space<vmem>>
      %dma_wait3A_760 = tpu.memref_squeeze %dma_wait3A_759 : memref<1x800x32xf32, #tpu.memory_space<vmem>> -> memref<800x32xf32, #tpu.memory_space<vmem>>
      tpu.wait_dma2 semaphore(%run_scoped3A_736 : memref<!tpu.dma_semaphore, #tpu.memory_space<semaphore_mem>>) src(%dma_wait3A_760 : memref<800x32xf32, #tpu.memory_space<vmem>>) dst(%dma_wait3A_756 : memref<800x32xf32, #tpu.memory_space<hbm>>)
      tpu.yield
    }) : () -> ()
    %dma_start3A_122 = arith.constant 3 : i32
    %dma_start3A_123 = arith.constant 0 : i32
    %dma_start3A_124 = arith.constant 0 : i32
    %dma_start3A_125 = tpu.memref_slice %arg6[%dma_start3A_122, %dma_start3A_123, %dma_start3A_124] : memref<4x800x32xf32, #tpu.memory_space<vmem>> -> memref<1x800x32xf32, #tpu.memory_space<vmem>>
    %dma_start3A_126 = tpu.memref_squeeze %dma_start3A_125 : memref<1x800x32xf32, #tpu.memory_space<vmem>> -> memref<800x32xf32, #tpu.memory_space<vmem>>
    %dma_start3A_127 = arith.constant 5600 : i32
    %dma_start3A_128 = tpu.memref_slice %arg5[%dma_start3A_127] : memref<25600xi32, #tpu.memory_space<vmem>> -> memref<800xi32, #tpu.memory_space<vmem>>
    %dma_start3A_129 = arith.constant 0 : i32
    %dma_start3A_130 = arith.constant 0 : i32
    %dma_start3A_131 = tpu.memref_slice %arg3[%dma_start3A_129, %dma_start3A_130] : memref<1000000x32xf32, #tpu.memory_space<hbm>> -> memref<1000000x32xf32, #tpu.memory_space<hbm>>
    tpu.enqueue_indirect_dma source(%dma_start3A_131 : memref<1000000x32xf32, #tpu.memory_space<hbm>>) target(%dma_start3A_126 : memref<800x32xf32, #tpu.memory_space<vmem>>) offsets(%dma_start3A_128 : memref<800xi32, #tpu.memory_space<vmem>>) semaphore(%arg10 : memref<!tpu.dma_semaphore, #tpu.memory_space<semaphore_mem>>)
    %dma_wait3A_132 = arith.constant 0 : i32
    %dma_wait3A_133 = arith.constant 0 : i32
    %dma_wait3A_134 = arith.constant 0 : i32
    %dma_wait3A_135 = tpu.memref_slice %arg6[%dma_wait3A_132, %dma_wait3A_133, %dma_wait3A_134] : memref<4x800x32xf32, #tpu.memory_space<vmem>> -> memref<1x800x32xf32, #tpu.memory_space<vmem>>
    %dma_wait3A_136 = tpu.memref_squeeze %dma_wait3A_135 : memref<1x800x32xf32, #tpu.memory_space<vmem>> -> memref<800x32xf32, #tpu.memory_space<vmem>>
    %dma_wait3A_137 = arith.constant 3200 : i32
    %dma_wait3A_138 = tpu.memref_slice %arg5[%dma_wait3A_137] : memref<25600xi32, #tpu.memory_space<vmem>> -> memref<800xi32, #tpu.memory_space<vmem>>
    %dma_wait3A_139 = arith.constant 0 : i32
    %dma_wait3A_140 = arith.constant 0 : i32
    %dma_wait3A_141 = tpu.memref_slice %arg3[%dma_wait3A_139, %dma_wait3A_140] : memref<1000000x32xf32, #tpu.memory_space<hbm>> -> memref<1000000x32xf32, #tpu.memory_space<hbm>>
    tpu.wait_indirect_dma semaphore(%arg7 : memref<!tpu.dma_semaphore, #tpu.memory_space<semaphore_mem>>) src(%dma_wait3A_141 : memref<1000000x32xf32, #tpu.memory_space<hbm>>) dst(%dma_wait3A_136 : memref<800x32xf32, #tpu.memory_space<vmem>>)
    %add3A_142 = arith.constant 3200 : i32
    %add3A_143 = arith.addi %mul3A_2, %add3A_142 : i32
    %run_scoped3A_144 = arith.constant 0 : i32
    "tpu.region"() ({
      %run_scoped3A_736 = tpu.sem_alloc : memref<!tpu.dma_semaphore, #tpu.memory_space<semaphore_mem>>
      %dma_start3A_737 = arith.constant 0 : i32
      %dma_start3A_738 = arith.constant 0 : i32
      %dma_start3A_739 = tpu.memref_slice %arg6[%run_scoped3A_144, %dma_start3A_737, %dma_start3A_738] : memref<4x800x32xf32, #tpu.memory_space<vmem>> -> memref<1x800x32xf32, #tpu.memory_space<vmem>>
      %dma_start3A_740 = tpu.memref_squeeze %dma_start3A_739 : memref<1x800x32xf32, #tpu.memory_space<vmem>> -> memref<800x32xf32, #tpu.memory_space<vmem>>
      %dma_start3A_741 = arith.constant 0 : i32
      %dma_start3A_742 = tpu.memref_slice %arg4[%add3A_143, %dma_start3A_741] : memref<819200x32xf32, #tpu.memory_space<hbm>> -> memref<800x32xf32, #tpu.memory_space<hbm>>
      %dma_start3A_743 = arith.constant 0 : i32
      %dma_start3A_744 = tpu.memref_slice %arg4[%add3A_143, %dma_start3A_743] : memref<819200x32xf32, #tpu.memory_space<hbm>> -> memref<800x32xf32, #tpu.memory_space<hbm>>
      %dma_start3A_745 = arith.constant 0 : i32
      %dma_start3A_746 = arith.constant 0 : i32
      %dma_start3A_747 = tpu.memref_slice %arg6[%run_scoped3A_144, %dma_start3A_745, %dma_start3A_746] : memref<4x800x32xf32, #tpu.memory_space<vmem>> -> memref<1x800x32xf32, #tpu.memory_space<vmem>>
      %dma_start3A_748 = tpu.memref_squeeze %dma_start3A_747 : memref<1x800x32xf32, #tpu.memory_space<vmem>> -> memref<800x32xf32, #tpu.memory_space<vmem>>
      tpu.enqueue_dma source(%dma_start3A_748 : memref<800x32xf32, #tpu.memory_space<vmem>>) target(%dma_start3A_744 : memref<800x32xf32, #tpu.memory_space<hbm>>) target_semaphore(%run_scoped3A_736 : memref<!tpu.dma_semaphore, #tpu.memory_space<semaphore_mem>>)
      %dma_wait3A_749 = arith.constant 0 : i32
      %dma_wait3A_750 = arith.constant 0 : i32
      %dma_wait3A_751 = tpu.memref_slice %arg6[%run_scoped3A_144, %dma_wait3A_749, %dma_wait3A_750] : memref<4x800x32xf32, #tpu.memory_space<vmem>> -> memref<1x800x32xf32, #tpu.memory_space<vmem>>
      %dma_wait3A_752 = tpu.memref_squeeze %dma_wait3A_751 : memref<1x800x32xf32, #tpu.memory_space<vmem>> -> memref<800x32xf32, #tpu.memory_space<vmem>>
      %dma_wait3A_753 = arith.constant 0 : i32
      %dma_wait3A_754 = tpu.memref_slice %arg4[%add3A_143, %dma_wait3A_753] : memref<819200x32xf32, #tpu.memory_space<hbm>> -> memref<800x32xf32, #tpu.memory_space<hbm>>
      %dma_wait3A_755 = arith.constant 0 : i32
      %dma_wait3A_756 = tpu.memref_slice %arg4[%add3A_143, %dma_wait3A_755] : memref<819200x32xf32, #tpu.memory_space<hbm>> -> memref<800x32xf32, #tpu.memory_space<hbm>>
      %dma_wait3A_757 = arith.constant 0 : i32
      %dma_wait3A_758 = arith.constant 0 : i32
      %dma_wait3A_759 = tpu.memref_slice %arg6[%run_scoped3A_144, %dma_wait3A_757, %dma_wait3A_758] : memref<4x800x32xf32, #tpu.memory_space<vmem>> -> memref<1x800x32xf32, #tpu.memory_space<vmem>>
      %dma_wait3A_760 = tpu.memref_squeeze %dma_wait3A_759 : memref<1x800x32xf32, #tpu.memory_space<vmem>> -> memref<800x32xf32, #tpu.memory_space<vmem>>
      tpu.wait_dma2 semaphore(%run_scoped3A_736 : memref<!tpu.dma_semaphore, #tpu.memory_space<semaphore_mem>>) src(%dma_wait3A_760 : memref<800x32xf32, #tpu.memory_space<vmem>>) dst(%dma_wait3A_756 : memref<800x32xf32, #tpu.memory_space<hbm>>)
      tpu.yield
    }) : () -> ()
    %dma_start3A_145 = arith.constant 0 : i32
    %dma_start3A_146 = arith.constant 0 : i32
    %dma_start3A_147 = arith.constant 0 : i32
    %dma_start3A_148 = tpu.memref_slice %arg6[%dma_start3A_145, %dma_start3A_146, %dma_start3A_147] : memref<4x800x32xf32, #tpu.memory_space<vmem>> -> memref<1x800x32xf32, #tpu.memory_space<vmem>>
    %dma_start3A_149 = tpu.memref_squeeze %dma_start3A_148 : memref<1x800x32xf32, #tpu.memory_space<vmem>> -> memref<800x32xf32, #tpu.memory_space<vmem>>
    %dma_start3A_150 = arith.constant 6400 : i32
    %dma_start3A_151 = tpu.memref_slice %arg5[%dma_start3A_150] : memref<25600xi32, #tpu.memory_space<vmem>> -> memref<800xi32, #tpu.memory_space<vmem>>
    %dma_start3A_152 = arith.constant 0 : i32
    %dma_start3A_153 = arith.constant 0 : i32
    %dma_start3A_154 = tpu.memref_slice %arg3[%dma_start3A_152, %dma_start3A_153] : memref<1000000x32xf32, #tpu.memory_space<hbm>> -> memref<1000000x32xf32, #tpu.memory_space<hbm>>
    tpu.enqueue_indirect_dma source(%dma_start3A_154 : memref<1000000x32xf32, #tpu.memory_space<hbm>>) target(%dma_start3A_149 : memref<800x32xf32, #tpu.memory_space<vmem>>) offsets(%dma_start3A_151 : memref<800xi32, #tpu.memory_space<vmem>>) semaphore(%arg7 : memref<!tpu.dma_semaphore, #tpu.memory_space<semaphore_mem>>)
    %dma_wait3A_155 = arith.constant 1 : i32
    %dma_wait3A_156 = arith.constant 0 : i32
    %dma_wait3A_157 = arith.constant 0 : i32
    %dma_wait3A_158 = tpu.memref_slice %arg6[%dma_wait3A_155, %dma_wait3A_156, %dma_wait3A_157] : memref<4x800x32xf32, #tpu.memory_space<vmem>> -> memref<1x800x32xf32, #tpu.memory_space<vmem>>
    %dma_wait3A_159 = tpu.memref_squeeze %dma_wait3A_158 : memref<1x800x32xf32, #tpu.memory_space<vmem>> -> memref<800x32xf32, #tpu.memory_space<vmem>>
    %dma_wait3A_160 = arith.constant 4000 : i32
    %dma_wait3A_161 = tpu.memref_slice %arg5[%dma_wait3A_160] : memref<25600xi32, #tpu.memory_space<vmem>> -> memref<800xi32, #tpu.memory_space<vmem>>
    %dma_wait3A_162 = arith.constant 0 : i32
    %dma_wait3A_163 = arith.constant 0 : i32
    %dma_wait3A_164 = tpu.memref_slice %arg3[%dma_wait3A_162, %dma_wait3A_163] : memref<1000000x32xf32, #tpu.memory_space<hbm>> -> memref<1000000x32xf32, #tpu.memory_space<hbm>>
    tpu.wait_indirect_dma semaphore(%arg8 : memref<!tpu.dma_semaphore, #tpu.memory_space<semaphore_mem>>) src(%dma_wait3A_164 : memref<1000000x32xf32, #tpu.memory_space<hbm>>) dst(%dma_wait3A_159 : memref<800x32xf32, #tpu.memory_space<vmem>>)
    %add3A_165 = arith.constant 4000 : i32
    %add3A_166 = arith.addi %mul3A_2, %add3A_165 : i32
    %run_scoped3A_167 = arith.constant 1 : i32
    "tpu.region"() ({
      %run_scoped3A_736 = tpu.sem_alloc : memref<!tpu.dma_semaphore, #tpu.memory_space<semaphore_mem>>
      %dma_start3A_737 = arith.constant 0 : i32
      %dma_start3A_738 = arith.constant 0 : i32
      %dma_start3A_739 = tpu.memref_slice %arg6[%run_scoped3A_167, %dma_start3A_737, %dma_start3A_738] : memref<4x800x32xf32, #tpu.memory_space<vmem>> -> memref<1x800x32xf32, #tpu.memory_space<vmem>>
      %dma_start3A_740 = tpu.memref_squeeze %dma_start3A_739 : memref<1x800x32xf32, #tpu.memory_space<vmem>> -> memref<800x32xf32, #tpu.memory_space<vmem>>
      %dma_start3A_741 = arith.constant 0 : i32
      %dma_start3A_742 = tpu.memref_slice %arg4[%add3A_166, %dma_start3A_741] : memref<819200x32xf32, #tpu.memory_space<hbm>> -> memref<800x32xf32, #tpu.memory_space<hbm>>
      %dma_start3A_743 = arith.constant 0 : i32
      %dma_start3A_744 = tpu.memref_slice %arg4[%add3A_166, %dma_start3A_743] : memref<819200x32xf32, #tpu.memory_space<hbm>> -> memref<800x32xf32, #tpu.memory_space<hbm>>
      %dma_start3A_745 = arith.constant 0 : i32
      %dma_start3A_746 = arith.constant 0 : i32
      %dma_start3A_747 = tpu.memref_slice %arg6[%run_scoped3A_167, %dma_start3A_745, %dma_start3A_746] : memref<4x800x32xf32, #tpu.memory_space<vmem>> -> memref<1x800x32xf32, #tpu.memory_space<vmem>>
      %dma_start3A_748 = tpu.memref_squeeze %dma_start3A_747 : memref<1x800x32xf32, #tpu.memory_space<vmem>> -> memref<800x32xf32, #tpu.memory_space<vmem>>
      tpu.enqueue_dma source(%dma_start3A_748 : memref<800x32xf32, #tpu.memory_space<vmem>>) target(%dma_start3A_744 : memref<800x32xf32, #tpu.memory_space<hbm>>) target_semaphore(%run_scoped3A_736 : memref<!tpu.dma_semaphore, #tpu.memory_space<semaphore_mem>>)
      %dma_wait3A_749 = arith.constant 0 : i32
      %dma_wait3A_750 = arith.constant 0 : i32
      %dma_wait3A_751 = tpu.memref_slice %arg6[%run_scoped3A_167, %dma_wait3A_749, %dma_wait3A_750] : memref<4x800x32xf32, #tpu.memory_space<vmem>> -> memref<1x800x32xf32, #tpu.memory_space<vmem>>
      %dma_wait3A_752 = tpu.memref_squeeze %dma_wait3A_751 : memref<1x800x32xf32, #tpu.memory_space<vmem>> -> memref<800x32xf32, #tpu.memory_space<vmem>>
      %dma_wait3A_753 = arith.constant 0 : i32
      %dma_wait3A_754 = tpu.memref_slice %arg4[%add3A_166, %dma_wait3A_753] : memref<819200x32xf32, #tpu.memory_space<hbm>> -> memref<800x32xf32, #tpu.memory_space<hbm>>
      %dma_wait3A_755 = arith.constant 0 : i32
      %dma_wait3A_756 = tpu.memref_slice %arg4[%add3A_166, %dma_wait3A_755] : memref<819200x32xf32, #tpu.memory_space<hbm>> -> memref<800x32xf32, #tpu.memory_space<hbm>>
      %dma_wait3A_757 = arith.constant 0 : i32
      %dma_wait3A_758 = arith.constant 0 : i32
      %dma_wait3A_759 = tpu.memref_slice %arg6[%run_scoped3A_167, %dma_wait3A_757, %dma_wait3A_758] : memref<4x800x32xf32, #tpu.memory_space<vmem>> -> memref<1x800x32xf32, #tpu.memory_space<vmem>>
      %dma_wait3A_760 = tpu.memref_squeeze %dma_wait3A_759 : memref<1x800x32xf32, #tpu.memory_space<vmem>> -> memref<800x32xf32, #tpu.memory_space<vmem>>
      tpu.wait_dma2 semaphore(%run_scoped3A_736 : memref<!tpu.dma_semaphore, #tpu.memory_space<semaphore_mem>>) src(%dma_wait3A_760 : memref<800x32xf32, #tpu.memory_space<vmem>>) dst(%dma_wait3A_756 : memref<800x32xf32, #tpu.memory_space<hbm>>)
      tpu.yield
    }) : () -> ()
    %dma_start3A_168 = arith.constant 1 : i32
    %dma_start3A_169 = arith.constant 0 : i32
    %dma_start3A_170 = arith.constant 0 : i32
    %dma_start3A_171 = tpu.memref_slice %arg6[%dma_start3A_168, %dma_start3A_169, %dma_start3A_170] : memref<4x800x32xf32, #tpu.memory_space<vmem>> -> memref<1x800x32xf32, #tpu.memory_space<vmem>>
    %dma_start3A_172 = tpu.memref_squeeze %dma_start3A_171 : memref<1x800x32xf32, #tpu.memory_space<vmem>> -> memref<800x32xf32, #tpu.memory_space<vmem>>
    %dma_start3A_173 = arith.constant 7200 : i32
    %dma_start3A_174 = tpu.memref_slice %arg5[%dma_start3A_173] : memref<25600xi32, #tpu.memory_space<vmem>> -> memref<800xi32, #tpu.memory_space<vmem>>
    %dma_start3A_175 = arith.constant 0 : i32
    %dma_start3A_176 = arith.constant 0 : i32
    %dma_start3A_177 = tpu.memref_slice %arg3[%dma_start3A_175, %dma_start3A_176] : memref<1000000x32xf32, #tpu.memory_space<hbm>> -> memref<1000000x32xf32, #tpu.memory_space<hbm>>
    tpu.enqueue_indirect_dma source(%dma_start3A_177 : memref<1000000x32xf32, #tpu.memory_space<hbm>>) target(%dma_start3A_172 : memref<800x32xf32, #tpu.memory_space<vmem>>) offsets(%dma_start3A_174 : memref<800xi32, #tpu.memory_space<vmem>>) semaphore(%arg8 : memref<!tpu.dma_semaphore, #tpu.memory_space<semaphore_mem>>)
    %dma_wait3A_178 = arith.constant 2 : i32
    %dma_wait3A_179 = arith.constant 0 : i32
    %dma_wait3A_180 = arith.constant 0 : i32
    %dma_wait3A_181 = tpu.memref_slice %arg6[%dma_wait3A_178, %dma_wait3A_179, %dma_wait3A_180] : memref<4x800x32xf32, #tpu.memory_space<vmem>> -> memref<1x800x32xf32, #tpu.memory_space<vmem>>
    %dma_wait3A_182 = tpu.memref_squeeze %dma_wait3A_181 : memref<1x800x32xf32, #tpu.memory_space<vmem>> -> memref<800x32xf32, #tpu.memory_space<vmem>>
    %dma_wait3A_183 = arith.constant 4800 : i32
    %dma_wait3A_184 = tpu.memref_slice %arg5[%dma_wait3A_183] : memref<25600xi32, #tpu.memory_space<vmem>> -> memref<800xi32, #tpu.memory_space<vmem>>
    %dma_wait3A_185 = arith.constant 0 : i32
    %dma_wait3A_186 = arith.constant 0 : i32
    %dma_wait3A_187 = tpu.memref_slice %arg3[%dma_wait3A_185, %dma_wait3A_186] : memref<1000000x32xf32, #tpu.memory_space<hbm>> -> memref<1000000x32xf32, #tpu.memory_space<hbm>>
    tpu.wait_indirect_dma semaphore(%arg9 : memref<!tpu.dma_semaphore, #tpu.memory_space<semaphore_mem>>) src(%dma_wait3A_187 : memref<1000000x32xf32, #tpu.memory_space<hbm>>) dst(%dma_wait3A_182 : memref<800x32xf32, #tpu.memory_space<vmem>>)
    %add3A_188 = arith.constant 4800 : i32
    %add3A_189 = arith.addi %mul3A_2, %add3A_188 : i32
    %run_scoped3A_190 = arith.constant 2 : i32
    "tpu.region"() ({
      %run_scoped3A_736 = tpu.sem_alloc : memref<!tpu.dma_semaphore, #tpu.memory_space<semaphore_mem>>
      %dma_start3A_737 = arith.constant 0 : i32
      %dma_start3A_738 = arith.constant 0 : i32
      %dma_start3A_739 = tpu.memref_slice %arg6[%run_scoped3A_190, %dma_start3A_737, %dma_start3A_738] : memref<4x800x32xf32, #tpu.memory_space<vmem>> -> memref<1x800x32xf32, #tpu.memory_space<vmem>>
      %dma_start3A_740 = tpu.memref_squeeze %dma_start3A_739 : memref<1x800x32xf32, #tpu.memory_space<vmem>> -> memref<800x32xf32, #tpu.memory_space<vmem>>
      %dma_start3A_741 = arith.constant 0 : i32
      %dma_start3A_742 = tpu.memref_slice %arg4[%add3A_189, %dma_start3A_741] : memref<819200x32xf32, #tpu.memory_space<hbm>> -> memref<800x32xf32, #tpu.memory_space<hbm>>
      %dma_start3A_743 = arith.constant 0 : i32
      %dma_start3A_744 = tpu.memref_slice %arg4[%add3A_189, %dma_start3A_743] : memref<819200x32xf32, #tpu.memory_space<hbm>> -> memref<800x32xf32, #tpu.memory_space<hbm>>
      %dma_start3A_745 = arith.constant 0 : i32
      %dma_start3A_746 = arith.constant 0 : i32
      %dma_start3A_747 = tpu.memref_slice %arg6[%run_scoped3A_190, %dma_start3A_745, %dma_start3A_746] : memref<4x800x32xf32, #tpu.memory_space<vmem>> -> memref<1x800x32xf32, #tpu.memory_space<vmem>>
      %dma_start3A_748 = tpu.memref_squeeze %dma_start3A_747 : memref<1x800x32xf32, #tpu.memory_space<vmem>> -> memref<800x32xf32, #tpu.memory_space<vmem>>
      tpu.enqueue_dma source(%dma_start3A_748 : memref<800x32xf32, #tpu.memory_space<vmem>>) target(%dma_start3A_744 : memref<800x32xf32, #tpu.memory_space<hbm>>) target_semaphore(%run_scoped3A_736 : memref<!tpu.dma_semaphore, #tpu.memory_space<semaphore_mem>>)
      %dma_wait3A_749 = arith.constant 0 : i32
      %dma_wait3A_750 = arith.constant 0 : i32
      %dma_wait3A_751 = tpu.memref_slice %arg6[%run_scoped3A_190, %dma_wait3A_749, %dma_wait3A_750] : memref<4x800x32xf32, #tpu.memory_space<vmem>> -> memref<1x800x32xf32, #tpu.memory_space<vmem>>
      %dma_wait3A_752 = tpu.memref_squeeze %dma_wait3A_751 : memref<1x800x32xf32, #tpu.memory_space<vmem>> -> memref<800x32xf32, #tpu.memory_space<vmem>>
      %dma_wait3A_753 = arith.constant 0 : i32
      %dma_wait3A_754 = tpu.memref_slice %arg4[%add3A_189, %dma_wait3A_753] : memref<819200x32xf32, #tpu.memory_space<hbm>> -> memref<800x32xf32, #tpu.memory_space<hbm>>
      %dma_wait3A_755 = arith.constant 0 : i32
      %dma_wait3A_756 = tpu.memref_slice %arg4[%add3A_189, %dma_wait3A_755] : memref<819200x32xf32, #tpu.memory_space<hbm>> -> memref<800x32xf32, #tpu.memory_space<hbm>>
      %dma_wait3A_757 = arith.constant 0 : i32
      %dma_wait3A_758 = arith.constant 0 : i32
      %dma_wait3A_759 = tpu.memref_slice %arg6[%run_scoped3A_190, %dma_wait3A_757, %dma_wait3A_758] : memref<4x800x32xf32, #tpu.memory_space<vmem>> -> memref<1x800x32xf32, #tpu.memory_space<vmem>>
      %dma_wait3A_760 = tpu.memref_squeeze %dma_wait3A_759 : memref<1x800x32xf32, #tpu.memory_space<vmem>> -> memref<800x32xf32, #tpu.memory_space<vmem>>
      tpu.wait_dma2 semaphore(%run_scoped3A_736 : memref<!tpu.dma_semaphore, #tpu.memory_space<semaphore_mem>>) src(%dma_wait3A_760 : memref<800x32xf32, #tpu.memory_space<vmem>>) dst(%dma_wait3A_756 : memref<800x32xf32, #tpu.memory_space<hbm>>)
      tpu.yield
    }) : () -> ()
    %dma_start3A_191 = arith.constant 2 : i32
    %dma_start3A_192 = arith.constant 0 : i32
    %dma_start3A_193 = arith.constant 0 : i32
    %dma_start3A_194 = tpu.memref_slice %arg6[%dma_start3A_191, %dma_start3A_192, %dma_start3A_193] : memref<4x800x32xf32, #tpu.memory_space<vmem>> -> memref<1x800x32xf32, #tpu.memory_space<vmem>>
    %dma_start3A_195 = tpu.memref_squeeze %dma_start3A_194 : memref<1x800x32xf32, #tpu.memory_space<vmem>> -> memref<800x32xf32, #tpu.memory_space<vmem>>
    %dma_start3A_196 = arith.constant 8000 : i32
    %dma_start3A_197 = tpu.memref_slice %arg5[%dma_start3A_196] : memref<25600xi32, #tpu.memory_space<vmem>> -> memref<800xi32, #tpu.memory_space<vmem>>
    %dma_start3A_198 = arith.constant 0 : i32
    %dma_start3A_199 = arith.constant 0 : i32
    %dma_start3A_200 = tpu.memref_slice %arg3[%dma_start3A_198, %dma_start3A_199] : memref<1000000x32xf32, #tpu.memory_space<hbm>> -> memref<1000000x32xf32, #tpu.memory_space<hbm>>
    tpu.enqueue_indirect_dma source(%dma_start3A_200 : memref<1000000x32xf32, #tpu.memory_space<hbm>>) target(%dma_start3A_195 : memref<800x32xf32, #tpu.memory_space<vmem>>) offsets(%dma_start3A_197 : memref<800xi32, #tpu.memory_space<vmem>>) semaphore(%arg9 : memref<!tpu.dma_semaphore, #tpu.memory_space<semaphore_mem>>)
    %dma_wait3A_201 = arith.constant 3 : i32
    %dma_wait3A_202 = arith.constant 0 : i32
    %dma_wait3A_203 = arith.constant 0 : i32
    %dma_wait3A_204 = tpu.memref_slice %arg6[%dma_wait3A_201, %dma_wait3A_202, %dma_wait3A_203] : memref<4x800x32xf32, #tpu.memory_space<vmem>> -> memref<1x800x32xf32, #tpu.memory_space<vmem>>
    %dma_wait3A_205 = tpu.memref_squeeze %dma_wait3A_204 : memref<1x800x32xf32, #tpu.memory_space<vmem>> -> memref<800x32xf32, #tpu.memory_space<vmem>>
    %dma_wait3A_206 = arith.constant 5600 : i32
    %dma_wait3A_207 = tpu.memref_slice %arg5[%dma_wait3A_206] : memref<25600xi32, #tpu.memory_space<vmem>> -> memref<800xi32, #tpu.memory_space<vmem>>
    %dma_wait3A_208 = arith.constant 0 : i32
    %dma_wait3A_209 = arith.constant 0 : i32
    %dma_wait3A_210 = tpu.memref_slice %arg3[%dma_wait3A_208, %dma_wait3A_209] : memref<1000000x32xf32, #tpu.memory_space<hbm>> -> memref<1000000x32xf32, #tpu.memory_space<hbm>>
    tpu.wait_indirect_dma semaphore(%arg10 : memref<!tpu.dma_semaphore, #tpu.memory_space<semaphore_mem>>) src(%dma_wait3A_210 : memref<1000000x32xf32, #tpu.memory_space<hbm>>) dst(%dma_wait3A_205 : memref<800x32xf32, #tpu.memory_space<vmem>>)
    %add3A_211 = arith.constant 5600 : i32
    %add3A_212 = arith.addi %mul3A_2, %add3A_211 : i32
    %run_scoped3A_213 = arith.constant 3 : i32
    "tpu.region"() ({
      %run_scoped3A_736 = tpu.sem_alloc : memref<!tpu.dma_semaphore, #tpu.memory_space<semaphore_mem>>
      %dma_start3A_737 = arith.constant 0 : i32
      %dma_start3A_738 = arith.constant 0 : i32
      %dma_start3A_739 = tpu.memref_slice %arg6[%run_scoped3A_213, %dma_start3A_737, %dma_start3A_738] : memref<4x800x32xf32, #tpu.memory_space<vmem>> -> memref<1x800x32xf32, #tpu.memory_space<vmem>>
      %dma_start3A_740 = tpu.memref_squeeze %dma_start3A_739 : memref<1x800x32xf32, #tpu.memory_space<vmem>> -> memref<800x32xf32, #tpu.memory_space<vmem>>
      %dma_start3A_741 = arith.constant 0 : i32
      %dma_start3A_742 = tpu.memref_slice %arg4[%add3A_212, %dma_start3A_741] : memref<819200x32xf32, #tpu.memory_space<hbm>> -> memref<800x32xf32, #tpu.memory_space<hbm>>
      %dma_start3A_743 = arith.constant 0 : i32
      %dma_start3A_744 = tpu.memref_slice %arg4[%add3A_212, %dma_start3A_743] : memref<819200x32xf32, #tpu.memory_space<hbm>> -> memref<800x32xf32, #tpu.memory_space<hbm>>
      %dma_start3A_745 = arith.constant 0 : i32
      %dma_start3A_746 = arith.constant 0 : i32
      %dma_start3A_747 = tpu.memref_slice %arg6[%run_scoped3A_213, %dma_start3A_745, %dma_start3A_746] : memref<4x800x32xf32, #tpu.memory_space<vmem>> -> memref<1x800x32xf32, #tpu.memory_space<vmem>>
      %dma_start3A_748 = tpu.memref_squeeze %dma_start3A_747 : memref<1x800x32xf32, #tpu.memory_space<vmem>> -> memref<800x32xf32, #tpu.memory_space<vmem>>
      tpu.enqueue_dma source(%dma_start3A_748 : memref<800x32xf32, #tpu.memory_space<vmem>>) target(%dma_start3A_744 : memref<800x32xf32, #tpu.memory_space<hbm>>) target_semaphore(%run_scoped3A_736 : memref<!tpu.dma_semaphore, #tpu.memory_space<semaphore_mem>>)
      %dma_wait3A_749 = arith.constant 0 : i32
      %dma_wait3A_750 = arith.constant 0 : i32
      %dma_wait3A_751 = tpu.memref_slice %arg6[%run_scoped3A_213, %dma_wait3A_749, %dma_wait3A_750] : memref<4x800x32xf32, #tpu.memory_space<vmem>> -> memref<1x800x32xf32, #tpu.memory_space<vmem>>
      %dma_wait3A_752 = tpu.memref_squeeze %dma_wait3A_751 : memref<1x800x32xf32, #tpu.memory_space<vmem>> -> memref<800x32xf32, #tpu.memory_space<vmem>>
      %dma_wait3A_753 = arith.constant 0 : i32
      %dma_wait3A_754 = tpu.memref_slice %arg4[%add3A_212, %dma_wait3A_753] : memref<819200x32xf32, #tpu.memory_space<hbm>> -> memref<800x32xf32, #tpu.memory_space<hbm>>
      %dma_wait3A_755 = arith.constant 0 : i32
      %dma_wait3A_756 = tpu.memref_slice %arg4[%add3A_212, %dma_wait3A_755] : memref<819200x32xf32, #tpu.memory_space<hbm>> -> memref<800x32xf32, #tpu.memory_space<hbm>>
      %dma_wait3A_757 = arith.constant 0 : i32
      %dma_wait3A_758 = arith.constant 0 : i32
      %dma_wait3A_759 = tpu.memref_slice %arg6[%run_scoped3A_213, %dma_wait3A_757, %dma_wait3A_758] : memref<4x800x32xf32, #tpu.memory_space<vmem>> -> memref<1x800x32xf32, #tpu.memory_space<vmem>>
      %dma_wait3A_760 = tpu.memref_squeeze %dma_wait3A_759 : memref<1x800x32xf32, #tpu.memory_space<vmem>> -> memref<800x32xf32, #tpu.memory_space<vmem>>
      tpu.wait_dma2 semaphore(%run_scoped3A_736 : memref<!tpu.dma_semaphore, #tpu.memory_space<semaphore_mem>>) src(%dma_wait3A_760 : memref<800x32xf32, #tpu.memory_space<vmem>>) dst(%dma_wait3A_756 : memref<800x32xf32, #tpu.memory_space<hbm>>)
      tpu.yield
    }) : () -> ()
    %dma_start3A_214 = arith.constant 3 : i32
    %dma_start3A_215 = arith.constant 0 : i32
    %dma_start3A_216 = arith.constant 0 : i32
    %dma_start3A_217 = tpu.memref_slice %arg6[%dma_start3A_214, %dma_start3A_215, %dma_start3A_216] : memref<4x800x32xf32, #tpu.memory_space<vmem>> -> memref<1x800x32xf32, #tpu.memory_space<vmem>>
    %dma_start3A_218 = tpu.memref_squeeze %dma_start3A_217 : memref<1x800x32xf32, #tpu.memory_space<vmem>> -> memref<800x32xf32, #tpu.memory_space<vmem>>
    %dma_start3A_219 = arith.constant 8800 : i32
    %dma_start3A_220 = tpu.memref_slice %arg5[%dma_start3A_219] : memref<25600xi32, #tpu.memory_space<vmem>> -> memref<800xi32, #tpu.memory_space<vmem>>
    %dma_start3A_221 = arith.constant 0 : i32
    %dma_start3A_222 = arith.constant 0 : i32
    %dma_start3A_223 = tpu.memref_slice %arg3[%dma_start3A_221, %dma_start3A_222] : memref<1000000x32xf32, #tpu.memory_space<hbm>> -> memref<1000000x32xf32, #tpu.memory_space<hbm>>
    tpu.enqueue_indirect_dma source(%dma_start3A_223 : memref<1000000x32xf32, #tpu.memory_space<hbm>>) target(%dma_start3A_218 : memref<800x32xf32, #tpu.memory_space<vmem>>) offsets(%dma_start3A_220 : memref<800xi32, #tpu.memory_space<vmem>>) semaphore(%arg10 : memref<!tpu.dma_semaphore, #tpu.memory_space<semaphore_mem>>)
    %dma_wait3A_224 = arith.constant 0 : i32
    %dma_wait3A_225 = arith.constant 0 : i32
    %dma_wait3A_226 = arith.constant 0 : i32
    %dma_wait3A_227 = tpu.memref_slice %arg6[%dma_wait3A_224, %dma_wait3A_225, %dma_wait3A_226] : memref<4x800x32xf32, #tpu.memory_space<vmem>> -> memref<1x800x32xf32, #tpu.memory_space<vmem>>
    %dma_wait3A_228 = tpu.memref_squeeze %dma_wait3A_227 : memref<1x800x32xf32, #tpu.memory_space<vmem>> -> memref<800x32xf32, #tpu.memory_space<vmem>>
    %dma_wait3A_229 = arith.constant 6400 : i32
    %dma_wait3A_230 = tpu.memref_slice %arg5[%dma_wait3A_229] : memref<25600xi32, #tpu.memory_space<vmem>> -> memref<800xi32, #tpu.memory_space<vmem>>
    %dma_wait3A_231 = arith.constant 0 : i32
    %dma_wait3A_232 = arith.constant 0 : i32
    %dma_wait3A_233 = tpu.memref_slice %arg3[%dma_wait3A_231, %dma_wait3A_232] : memref<1000000x32xf32, #tpu.memory_space<hbm>> -> memref<1000000x32xf32, #tpu.memory_space<hbm>>
    tpu.wait_indirect_dma semaphore(%arg7 : memref<!tpu.dma_semaphore, #tpu.memory_space<semaphore_mem>>) src(%dma_wait3A_233 : memref<1000000x32xf32, #tpu.memory_space<hbm>>) dst(%dma_wait3A_228 : memref<800x32xf32, #tpu.memory_space<vmem>>)
    %add3A_234 = arith.constant 6400 : i32
    %add3A_235 = arith.addi %mul3A_2, %add3A_234 : i32
    %run_scoped3A_236 = arith.constant 0 : i32
    "tpu.region"() ({
      %run_scoped3A_736 = tpu.sem_alloc : memref<!tpu.dma_semaphore, #tpu.memory_space<semaphore_mem>>
      %dma_start3A_737 = arith.constant 0 : i32
      %dma_start3A_738 = arith.constant 0 : i32
      %dma_start3A_739 = tpu.memref_slice %arg6[%run_scoped3A_236, %dma_start3A_737, %dma_start3A_738] : memref<4x800x32xf32, #tpu.memory_space<vmem>> -> memref<1x800x32xf32, #tpu.memory_space<vmem>>
      %dma_start3A_740 = tpu.memref_squeeze %dma_start3A_739 : memref<1x800x32xf32, #tpu.memory_space<vmem>> -> memref<800x32xf32, #tpu.memory_space<vmem>>
      %dma_start3A_741 = arith.constant 0 : i32
      %dma_start3A_742 = tpu.memref_slice %arg4[%add3A_235, %dma_start3A_741] : memref<819200x32xf32, #tpu.memory_space<hbm>> -> memref<800x32xf32, #tpu.memory_space<hbm>>
      %dma_start3A_743 = arith.constant 0 : i32
      %dma_start3A_744 = tpu.memref_slice %arg4[%add3A_235, %dma_start3A_743] : memref<819200x32xf32, #tpu.memory_space<hbm>> -> memref<800x32xf32, #tpu.memory_space<hbm>>
      %dma_start3A_745 = arith.constant 0 : i32
      %dma_start3A_746 = arith.constant 0 : i32
      %dma_start3A_747 = tpu.memref_slice %arg6[%run_scoped3A_236, %dma_start3A_745, %dma_start3A_746] : memref<4x800x32xf32, #tpu.memory_space<vmem>> -> memref<1x800x32xf32, #tpu.memory_space<vmem>>
      %dma_start3A_748 = tpu.memref_squeeze %dma_start3A_747 : memref<1x800x32xf32, #tpu.memory_space<vmem>> -> memref<800x32xf32, #tpu.memory_space<vmem>>
      tpu.enqueue_dma source(%dma_start3A_748 : memref<800x32xf32, #tpu.memory_space<vmem>>) target(%dma_start3A_744 : memref<800x32xf32, #tpu.memory_space<hbm>>) target_semaphore(%run_scoped3A_736 : memref<!tpu.dma_semaphore, #tpu.memory_space<semaphore_mem>>)
      %dma_wait3A_749 = arith.constant 0 : i32
      %dma_wait3A_750 = arith.constant 0 : i32
      %dma_wait3A_751 = tpu.memref_slice %arg6[%run_scoped3A_236, %dma_wait3A_749, %dma_wait3A_750] : memref<4x800x32xf32, #tpu.memory_space<vmem>> -> memref<1x800x32xf32, #tpu.memory_space<vmem>>
      %dma_wait3A_752 = tpu.memref_squeeze %dma_wait3A_751 : memref<1x800x32xf32, #tpu.memory_space<vmem>> -> memref<800x32xf32, #tpu.memory_space<vmem>>
      %dma_wait3A_753 = arith.constant 0 : i32
      %dma_wait3A_754 = tpu.memref_slice %arg4[%add3A_235, %dma_wait3A_753] : memref<819200x32xf32, #tpu.memory_space<hbm>> -> memref<800x32xf32, #tpu.memory_space<hbm>>
      %dma_wait3A_755 = arith.constant 0 : i32
      %dma_wait3A_756 = tpu.memref_slice %arg4[%add3A_235, %dma_wait3A_755] : memref<819200x32xf32, #tpu.memory_space<hbm>> -> memref<800x32xf32, #tpu.memory_space<hbm>>
      %dma_wait3A_757 = arith.constant 0 : i32
      %dma_wait3A_758 = arith.constant 0 : i32
      %dma_wait3A_759 = tpu.memref_slice %arg6[%run_scoped3A_236, %dma_wait3A_757, %dma_wait3A_758] : memref<4x800x32xf32, #tpu.memory_space<vmem>> -> memref<1x800x32xf32, #tpu.memory_space<vmem>>
      %dma_wait3A_760 = tpu.memref_squeeze %dma_wait3A_759 : memref<1x800x32xf32, #tpu.memory_space<vmem>> -> memref<800x32xf32, #tpu.memory_space<vmem>>
      tpu.wait_dma2 semaphore(%run_scoped3A_736 : memref<!tpu.dma_semaphore, #tpu.memory_space<semaphore_mem>>) src(%dma_wait3A_760 : memref<800x32xf32, #tpu.memory_space<vmem>>) dst(%dma_wait3A_756 : memref<800x32xf32, #tpu.memory_space<hbm>>)
      tpu.yield
    }) : () -> ()
    %dma_start3A_237 = arith.constant 0 : i32
    %dma_start3A_238 = arith.constant 0 : i32
    %dma_start3A_239 = arith.constant 0 : i32
    %dma_start3A_240 = tpu.memref_slice %arg6[%dma_start3A_237, %dma_start3A_238, %dma_start3A_239] : memref<4x800x32xf32, #tpu.memory_space<vmem>> -> memref<1x800x32xf32, #tpu.memory_space<vmem>>
    %dma_start3A_241 = tpu.memref_squeeze %dma_start3A_240 : memref<1x800x32xf32, #tpu.memory_space<vmem>> -> memref<800x32xf32, #tpu.memory_space<vmem>>
    %dma_start3A_242 = arith.constant 9600 : i32
    %dma_start3A_243 = tpu.memref_slice %arg5[%dma_start3A_242] : memref<25600xi32, #tpu.memory_space<vmem>> -> memref<800xi32, #tpu.memory_space<vmem>>
    %dma_start3A_244 = arith.constant 0 : i32
    %dma_start3A_245 = arith.constant 0 : i32
    %dma_start3A_246 = tpu.memref_slice %arg3[%dma_start3A_244, %dma_start3A_245] : memref<1000000x32xf32, #tpu.memory_space<hbm>> -> memref<1000000x32xf32, #tpu.memory_space<hbm>>
    tpu.enqueue_indirect_dma source(%dma_start3A_246 : memref<1000000x32xf32, #tpu.memory_space<hbm>>) target(%dma_start3A_241 : memref<800x32xf32, #tpu.memory_space<vmem>>) offsets(%dma_start3A_243 : memref<800xi32, #tpu.memory_space<vmem>>) semaphore(%arg7 : memref<!tpu.dma_semaphore, #tpu.memory_space<semaphore_mem>>)
    %dma_wait3A_247 = arith.constant 1 : i32
    %dma_wait3A_248 = arith.constant 0 : i32
    %dma_wait3A_249 = arith.constant 0 : i32
    %dma_wait3A_250 = tpu.memref_slice %arg6[%dma_wait3A_247, %dma_wait3A_248, %dma_wait3A_249] : memref<4x800x32xf32, #tpu.memory_space<vmem>> -> memref<1x800x32xf32, #tpu.memory_space<vmem>>
    %dma_wait3A_251 = tpu.memref_squeeze %dma_wait3A_250 : memref<1x800x32xf32, #tpu.memory_space<vmem>> -> memref<800x32xf32, #tpu.memory_space<vmem>>
    %dma_wait3A_252 = arith.constant 7200 : i32
    %dma_wait3A_253 = tpu.memref_slice %arg5[%dma_wait3A_252] : memref<25600xi32, #tpu.memory_space<vmem>> -> memref<800xi32, #tpu.memory_space<vmem>>
    %dma_wait3A_254 = arith.constant 0 : i32
    %dma_wait3A_255 = arith.constant 0 : i32
    %dma_wait3A_256 = tpu.memref_slice %arg3[%dma_wait3A_254, %dma_wait3A_255] : memref<1000000x32xf32, #tpu.memory_space<hbm>> -> memref<1000000x32xf32, #tpu.memory_space<hbm>>
    tpu.wait_indirect_dma semaphore(%arg8 : memref<!tpu.dma_semaphore, #tpu.memory_space<semaphore_mem>>) src(%dma_wait3A_256 : memref<1000000x32xf32, #tpu.memory_space<hbm>>) dst(%dma_wait3A_251 : memref<800x32xf32, #tpu.memory_space<vmem>>)
    %add3A_257 = arith.constant 7200 : i32
    %add3A_258 = arith.addi %mul3A_2, %add3A_257 : i32
    %run_scoped3A_259 = arith.constant 1 : i32
    "tpu.region"() ({
      %run_scoped3A_736 = tpu.sem_alloc : memref<!tpu.dma_semaphore, #tpu.memory_space<semaphore_mem>>
      %dma_start3A_737 = arith.constant 0 : i32
      %dma_start3A_738 = arith.constant 0 : i32
      %dma_start3A_739 = tpu.memref_slice %arg6[%run_scoped3A_259, %dma_start3A_737, %dma_start3A_738] : memref<4x800x32xf32, #tpu.memory_space<vmem>> -> memref<1x800x32xf32, #tpu.memory_space<vmem>>
      %dma_start3A_740 = tpu.memref_squeeze %dma_start3A_739 : memref<1x800x32xf32, #tpu.memory_space<vmem>> -> memref<800x32xf32, #tpu.memory_space<vmem>>
      %dma_start3A_741 = arith.constant 0 : i32
      %dma_start3A_742 = tpu.memref_slice %arg4[%add3A_258, %dma_start3A_741] : memref<819200x32xf32, #tpu.memory_space<hbm>> -> memref<800x32xf32, #tpu.memory_space<hbm>>
      %dma_start3A_743 = arith.constant 0 : i32
      %dma_start3A_744 = tpu.memref_slice %arg4[%add3A_258, %dma_start3A_743] : memref<819200x32xf32, #tpu.memory_space<hbm>> -> memref<800x32xf32, #tpu.memory_space<hbm>>
      %dma_start3A_745 = arith.constant 0 : i32
      %dma_start3A_746 = arith.constant 0 : i32
      %dma_start3A_747 = tpu.memref_slice %arg6[%run_scoped3A_259, %dma_start3A_745, %dma_start3A_746] : memref<4x800x32xf32, #tpu.memory_space<vmem>> -> memref<1x800x32xf32, #tpu.memory_space<vmem>>
      %dma_start3A_748 = tpu.memref_squeeze %dma_start3A_747 : memref<1x800x32xf32, #tpu.memory_space<vmem>> -> memref<800x32xf32, #tpu.memory_space<vmem>>
      tpu.enqueue_dma source(%dma_start3A_748 : memref<800x32xf32, #tpu.memory_space<vmem>>) target(%dma_start3A_744 : memref<800x32xf32, #tpu.memory_space<hbm>>) target_semaphore(%run_scoped3A_736 : memref<!tpu.dma_semaphore, #tpu.memory_space<semaphore_mem>>)
      %dma_wait3A_749 = arith.constant 0 : i32
      %dma_wait3A_750 = arith.constant 0 : i32
      %dma_wait3A_751 = tpu.memref_slice %arg6[%run_scoped3A_259, %dma_wait3A_749, %dma_wait3A_750] : memref<4x800x32xf32, #tpu.memory_space<vmem>> -> memref<1x800x32xf32, #tpu.memory_space<vmem>>
      %dma_wait3A_752 = tpu.memref_squeeze %dma_wait3A_751 : memref<1x800x32xf32, #tpu.memory_space<vmem>> -> memref<800x32xf32, #tpu.memory_space<vmem>>
      %dma_wait3A_753 = arith.constant 0 : i32
      %dma_wait3A_754 = tpu.memref_slice %arg4[%add3A_258, %dma_wait3A_753] : memref<819200x32xf32, #tpu.memory_space<hbm>> -> memref<800x32xf32, #tpu.memory_space<hbm>>
      %dma_wait3A_755 = arith.constant 0 : i32
      %dma_wait3A_756 = tpu.memref_slice %arg4[%add3A_258, %dma_wait3A_755] : memref<819200x32xf32, #tpu.memory_space<hbm>> -> memref<800x32xf32, #tpu.memory_space<hbm>>
      %dma_wait3A_757 = arith.constant 0 : i32
      %dma_wait3A_758 = arith.constant 0 : i32
      %dma_wait3A_759 = tpu.memref_slice %arg6[%run_scoped3A_259, %dma_wait3A_757, %dma_wait3A_758] : memref<4x800x32xf32, #tpu.memory_space<vmem>> -> memref<1x800x32xf32, #tpu.memory_space<vmem>>
      %dma_wait3A_760 = tpu.memref_squeeze %dma_wait3A_759 : memref<1x800x32xf32, #tpu.memory_space<vmem>> -> memref<800x32xf32, #tpu.memory_space<vmem>>
      tpu.wait_dma2 semaphore(%run_scoped3A_736 : memref<!tpu.dma_semaphore, #tpu.memory_space<semaphore_mem>>) src(%dma_wait3A_760 : memref<800x32xf32, #tpu.memory_space<vmem>>) dst(%dma_wait3A_756 : memref<800x32xf32, #tpu.memory_space<hbm>>)
      tpu.yield
    }) : () -> ()
    %dma_start3A_260 = arith.constant 1 : i32
    %dma_start3A_261 = arith.constant 0 : i32
    %dma_start3A_262 = arith.constant 0 : i32
    %dma_start3A_263 = tpu.memref_slice %arg6[%dma_start3A_260, %dma_start3A_261, %dma_start3A_262] : memref<4x800x32xf32, #tpu.memory_space<vmem>> -> memref<1x800x32xf32, #tpu.memory_space<vmem>>
    %dma_start3A_264 = tpu.memref_squeeze %dma_start3A_263 : memref<1x800x32xf32, #tpu.memory_space<vmem>> -> memref<800x32xf32, #tpu.memory_space<vmem>>
    %dma_start3A_265 = arith.constant 10400 : i32
    %dma_start3A_266 = tpu.memref_slice %arg5[%dma_start3A_265] : memref<25600xi32, #tpu.memory_space<vmem>> -> memref<800xi32, #tpu.memory_space<vmem>>
    %dma_start3A_267 = arith.constant 0 : i32
    %dma_start3A_268 = arith.constant 0 : i32
    %dma_start3A_269 = tpu.memref_slice %arg3[%dma_start3A_267, %dma_start3A_268] : memref<1000000x32xf32, #tpu.memory_space<hbm>> -> memref<1000000x32xf32, #tpu.memory_space<hbm>>
    tpu.enqueue_indirect_dma source(%dma_start3A_269 : memref<1000000x32xf32, #tpu.memory_space<hbm>>) target(%dma_start3A_264 : memref<800x32xf32, #tpu.memory_space<vmem>>) offsets(%dma_start3A_266 : memref<800xi32, #tpu.memory_space<vmem>>) semaphore(%arg8 : memref<!tpu.dma_semaphore, #tpu.memory_space<semaphore_mem>>)
    %dma_wait3A_270 = arith.constant 2 : i32
    %dma_wait3A_271 = arith.constant 0 : i32
    %dma_wait3A_272 = arith.constant 0 : i32
    %dma_wait3A_273 = tpu.memref_slice %arg6[%dma_wait3A_270, %dma_wait3A_271, %dma_wait3A_272] : memref<4x800x32xf32, #tpu.memory_space<vmem>> -> memref<1x800x32xf32, #tpu.memory_space<vmem>>
    %dma_wait3A_274 = tpu.memref_squeeze %dma_wait3A_273 : memref<1x800x32xf32, #tpu.memory_space<vmem>> -> memref<800x32xf32, #tpu.memory_space<vmem>>
    %dma_wait3A_275 = arith.constant 8000 : i32
    %dma_wait3A_276 = tpu.memref_slice %arg5[%dma_wait3A_275] : memref<25600xi32, #tpu.memory_space<vmem>> -> memref<800xi32, #tpu.memory_space<vmem>>
    %dma_wait3A_277 = arith.constant 0 : i32
    %dma_wait3A_278 = arith.constant 0 : i32
    %dma_wait3A_279 = tpu.memref_slice %arg3[%dma_wait3A_277, %dma_wait3A_278] : memref<1000000x32xf32, #tpu.memory_space<hbm>> -> memref<1000000x32xf32, #tpu.memory_space<hbm>>
    tpu.wait_indirect_dma semaphore(%arg9 : memref<!tpu.dma_semaphore, #tpu.memory_space<semaphore_mem>>) src(%dma_wait3A_279 : memref<1000000x32xf32, #tpu.memory_space<hbm>>) dst(%dma_wait3A_274 : memref<800x32xf32, #tpu.memory_space<vmem>>)
    %add3A_280 = arith.constant 8000 : i32
    %add3A_281 = arith.addi %mul3A_2, %add3A_280 : i32
    %run_scoped3A_282 = arith.constant 2 : i32
    "tpu.region"() ({
      %run_scoped3A_736 = tpu.sem_alloc : memref<!tpu.dma_semaphore, #tpu.memory_space<semaphore_mem>>
      %dma_start3A_737 = arith.constant 0 : i32
      %dma_start3A_738 = arith.constant 0 : i32
      %dma_start3A_739 = tpu.memref_slice %arg6[%run_scoped3A_282, %dma_start3A_737, %dma_start3A_738] : memref<4x800x32xf32, #tpu.memory_space<vmem>> -> memref<1x800x32xf32, #tpu.memory_space<vmem>>
      %dma_start3A_740 = tpu.memref_squeeze %dma_start3A_739 : memref<1x800x32xf32, #tpu.memory_space<vmem>> -> memref<800x32xf32, #tpu.memory_space<vmem>>
      %dma_start3A_741 = arith.constant 0 : i32
      %dma_start3A_742 = tpu.memref_slice %arg4[%add3A_281, %dma_start3A_741] : memref<819200x32xf32, #tpu.memory_space<hbm>> -> memref<800x32xf32, #tpu.memory_space<hbm>>
      %dma_start3A_743 = arith.constant 0 : i32
      %dma_start3A_744 = tpu.memref_slice %arg4[%add3A_281, %dma_start3A_743] : memref<819200x32xf32, #tpu.memory_space<hbm>> -> memref<800x32xf32, #tpu.memory_space<hbm>>
      %dma_start3A_745 = arith.constant 0 : i32
      %dma_start3A_746 = arith.constant 0 : i32
      %dma_start3A_747 = tpu.memref_slice %arg6[%run_scoped3A_282, %dma_start3A_745, %dma_start3A_746] : memref<4x800x32xf32, #tpu.memory_space<vmem>> -> memref<1x800x32xf32, #tpu.memory_space<vmem>>
      %dma_start3A_748 = tpu.memref_squeeze %dma_start3A_747 : memref<1x800x32xf32, #tpu.memory_space<vmem>> -> memref<800x32xf32, #tpu.memory_space<vmem>>
      tpu.enqueue_dma source(%dma_start3A_748 : memref<800x32xf32, #tpu.memory_space<vmem>>) target(%dma_start3A_744 : memref<800x32xf32, #tpu.memory_space<hbm>>) target_semaphore(%run_scoped3A_736 : memref<!tpu.dma_semaphore, #tpu.memory_space<semaphore_mem>>)
      %dma_wait3A_749 = arith.constant 0 : i32
      %dma_wait3A_750 = arith.constant 0 : i32
      %dma_wait3A_751 = tpu.memref_slice %arg6[%run_scoped3A_282, %dma_wait3A_749, %dma_wait3A_750] : memref<4x800x32xf32, #tpu.memory_space<vmem>> -> memref<1x800x32xf32, #tpu.memory_space<vmem>>
      %dma_wait3A_752 = tpu.memref_squeeze %dma_wait3A_751 : memref<1x800x32xf32, #tpu.memory_space<vmem>> -> memref<800x32xf32, #tpu.memory_space<vmem>>
      %dma_wait3A_753 = arith.constant 0 : i32
      %dma_wait3A_754 = tpu.memref_slice %arg4[%add3A_281, %dma_wait3A_753] : memref<819200x32xf32, #tpu.memory_space<hbm>> -> memref<800x32xf32, #tpu.memory_space<hbm>>
      %dma_wait3A_755 = arith.constant 0 : i32
      %dma_wait3A_756 = tpu.memref_slice %arg4[%add3A_281, %dma_wait3A_755] : memref<819200x32xf32, #tpu.memory_space<hbm>> -> memref<800x32xf32, #tpu.memory_space<hbm>>
      %dma_wait3A_757 = arith.constant 0 : i32
      %dma_wait3A_758 = arith.constant 0 : i32
      %dma_wait3A_759 = tpu.memref_slice %arg6[%run_scoped3A_282, %dma_wait3A_757, %dma_wait3A_758] : memref<4x800x32xf32, #tpu.memory_space<vmem>> -> memref<1x800x32xf32, #tpu.memory_space<vmem>>
      %dma_wait3A_760 = tpu.memref_squeeze %dma_wait3A_759 : memref<1x800x32xf32, #tpu.memory_space<vmem>> -> memref<800x32xf32, #tpu.memory_space<vmem>>
      tpu.wait_dma2 semaphore(%run_scoped3A_736 : memref<!tpu.dma_semaphore, #tpu.memory_space<semaphore_mem>>) src(%dma_wait3A_760 : memref<800x32xf32, #tpu.memory_space<vmem>>) dst(%dma_wait3A_756 : memref<800x32xf32, #tpu.memory_space<hbm>>)
      tpu.yield
    }) : () -> ()
    %dma_start3A_283 = arith.constant 2 : i32
    %dma_start3A_284 = arith.constant 0 : i32
    %dma_start3A_285 = arith.constant 0 : i32
    %dma_start3A_286 = tpu.memref_slice %arg6[%dma_start3A_283, %dma_start3A_284, %dma_start3A_285] : memref<4x800x32xf32, #tpu.memory_space<vmem>> -> memref<1x800x32xf32, #tpu.memory_space<vmem>>
    %dma_start3A_287 = tpu.memref_squeeze %dma_start3A_286 : memref<1x800x32xf32, #tpu.memory_space<vmem>> -> memref<800x32xf32, #tpu.memory_space<vmem>>
    %dma_start3A_288 = arith.constant 11200 : i32
    %dma_start3A_289 = tpu.memref_slice %arg5[%dma_start3A_288] : memref<25600xi32, #tpu.memory_space<vmem>> -> memref<800xi32, #tpu.memory_space<vmem>>
    %dma_start3A_290 = arith.constant 0 : i32
    %dma_start3A_291 = arith.constant 0 : i32
    %dma_start3A_292 = tpu.memref_slice %arg3[%dma_start3A_290, %dma_start3A_291] : memref<1000000x32xf32, #tpu.memory_space<hbm>> -> memref<1000000x32xf32, #tpu.memory_space<hbm>>
    tpu.enqueue_indirect_dma source(%dma_start3A_292 : memref<1000000x32xf32, #tpu.memory_space<hbm>>) target(%dma_start3A_287 : memref<800x32xf32, #tpu.memory_space<vmem>>) offsets(%dma_start3A_289 : memref<800xi32, #tpu.memory_space<vmem>>) semaphore(%arg9 : memref<!tpu.dma_semaphore, #tpu.memory_space<semaphore_mem>>)
    %dma_wait3A_293 = arith.constant 3 : i32
    %dma_wait3A_294 = arith.constant 0 : i32
    %dma_wait3A_295 = arith.constant 0 : i32
    %dma_wait3A_296 = tpu.memref_slice %arg6[%dma_wait3A_293, %dma_wait3A_294, %dma_wait3A_295] : memref<4x800x32xf32, #tpu.memory_space<vmem>> -> memref<1x800x32xf32, #tpu.memory_space<vmem>>
    %dma_wait3A_297 = tpu.memref_squeeze %dma_wait3A_296 : memref<1x800x32xf32, #tpu.memory_space<vmem>> -> memref<800x32xf32, #tpu.memory_space<vmem>>
    %dma_wait3A_298 = arith.constant 8800 : i32
    %dma_wait3A_299 = tpu.memref_slice %arg5[%dma_wait3A_298] : memref<25600xi32, #tpu.memory_space<vmem>> -> memref<800xi32, #tpu.memory_space<vmem>>
    %dma_wait3A_300 = arith.constant 0 : i32
    %dma_wait3A_301 = arith.constant 0 : i32
    %dma_wait3A_302 = tpu.memref_slice %arg3[%dma_wait3A_300, %dma_wait3A_301] : memref<1000000x32xf32, #tpu.memory_space<hbm>> -> memref<1000000x32xf32, #tpu.memory_space<hbm>>
    tpu.wait_indirect_dma semaphore(%arg10 : memref<!tpu.dma_semaphore, #tpu.memory_space<semaphore_mem>>) src(%dma_wait3A_302 : memref<1000000x32xf32, #tpu.memory_space<hbm>>) dst(%dma_wait3A_297 : memref<800x32xf32, #tpu.memory_space<vmem>>)
    %add3A_303 = arith.constant 8800 : i32
    %add3A_304 = arith.addi %mul3A_2, %add3A_303 : i32
    %run_scoped3A_305 = arith.constant 3 : i32
    "tpu.region"() ({
      %run_scoped3A_736 = tpu.sem_alloc : memref<!tpu.dma_semaphore, #tpu.memory_space<semaphore_mem>>
      %dma_start3A_737 = arith.constant 0 : i32
      %dma_start3A_738 = arith.constant 0 : i32
      %dma_start3A_739 = tpu.memref_slice %arg6[%run_scoped3A_305, %dma_start3A_737, %dma_start3A_738] : memref<4x800x32xf32, #tpu.memory_space<vmem>> -> memref<1x800x32xf32, #tpu.memory_space<vmem>>
      %dma_start3A_740 = tpu.memref_squeeze %dma_start3A_739 : memref<1x800x32xf32, #tpu.memory_space<vmem>> -> memref<800x32xf32, #tpu.memory_space<vmem>>
      %dma_start3A_741 = arith.constant 0 : i32
      %dma_start3A_742 = tpu.memref_slice %arg4[%add3A_304, %dma_start3A_741] : memref<819200x32xf32, #tpu.memory_space<hbm>> -> memref<800x32xf32, #tpu.memory_space<hbm>>
      %dma_start3A_743 = arith.constant 0 : i32
      %dma_start3A_744 = tpu.memref_slice %arg4[%add3A_304, %dma_start3A_743] : memref<819200x32xf32, #tpu.memory_space<hbm>> -> memref<800x32xf32, #tpu.memory_space<hbm>>
      %dma_start3A_745 = arith.constant 0 : i32
      %dma_start3A_746 = arith.constant 0 : i32
      %dma_start3A_747 = tpu.memref_slice %arg6[%run_scoped3A_305, %dma_start3A_745, %dma_start3A_746] : memref<4x800x32xf32, #tpu.memory_space<vmem>> -> memref<1x800x32xf32, #tpu.memory_space<vmem>>
      %dma_start3A_748 = tpu.memref_squeeze %dma_start3A_747 : memref<1x800x32xf32, #tpu.memory_space<vmem>> -> memref<800x32xf32, #tpu.memory_space<vmem>>
      tpu.enqueue_dma source(%dma_start3A_748 : memref<800x32xf32, #tpu.memory_space<vmem>>) target(%dma_start3A_744 : memref<800x32xf32, #tpu.memory_space<hbm>>) target_semaphore(%run_scoped3A_736 : memref<!tpu.dma_semaphore, #tpu.memory_space<semaphore_mem>>)
      %dma_wait3A_749 = arith.constant 0 : i32
      %dma_wait3A_750 = arith.constant 0 : i32
      %dma_wait3A_751 = tpu.memref_slice %arg6[%run_scoped3A_305, %dma_wait3A_749, %dma_wait3A_750] : memref<4x800x32xf32, #tpu.memory_space<vmem>> -> memref<1x800x32xf32, #tpu.memory_space<vmem>>
      %dma_wait3A_752 = tpu.memref_squeeze %dma_wait3A_751 : memref<1x800x32xf32, #tpu.memory_space<vmem>> -> memref<800x32xf32, #tpu.memory_space<vmem>>
      %dma_wait3A_753 = arith.constant 0 : i32
      %dma_wait3A_754 = tpu.memref_slice %arg4[%add3A_304, %dma_wait3A_753] : memref<819200x32xf32, #tpu.memory_space<hbm>> -> memref<800x32xf32, #tpu.memory_space<hbm>>
      %dma_wait3A_755 = arith.constant 0 : i32
      %dma_wait3A_756 = tpu.memref_slice %arg4[%add3A_304, %dma_wait3A_755] : memref<819200x32xf32, #tpu.memory_space<hbm>> -> memref<800x32xf32, #tpu.memory_space<hbm>>
      %dma_wait3A_757 = arith.constant 0 : i32
      %dma_wait3A_758 = arith.constant 0 : i32
      %dma_wait3A_759 = tpu.memref_slice %arg6[%run_scoped3A_305, %dma_wait3A_757, %dma_wait3A_758] : memref<4x800x32xf32, #tpu.memory_space<vmem>> -> memref<1x800x32xf32, #tpu.memory_space<vmem>>
      %dma_wait3A_760 = tpu.memref_squeeze %dma_wait3A_759 : memref<1x800x32xf32, #tpu.memory_space<vmem>> -> memref<800x32xf32, #tpu.memory_space<vmem>>
      tpu.wait_dma2 semaphore(%run_scoped3A_736 : memref<!tpu.dma_semaphore, #tpu.memory_space<semaphore_mem>>) src(%dma_wait3A_760 : memref<800x32xf32, #tpu.memory_space<vmem>>) dst(%dma_wait3A_756 : memref<800x32xf32, #tpu.memory_space<hbm>>)
      tpu.yield
    }) : () -> ()
    %dma_start3A_306 = arith.constant 3 : i32
    %dma_start3A_307 = arith.constant 0 : i32
    %dma_start3A_308 = arith.constant 0 : i32
    %dma_start3A_309 = tpu.memref_slice %arg6[%dma_start3A_306, %dma_start3A_307, %dma_start3A_308] : memref<4x800x32xf32, #tpu.memory_space<vmem>> -> memref<1x800x32xf32, #tpu.memory_space<vmem>>
    %dma_start3A_310 = tpu.memref_squeeze %dma_start3A_309 : memref<1x800x32xf32, #tpu.memory_space<vmem>> -> memref<800x32xf32, #tpu.memory_space<vmem>>
    %dma_start3A_311 = arith.constant 12000 : i32
    %dma_start3A_312 = tpu.memref_slice %arg5[%dma_start3A_311] : memref<25600xi32, #tpu.memory_space<vmem>> -> memref<800xi32, #tpu.memory_space<vmem>>
    %dma_start3A_313 = arith.constant 0 : i32
    %dma_start3A_314 = arith.constant 0 : i32
    %dma_start3A_315 = tpu.memref_slice %arg3[%dma_start3A_313, %dma_start3A_314] : memref<1000000x32xf32, #tpu.memory_space<hbm>> -> memref<1000000x32xf32, #tpu.memory_space<hbm>>
    tpu.enqueue_indirect_dma source(%dma_start3A_315 : memref<1000000x32xf32, #tpu.memory_space<hbm>>) target(%dma_start3A_310 : memref<800x32xf32, #tpu.memory_space<vmem>>) offsets(%dma_start3A_312 : memref<800xi32, #tpu.memory_space<vmem>>) semaphore(%arg10 : memref<!tpu.dma_semaphore, #tpu.memory_space<semaphore_mem>>)
    %dma_wait3A_316 = arith.constant 0 : i32
    %dma_wait3A_317 = arith.constant 0 : i32
    %dma_wait3A_318 = arith.constant 0 : i32
    %dma_wait3A_319 = tpu.memref_slice %arg6[%dma_wait3A_316, %dma_wait3A_317, %dma_wait3A_318] : memref<4x800x32xf32, #tpu.memory_space<vmem>> -> memref<1x800x32xf32, #tpu.memory_space<vmem>>
    %dma_wait3A_320 = tpu.memref_squeeze %dma_wait3A_319 : memref<1x800x32xf32, #tpu.memory_space<vmem>> -> memref<800x32xf32, #tpu.memory_space<vmem>>
    %dma_wait3A_321 = arith.constant 9600 : i32
    %dma_wait3A_322 = tpu.memref_slice %arg5[%dma_wait3A_321] : memref<25600xi32, #tpu.memory_space<vmem>> -> memref<800xi32, #tpu.memory_space<vmem>>
    %dma_wait3A_323 = arith.constant 0 : i32
    %dma_wait3A_324 = arith.constant 0 : i32
    %dma_wait3A_325 = tpu.memref_slice %arg3[%dma_wait3A_323, %dma_wait3A_324] : memref<1000000x32xf32, #tpu.memory_space<hbm>> -> memref<1000000x32xf32, #tpu.memory_space<hbm>>
    tpu.wait_indirect_dma semaphore(%arg7 : memref<!tpu.dma_semaphore, #tpu.memory_space<semaphore_mem>>) src(%dma_wait3A_325 : memref<1000000x32xf32, #tpu.memory_space<hbm>>) dst(%dma_wait3A_320 : memref<800x32xf32, #tpu.memory_space<vmem>>)
    %add3A_326 = arith.constant 9600 : i32
    %add3A_327 = arith.addi %mul3A_2, %add3A_326 : i32
    %run_scoped3A_328 = arith.constant 0 : i32
    "tpu.region"() ({
      %run_scoped3A_736 = tpu.sem_alloc : memref<!tpu.dma_semaphore, #tpu.memory_space<semaphore_mem>>
      %dma_start3A_737 = arith.constant 0 : i32
      %dma_start3A_738 = arith.constant 0 : i32
      %dma_start3A_739 = tpu.memref_slice %arg6[%run_scoped3A_328, %dma_start3A_737, %dma_start3A_738] : memref<4x800x32xf32, #tpu.memory_space<vmem>> -> memref<1x800x32xf32, #tpu.memory_space<vmem>>
      %dma_start3A_740 = tpu.memref_squeeze %dma_start3A_739 : memref<1x800x32xf32, #tpu.memory_space<vmem>> -> memref<800x32xf32, #tpu.memory_space<vmem>>
      %dma_start3A_741 = arith.constant 0 : i32
      %dma_start3A_742 = tpu.memref_slice %arg4[%add3A_327, %dma_start3A_741] : memref<819200x32xf32, #tpu.memory_space<hbm>> -> memref<800x32xf32, #tpu.memory_space<hbm>>
      %dma_start3A_743 = arith.constant 0 : i32
      %dma_start3A_744 = tpu.memref_slice %arg4[%add3A_327, %dma_start3A_743] : memref<819200x32xf32, #tpu.memory_space<hbm>> -> memref<800x32xf32, #tpu.memory_space<hbm>>
      %dma_start3A_745 = arith.constant 0 : i32
      %dma_start3A_746 = arith.constant 0 : i32
      %dma_start3A_747 = tpu.memref_slice %arg6[%run_scoped3A_328, %dma_start3A_745, %dma_start3A_746] : memref<4x800x32xf32, #tpu.memory_space<vmem>> -> memref<1x800x32xf32, #tpu.memory_space<vmem>>
      %dma_start3A_748 = tpu.memref_squeeze %dma_start3A_747 : memref<1x800x32xf32, #tpu.memory_space<vmem>> -> memref<800x32xf32, #tpu.memory_space<vmem>>
      tpu.enqueue_dma source(%dma_start3A_748 : memref<800x32xf32, #tpu.memory_space<vmem>>) target(%dma_start3A_744 : memref<800x32xf32, #tpu.memory_space<hbm>>) target_semaphore(%run_scoped3A_736 : memref<!tpu.dma_semaphore, #tpu.memory_space<semaphore_mem>>)
      %dma_wait3A_749 = arith.constant 0 : i32
      %dma_wait3A_750 = arith.constant 0 : i32
      %dma_wait3A_751 = tpu.memref_slice %arg6[%run_scoped3A_328, %dma_wait3A_749, %dma_wait3A_750] : memref<4x800x32xf32, #tpu.memory_space<vmem>> -> memref<1x800x32xf32, #tpu.memory_space<vmem>>
      %dma_wait3A_752 = tpu.memref_squeeze %dma_wait3A_751 : memref<1x800x32xf32, #tpu.memory_space<vmem>> -> memref<800x32xf32, #tpu.memory_space<vmem>>
      %dma_wait3A_753 = arith.constant 0 : i32
      %dma_wait3A_754 = tpu.memref_slice %arg4[%add3A_327, %dma_wait3A_753] : memref<819200x32xf32, #tpu.memory_space<hbm>> -> memref<800x32xf32, #tpu.memory_space<hbm>>
      %dma_wait3A_755 = arith.constant 0 : i32
      %dma_wait3A_756 = tpu.memref_slice %arg4[%add3A_327, %dma_wait3A_755] : memref<819200x32xf32, #tpu.memory_space<hbm>> -> memref<800x32xf32, #tpu.memory_space<hbm>>
      %dma_wait3A_757 = arith.constant 0 : i32
      %dma_wait3A_758 = arith.constant 0 : i32
      %dma_wait3A_759 = tpu.memref_slice %arg6[%run_scoped3A_328, %dma_wait3A_757, %dma_wait3A_758] : memref<4x800x32xf32, #tpu.memory_space<vmem>> -> memref<1x800x32xf32, #tpu.memory_space<vmem>>
      %dma_wait3A_760 = tpu.memref_squeeze %dma_wait3A_759 : memref<1x800x32xf32, #tpu.memory_space<vmem>> -> memref<800x32xf32, #tpu.memory_space<vmem>>
      tpu.wait_dma2 semaphore(%run_scoped3A_736 : memref<!tpu.dma_semaphore, #tpu.memory_space<semaphore_mem>>) src(%dma_wait3A_760 : memref<800x32xf32, #tpu.memory_space<vmem>>) dst(%dma_wait3A_756 : memref<800x32xf32, #tpu.memory_space<hbm>>)
      tpu.yield
    }) : () -> ()
    %dma_start3A_329 = arith.constant 0 : i32
    %dma_start3A_330 = arith.constant 0 : i32
    %dma_start3A_331 = arith.constant 0 : i32
    %dma_start3A_332 = tpu.memref_slice %arg6[%dma_start3A_329, %dma_start3A_330, %dma_start3A_331] : memref<4x800x32xf32, #tpu.memory_space<vmem>> -> memref<1x800x32xf32, #tpu.memory_space<vmem>>
    %dma_start3A_333 = tpu.memref_squeeze %dma_start3A_332 : memref<1x800x32xf32, #tpu.memory_space<vmem>> -> memref<800x32xf32, #tpu.memory_space<vmem>>
    %dma_start3A_334 = arith.constant 12800 : i32
    %dma_start3A_335 = tpu.memref_slice %arg5[%dma_start3A_334] : memref<25600xi32, #tpu.memory_space<vmem>> -> memref<800xi32, #tpu.memory_space<vmem>>
    %dma_start3A_336 = arith.constant 0 : i32
    %dma_start3A_337 = arith.constant 0 : i32
    %dma_start3A_338 = tpu.memref_slice %arg3[%dma_start3A_336, %dma_start3A_337] : memref<1000000x32xf32, #tpu.memory_space<hbm>> -> memref<1000000x32xf32, #tpu.memory_space<hbm>>
    tpu.enqueue_indirect_dma source(%dma_start3A_338 : memref<1000000x32xf32, #tpu.memory_space<hbm>>) target(%dma_start3A_333 : memref<800x32xf32, #tpu.memory_space<vmem>>) offsets(%dma_start3A_335 : memref<800xi32, #tpu.memory_space<vmem>>) semaphore(%arg7 : memref<!tpu.dma_semaphore, #tpu.memory_space<semaphore_mem>>)
    %dma_wait3A_339 = arith.constant 1 : i32
    %dma_wait3A_340 = arith.constant 0 : i32
    %dma_wait3A_341 = arith.constant 0 : i32
    %dma_wait3A_342 = tpu.memref_slice %arg6[%dma_wait3A_339, %dma_wait3A_340, %dma_wait3A_341] : memref<4x800x32xf32, #tpu.memory_space<vmem>> -> memref<1x800x32xf32, #tpu.memory_space<vmem>>
    %dma_wait3A_343 = tpu.memref_squeeze %dma_wait3A_342 : memref<1x800x32xf32, #tpu.memory_space<vmem>> -> memref<800x32xf32, #tpu.memory_space<vmem>>
    %dma_wait3A_344 = arith.constant 10400 : i32
    %dma_wait3A_345 = tpu.memref_slice %arg5[%dma_wait3A_344] : memref<25600xi32, #tpu.memory_space<vmem>> -> memref<800xi32, #tpu.memory_space<vmem>>
    %dma_wait3A_346 = arith.constant 0 : i32
    %dma_wait3A_347 = arith.constant 0 : i32
    %dma_wait3A_348 = tpu.memref_slice %arg3[%dma_wait3A_346, %dma_wait3A_347] : memref<1000000x32xf32, #tpu.memory_space<hbm>> -> memref<1000000x32xf32, #tpu.memory_space<hbm>>
    tpu.wait_indirect_dma semaphore(%arg8 : memref<!tpu.dma_semaphore, #tpu.memory_space<semaphore_mem>>) src(%dma_wait3A_348 : memref<1000000x32xf32, #tpu.memory_space<hbm>>) dst(%dma_wait3A_343 : memref<800x32xf32, #tpu.memory_space<vmem>>)
    %add3A_349 = arith.constant 10400 : i32
    %add3A_350 = arith.addi %mul3A_2, %add3A_349 : i32
    %run_scoped3A_351 = arith.constant 1 : i32
    "tpu.region"() ({
      %run_scoped3A_736 = tpu.sem_alloc : memref<!tpu.dma_semaphore, #tpu.memory_space<semaphore_mem>>
      %dma_start3A_737 = arith.constant 0 : i32
      %dma_start3A_738 = arith.constant 0 : i32
      %dma_start3A_739 = tpu.memref_slice %arg6[%run_scoped3A_351, %dma_start3A_737, %dma_start3A_738] : memref<4x800x32xf32, #tpu.memory_space<vmem>> -> memref<1x800x32xf32, #tpu.memory_space<vmem>>
      %dma_start3A_740 = tpu.memref_squeeze %dma_start3A_739 : memref<1x800x32xf32, #tpu.memory_space<vmem>> -> memref<800x32xf32, #tpu.memory_space<vmem>>
      %dma_start3A_741 = arith.constant 0 : i32
      %dma_start3A_742 = tpu.memref_slice %arg4[%add3A_350, %dma_start3A_741] : memref<819200x32xf32, #tpu.memory_space<hbm>> -> memref<800x32xf32, #tpu.memory_space<hbm>>
      %dma_start3A_743 = arith.constant 0 : i32
      %dma_start3A_744 = tpu.memref_slice %arg4[%add3A_350, %dma_start3A_743] : memref<819200x32xf32, #tpu.memory_space<hbm>> -> memref<800x32xf32, #tpu.memory_space<hbm>>
      %dma_start3A_745 = arith.constant 0 : i32
      %dma_start3A_746 = arith.constant 0 : i32
      %dma_start3A_747 = tpu.memref_slice %arg6[%run_scoped3A_351, %dma_start3A_745, %dma_start3A_746] : memref<4x800x32xf32, #tpu.memory_space<vmem>> -> memref<1x800x32xf32, #tpu.memory_space<vmem>>
      %dma_start3A_748 = tpu.memref_squeeze %dma_start3A_747 : memref<1x800x32xf32, #tpu.memory_space<vmem>> -> memref<800x32xf32, #tpu.memory_space<vmem>>
      tpu.enqueue_dma source(%dma_start3A_748 : memref<800x32xf32, #tpu.memory_space<vmem>>) target(%dma_start3A_744 : memref<800x32xf32, #tpu.memory_space<hbm>>) target_semaphore(%run_scoped3A_736 : memref<!tpu.dma_semaphore, #tpu.memory_space<semaphore_mem>>)
      %dma_wait3A_749 = arith.constant 0 : i32
      %dma_wait3A_750 = arith.constant 0 : i32
      %dma_wait3A_751 = tpu.memref_slice %arg6[%run_scoped3A_351, %dma_wait3A_749, %dma_wait3A_750] : memref<4x800x32xf32, #tpu.memory_space<vmem>> -> memref<1x800x32xf32, #tpu.memory_space<vmem>>
      %dma_wait3A_752 = tpu.memref_squeeze %dma_wait3A_751 : memref<1x800x32xf32, #tpu.memory_space<vmem>> -> memref<800x32xf32, #tpu.memory_space<vmem>>
      %dma_wait3A_753 = arith.constant 0 : i32
      %dma_wait3A_754 = tpu.memref_slice %arg4[%add3A_350, %dma_wait3A_753] : memref<819200x32xf32, #tpu.memory_space<hbm>> -> memref<800x32xf32, #tpu.memory_space<hbm>>
      %dma_wait3A_755 = arith.constant 0 : i32
      %dma_wait3A_756 = tpu.memref_slice %arg4[%add3A_350, %dma_wait3A_755] : memref<819200x32xf32, #tpu.memory_space<hbm>> -> memref<800x32xf32, #tpu.memory_space<hbm>>
      %dma_wait3A_757 = arith.constant 0 : i32
      %dma_wait3A_758 = arith.constant 0 : i32
      %dma_wait3A_759 = tpu.memref_slice %arg6[%run_scoped3A_351, %dma_wait3A_757, %dma_wait3A_758] : memref<4x800x32xf32, #tpu.memory_space<vmem>> -> memref<1x800x32xf32, #tpu.memory_space<vmem>>
      %dma_wait3A_760 = tpu.memref_squeeze %dma_wait3A_759 : memref<1x800x32xf32, #tpu.memory_space<vmem>> -> memref<800x32xf32, #tpu.memory_space<vmem>>
      tpu.wait_dma2 semaphore(%run_scoped3A_736 : memref<!tpu.dma_semaphore, #tpu.memory_space<semaphore_mem>>) src(%dma_wait3A_760 : memref<800x32xf32, #tpu.memory_space<vmem>>) dst(%dma_wait3A_756 : memref<800x32xf32, #tpu.memory_space<hbm>>)
      tpu.yield
    }) : () -> ()
    %dma_start3A_352 = arith.constant 1 : i32
    %dma_start3A_353 = arith.constant 0 : i32
    %dma_start3A_354 = arith.constant 0 : i32
    %dma_start3A_355 = tpu.memref_slice %arg6[%dma_start3A_352, %dma_start3A_353, %dma_start3A_354] : memref<4x800x32xf32, #tpu.memory_space<vmem>> -> memref<1x800x32xf32, #tpu.memory_space<vmem>>
    %dma_start3A_356 = tpu.memref_squeeze %dma_start3A_355 : memref<1x800x32xf32, #tpu.memory_space<vmem>> -> memref<800x32xf32, #tpu.memory_space<vmem>>
    %dma_start3A_357 = arith.constant 13600 : i32
    %dma_start3A_358 = tpu.memref_slice %arg5[%dma_start3A_357] : memref<25600xi32, #tpu.memory_space<vmem>> -> memref<800xi32, #tpu.memory_space<vmem>>
    %dma_start3A_359 = arith.constant 0 : i32
    %dma_start3A_360 = arith.constant 0 : i32
    %dma_start3A_361 = tpu.memref_slice %arg3[%dma_start3A_359, %dma_start3A_360] : memref<1000000x32xf32, #tpu.memory_space<hbm>> -> memref<1000000x32xf32, #tpu.memory_space<hbm>>
    tpu.enqueue_indirect_dma source(%dma_start3A_361 : memref<1000000x32xf32, #tpu.memory_space<hbm>>) target(%dma_start3A_356 : memref<800x32xf32, #tpu.memory_space<vmem>>) offsets(%dma_start3A_358 : memref<800xi32, #tpu.memory_space<vmem>>) semaphore(%arg8 : memref<!tpu.dma_semaphore, #tpu.memory_space<semaphore_mem>>)
    %dma_wait3A_362 = arith.constant 2 : i32
    %dma_wait3A_363 = arith.constant 0 : i32
    %dma_wait3A_364 = arith.constant 0 : i32
    %dma_wait3A_365 = tpu.memref_slice %arg6[%dma_wait3A_362, %dma_wait3A_363, %dma_wait3A_364] : memref<4x800x32xf32, #tpu.memory_space<vmem>> -> memref<1x800x32xf32, #tpu.memory_space<vmem>>
    %dma_wait3A_366 = tpu.memref_squeeze %dma_wait3A_365 : memref<1x800x32xf32, #tpu.memory_space<vmem>> -> memref<800x32xf32, #tpu.memory_space<vmem>>
    %dma_wait3A_367 = arith.constant 11200 : i32
    %dma_wait3A_368 = tpu.memref_slice %arg5[%dma_wait3A_367] : memref<25600xi32, #tpu.memory_space<vmem>> -> memref<800xi32, #tpu.memory_space<vmem>>
    %dma_wait3A_369 = arith.constant 0 : i32
    %dma_wait3A_370 = arith.constant 0 : i32
    %dma_wait3A_371 = tpu.memref_slice %arg3[%dma_wait3A_369, %dma_wait3A_370] : memref<1000000x32xf32, #tpu.memory_space<hbm>> -> memref<1000000x32xf32, #tpu.memory_space<hbm>>
    tpu.wait_indirect_dma semaphore(%arg9 : memref<!tpu.dma_semaphore, #tpu.memory_space<semaphore_mem>>) src(%dma_wait3A_371 : memref<1000000x32xf32, #tpu.memory_space<hbm>>) dst(%dma_wait3A_366 : memref<800x32xf32, #tpu.memory_space<vmem>>)
    %add3A_372 = arith.constant 11200 : i32
    %add3A_373 = arith.addi %mul3A_2, %add3A_372 : i32
    %run_scoped3A_374 = arith.constant 2 : i32
    "tpu.region"() ({
      %run_scoped3A_736 = tpu.sem_alloc : memref<!tpu.dma_semaphore, #tpu.memory_space<semaphore_mem>>
      %dma_start3A_737 = arith.constant 0 : i32
      %dma_start3A_738 = arith.constant 0 : i32
      %dma_start3A_739 = tpu.memref_slice %arg6[%run_scoped3A_374, %dma_start3A_737, %dma_start3A_738] : memref<4x800x32xf32, #tpu.memory_space<vmem>> -> memref<1x800x32xf32, #tpu.memory_space<vmem>>
      %dma_start3A_740 = tpu.memref_squeeze %dma_start3A_739 : memref<1x800x32xf32, #tpu.memory_space<vmem>> -> memref<800x32xf32, #tpu.memory_space<vmem>>
      %dma_start3A_741 = arith.constant 0 : i32
      %dma_start3A_742 = tpu.memref_slice %arg4[%add3A_373, %dma_start3A_741] : memref<819200x32xf32, #tpu.memory_space<hbm>> -> memref<800x32xf32, #tpu.memory_space<hbm>>
      %dma_start3A_743 = arith.constant 0 : i32
      %dma_start3A_744 = tpu.memref_slice %arg4[%add3A_373, %dma_start3A_743] : memref<819200x32xf32, #tpu.memory_space<hbm>> -> memref<800x32xf32, #tpu.memory_space<hbm>>
      %dma_start3A_745 = arith.constant 0 : i32
      %dma_start3A_746 = arith.constant 0 : i32
      %dma_start3A_747 = tpu.memref_slice %arg6[%run_scoped3A_374, %dma_start3A_745, %dma_start3A_746] : memref<4x800x32xf32, #tpu.memory_space<vmem>> -> memref<1x800x32xf32, #tpu.memory_space<vmem>>
      %dma_start3A_748 = tpu.memref_squeeze %dma_start3A_747 : memref<1x800x32xf32, #tpu.memory_space<vmem>> -> memref<800x32xf32, #tpu.memory_space<vmem>>
      tpu.enqueue_dma source(%dma_start3A_748 : memref<800x32xf32, #tpu.memory_space<vmem>>) target(%dma_start3A_744 : memref<800x32xf32, #tpu.memory_space<hbm>>) target_semaphore(%run_scoped3A_736 : memref<!tpu.dma_semaphore, #tpu.memory_space<semaphore_mem>>)
      %dma_wait3A_749 = arith.constant 0 : i32
      %dma_wait3A_750 = arith.constant 0 : i32
      %dma_wait3A_751 = tpu.memref_slice %arg6[%run_scoped3A_374, %dma_wait3A_749, %dma_wait3A_750] : memref<4x800x32xf32, #tpu.memory_space<vmem>> -> memref<1x800x32xf32, #tpu.memory_space<vmem>>
      %dma_wait3A_752 = tpu.memref_squeeze %dma_wait3A_751 : memref<1x800x32xf32, #tpu.memory_space<vmem>> -> memref<800x32xf32, #tpu.memory_space<vmem>>
      %dma_wait3A_753 = arith.constant 0 : i32
      %dma_wait3A_754 = tpu.memref_slice %arg4[%add3A_373, %dma_wait3A_753] : memref<819200x32xf32, #tpu.memory_space<hbm>> -> memref<800x32xf32, #tpu.memory_space<hbm>>
      %dma_wait3A_755 = arith.constant 0 : i32
      %dma_wait3A_756 = tpu.memref_slice %arg4[%add3A_373, %dma_wait3A_755] : memref<819200x32xf32, #tpu.memory_space<hbm>> -> memref<800x32xf32, #tpu.memory_space<hbm>>
      %dma_wait3A_757 = arith.constant 0 : i32
      %dma_wait3A_758 = arith.constant 0 : i32
      %dma_wait3A_759 = tpu.memref_slice %arg6[%run_scoped3A_374, %dma_wait3A_757, %dma_wait3A_758] : memref<4x800x32xf32, #tpu.memory_space<vmem>> -> memref<1x800x32xf32, #tpu.memory_space<vmem>>
      %dma_wait3A_760 = tpu.memref_squeeze %dma_wait3A_759 : memref<1x800x32xf32, #tpu.memory_space<vmem>> -> memref<800x32xf32, #tpu.memory_space<vmem>>
      tpu.wait_dma2 semaphore(%run_scoped3A_736 : memref<!tpu.dma_semaphore, #tpu.memory_space<semaphore_mem>>) src(%dma_wait3A_760 : memref<800x32xf32, #tpu.memory_space<vmem>>) dst(%dma_wait3A_756 : memref<800x32xf32, #tpu.memory_space<hbm>>)
      tpu.yield
    }) : () -> ()
    %dma_start3A_375 = arith.constant 2 : i32
    %dma_start3A_376 = arith.constant 0 : i32
    %dma_start3A_377 = arith.constant 0 : i32
    %dma_start3A_378 = tpu.memref_slice %arg6[%dma_start3A_375, %dma_start3A_376, %dma_start3A_377] : memref<4x800x32xf32, #tpu.memory_space<vmem>> -> memref<1x800x32xf32, #tpu.memory_space<vmem>>
    %dma_start3A_379 = tpu.memref_squeeze %dma_start3A_378 : memref<1x800x32xf32, #tpu.memory_space<vmem>> -> memref<800x32xf32, #tpu.memory_space<vmem>>
    %dma_start3A_380 = arith.constant 14400 : i32
    %dma_start3A_381 = tpu.memref_slice %arg5[%dma_start3A_380] : memref<25600xi32, #tpu.memory_space<vmem>> -> memref<800xi32, #tpu.memory_space<vmem>>
    %dma_start3A_382 = arith.constant 0 : i32
    %dma_start3A_383 = arith.constant 0 : i32
    %dma_start3A_384 = tpu.memref_slice %arg3[%dma_start3A_382, %dma_start3A_383] : memref<1000000x32xf32, #tpu.memory_space<hbm>> -> memref<1000000x32xf32, #tpu.memory_space<hbm>>
    tpu.enqueue_indirect_dma source(%dma_start3A_384 : memref<1000000x32xf32, #tpu.memory_space<hbm>>) target(%dma_start3A_379 : memref<800x32xf32, #tpu.memory_space<vmem>>) offsets(%dma_start3A_381 : memref<800xi32, #tpu.memory_space<vmem>>) semaphore(%arg9 : memref<!tpu.dma_semaphore, #tpu.memory_space<semaphore_mem>>)
    %dma_wait3A_385 = arith.constant 3 : i32
    %dma_wait3A_386 = arith.constant 0 : i32
    %dma_wait3A_387 = arith.constant 0 : i32
    %dma_wait3A_388 = tpu.memref_slice %arg6[%dma_wait3A_385, %dma_wait3A_386, %dma_wait3A_387] : memref<4x800x32xf32, #tpu.memory_space<vmem>> -> memref<1x800x32xf32, #tpu.memory_space<vmem>>
    %dma_wait3A_389 = tpu.memref_squeeze %dma_wait3A_388 : memref<1x800x32xf32, #tpu.memory_space<vmem>> -> memref<800x32xf32, #tpu.memory_space<vmem>>
    %dma_wait3A_390 = arith.constant 12000 : i32
    %dma_wait3A_391 = tpu.memref_slice %arg5[%dma_wait3A_390] : memref<25600xi32, #tpu.memory_space<vmem>> -> memref<800xi32, #tpu.memory_space<vmem>>
    %dma_wait3A_392 = arith.constant 0 : i32
    %dma_wait3A_393 = arith.constant 0 : i32
    %dma_wait3A_394 = tpu.memref_slice %arg3[%dma_wait3A_392, %dma_wait3A_393] : memref<1000000x32xf32, #tpu.memory_space<hbm>> -> memref<1000000x32xf32, #tpu.memory_space<hbm>>
    tpu.wait_indirect_dma semaphore(%arg10 : memref<!tpu.dma_semaphore, #tpu.memory_space<semaphore_mem>>) src(%dma_wait3A_394 : memref<1000000x32xf32, #tpu.memory_space<hbm>>) dst(%dma_wait3A_389 : memref<800x32xf32, #tpu.memory_space<vmem>>)
    %add3A_395 = arith.constant 12000 : i32
    %add3A_396 = arith.addi %mul3A_2, %add3A_395 : i32
    %run_scoped3A_397 = arith.constant 3 : i32
    "tpu.region"() ({
      %run_scoped3A_736 = tpu.sem_alloc : memref<!tpu.dma_semaphore, #tpu.memory_space<semaphore_mem>>
      %dma_start3A_737 = arith.constant 0 : i32
      %dma_start3A_738 = arith.constant 0 : i32
      %dma_start3A_739 = tpu.memref_slice %arg6[%run_scoped3A_397, %dma_start3A_737, %dma_start3A_738] : memref<4x800x32xf32, #tpu.memory_space<vmem>> -> memref<1x800x32xf32, #tpu.memory_space<vmem>>
      %dma_start3A_740 = tpu.memref_squeeze %dma_start3A_739 : memref<1x800x32xf32, #tpu.memory_space<vmem>> -> memref<800x32xf32, #tpu.memory_space<vmem>>
      %dma_start3A_741 = arith.constant 0 : i32
      %dma_start3A_742 = tpu.memref_slice %arg4[%add3A_396, %dma_start3A_741] : memref<819200x32xf32, #tpu.memory_space<hbm>> -> memref<800x32xf32, #tpu.memory_space<hbm>>
      %dma_start3A_743 = arith.constant 0 : i32
      %dma_start3A_744 = tpu.memref_slice %arg4[%add3A_396, %dma_start3A_743] : memref<819200x32xf32, #tpu.memory_space<hbm>> -> memref<800x32xf32, #tpu.memory_space<hbm>>
      %dma_start3A_745 = arith.constant 0 : i32
      %dma_start3A_746 = arith.constant 0 : i32
      %dma_start3A_747 = tpu.memref_slice %arg6[%run_scoped3A_397, %dma_start3A_745, %dma_start3A_746] : memref<4x800x32xf32, #tpu.memory_space<vmem>> -> memref<1x800x32xf32, #tpu.memory_space<vmem>>
      %dma_start3A_748 = tpu.memref_squeeze %dma_start3A_747 : memref<1x800x32xf32, #tpu.memory_space<vmem>> -> memref<800x32xf32, #tpu.memory_space<vmem>>
      tpu.enqueue_dma source(%dma_start3A_748 : memref<800x32xf32, #tpu.memory_space<vmem>>) target(%dma_start3A_744 : memref<800x32xf32, #tpu.memory_space<hbm>>) target_semaphore(%run_scoped3A_736 : memref<!tpu.dma_semaphore, #tpu.memory_space<semaphore_mem>>)
      %dma_wait3A_749 = arith.constant 0 : i32
      %dma_wait3A_750 = arith.constant 0 : i32
      %dma_wait3A_751 = tpu.memref_slice %arg6[%run_scoped3A_397, %dma_wait3A_749, %dma_wait3A_750] : memref<4x800x32xf32, #tpu.memory_space<vmem>> -> memref<1x800x32xf32, #tpu.memory_space<vmem>>
      %dma_wait3A_752 = tpu.memref_squeeze %dma_wait3A_751 : memref<1x800x32xf32, #tpu.memory_space<vmem>> -> memref<800x32xf32, #tpu.memory_space<vmem>>
      %dma_wait3A_753 = arith.constant 0 : i32
      %dma_wait3A_754 = tpu.memref_slice %arg4[%add3A_396, %dma_wait3A_753] : memref<819200x32xf32, #tpu.memory_space<hbm>> -> memref<800x32xf32, #tpu.memory_space<hbm>>
      %dma_wait3A_755 = arith.constant 0 : i32
      %dma_wait3A_756 = tpu.memref_slice %arg4[%add3A_396, %dma_wait3A_755] : memref<819200x32xf32, #tpu.memory_space<hbm>> -> memref<800x32xf32, #tpu.memory_space<hbm>>
      %dma_wait3A_757 = arith.constant 0 : i32
      %dma_wait3A_758 = arith.constant 0 : i32
      %dma_wait3A_759 = tpu.memref_slice %arg6[%run_scoped3A_397, %dma_wait3A_757, %dma_wait3A_758] : memref<4x800x32xf32, #tpu.memory_space<vmem>> -> memref<1x800x32xf32, #tpu.memory_space<vmem>>
      %dma_wait3A_760 = tpu.memref_squeeze %dma_wait3A_759 : memref<1x800x32xf32, #tpu.memory_space<vmem>> -> memref<800x32xf32, #tpu.memory_space<vmem>>
      tpu.wait_dma2 semaphore(%run_scoped3A_736 : memref<!tpu.dma_semaphore, #tpu.memory_space<semaphore_mem>>) src(%dma_wait3A_760 : memref<800x32xf32, #tpu.memory_space<vmem>>) dst(%dma_wait3A_756 : memref<800x32xf32, #tpu.memory_space<hbm>>)
      tpu.yield
    }) : () -> ()
    %dma_start3A_398 = arith.constant 3 : i32
    %dma_start3A_399 = arith.constant 0 : i32
    %dma_start3A_400 = arith.constant 0 : i32
    %dma_start3A_401 = tpu.memref_slice %arg6[%dma_start3A_398, %dma_start3A_399, %dma_start3A_400] : memref<4x800x32xf32, #tpu.memory_space<vmem>> -> memref<1x800x32xf32, #tpu.memory_space<vmem>>
    %dma_start3A_402 = tpu.memref_squeeze %dma_start3A_401 : memref<1x800x32xf32, #tpu.memory_space<vmem>> -> memref<800x32xf32, #tpu.memory_space<vmem>>
    %dma_start3A_403 = arith.constant 15200 : i32
    %dma_start3A_404 = tpu.memref_slice %arg5[%dma_start3A_403] : memref<25600xi32, #tpu.memory_space<vmem>> -> memref<800xi32, #tpu.memory_space<vmem>>
    %dma_start3A_405 = arith.constant 0 : i32
    %dma_start3A_406 = arith.constant 0 : i32
    %dma_start3A_407 = tpu.memref_slice %arg3[%dma_start3A_405, %dma_start3A_406] : memref<1000000x32xf32, #tpu.memory_space<hbm>> -> memref<1000000x32xf32, #tpu.memory_space<hbm>>
    tpu.enqueue_indirect_dma source(%dma_start3A_407 : memref<1000000x32xf32, #tpu.memory_space<hbm>>) target(%dma_start3A_402 : memref<800x32xf32, #tpu.memory_space<vmem>>) offsets(%dma_start3A_404 : memref<800xi32, #tpu.memory_space<vmem>>) semaphore(%arg10 : memref<!tpu.dma_semaphore, #tpu.memory_space<semaphore_mem>>)
    %dma_wait3A_408 = arith.constant 0 : i32
    %dma_wait3A_409 = arith.constant 0 : i32
    %dma_wait3A_410 = arith.constant 0 : i32
    %dma_wait3A_411 = tpu.memref_slice %arg6[%dma_wait3A_408, %dma_wait3A_409, %dma_wait3A_410] : memref<4x800x32xf32, #tpu.memory_space<vmem>> -> memref<1x800x32xf32, #tpu.memory_space<vmem>>
    %dma_wait3A_412 = tpu.memref_squeeze %dma_wait3A_411 : memref<1x800x32xf32, #tpu.memory_space<vmem>> -> memref<800x32xf32, #tpu.memory_space<vmem>>
    %dma_wait3A_413 = arith.constant 12800 : i32
    %dma_wait3A_414 = tpu.memref_slice %arg5[%dma_wait3A_413] : memref<25600xi32, #tpu.memory_space<vmem>> -> memref<800xi32, #tpu.memory_space<vmem>>
    %dma_wait3A_415 = arith.constant 0 : i32
    %dma_wait3A_416 = arith.constant 0 : i32
    %dma_wait3A_417 = tpu.memref_slice %arg3[%dma_wait3A_415, %dma_wait3A_416] : memref<1000000x32xf32, #tpu.memory_space<hbm>> -> memref<1000000x32xf32, #tpu.memory_space<hbm>>
    tpu.wait_indirect_dma semaphore(%arg7 : memref<!tpu.dma_semaphore, #tpu.memory_space<semaphore_mem>>) src(%dma_wait3A_417 : memref<1000000x32xf32, #tpu.memory_space<hbm>>) dst(%dma_wait3A_412 : memref<800x32xf32, #tpu.memory_space<vmem>>)
    %add3A_418 = arith.constant 12800 : i32
    %add3A_419 = arith.addi %mul3A_2, %add3A_418 : i32
    %run_scoped3A_420 = arith.constant 0 : i32
    "tpu.region"() ({
      %run_scoped3A_736 = tpu.sem_alloc : memref<!tpu.dma_semaphore, #tpu.memory_space<semaphore_mem>>
      %dma_start3A_737 = arith.constant 0 : i32
      %dma_start3A_738 = arith.constant 0 : i32
      %dma_start3A_739 = tpu.memref_slice %arg6[%run_scoped3A_420, %dma_start3A_737, %dma_start3A_738] : memref<4x800x32xf32, #tpu.memory_space<vmem>> -> memref<1x800x32xf32, #tpu.memory_space<vmem>>
      %dma_start3A_740 = tpu.memref_squeeze %dma_start3A_739 : memref<1x800x32xf32, #tpu.memory_space<vmem>> -> memref<800x32xf32, #tpu.memory_space<vmem>>
      %dma_start3A_741 = arith.constant 0 : i32
      %dma_start3A_742 = tpu.memref_slice %arg4[%add3A_419, %dma_start3A_741] : memref<819200x32xf32, #tpu.memory_space<hbm>> -> memref<800x32xf32, #tpu.memory_space<hbm>>
      %dma_start3A_743 = arith.constant 0 : i32
      %dma_start3A_744 = tpu.memref_slice %arg4[%add3A_419, %dma_start3A_743] : memref<819200x32xf32, #tpu.memory_space<hbm>> -> memref<800x32xf32, #tpu.memory_space<hbm>>
      %dma_start3A_745 = arith.constant 0 : i32
      %dma_start3A_746 = arith.constant 0 : i32
      %dma_start3A_747 = tpu.memref_slice %arg6[%run_scoped3A_420, %dma_start3A_745, %dma_start3A_746] : memref<4x800x32xf32, #tpu.memory_space<vmem>> -> memref<1x800x32xf32, #tpu.memory_space<vmem>>
      %dma_start3A_748 = tpu.memref_squeeze %dma_start3A_747 : memref<1x800x32xf32, #tpu.memory_space<vmem>> -> memref<800x32xf32, #tpu.memory_space<vmem>>
      tpu.enqueue_dma source(%dma_start3A_748 : memref<800x32xf32, #tpu.memory_space<vmem>>) target(%dma_start3A_744 : memref<800x32xf32, #tpu.memory_space<hbm>>) target_semaphore(%run_scoped3A_736 : memref<!tpu.dma_semaphore, #tpu.memory_space<semaphore_mem>>)
      %dma_wait3A_749 = arith.constant 0 : i32
      %dma_wait3A_750 = arith.constant 0 : i32
      %dma_wait3A_751 = tpu.memref_slice %arg6[%run_scoped3A_420, %dma_wait3A_749, %dma_wait3A_750] : memref<4x800x32xf32, #tpu.memory_space<vmem>> -> memref<1x800x32xf32, #tpu.memory_space<vmem>>
      %dma_wait3A_752 = tpu.memref_squeeze %dma_wait3A_751 : memref<1x800x32xf32, #tpu.memory_space<vmem>> -> memref<800x32xf32, #tpu.memory_space<vmem>>
      %dma_wait3A_753 = arith.constant 0 : i32
      %dma_wait3A_754 = tpu.memref_slice %arg4[%add3A_419, %dma_wait3A_753] : memref<819200x32xf32, #tpu.memory_space<hbm>> -> memref<800x32xf32, #tpu.memory_space<hbm>>
      %dma_wait3A_755 = arith.constant 0 : i32
      %dma_wait3A_756 = tpu.memref_slice %arg4[%add3A_419, %dma_wait3A_755] : memref<819200x32xf32, #tpu.memory_space<hbm>> -> memref<800x32xf32, #tpu.memory_space<hbm>>
      %dma_wait3A_757 = arith.constant 0 : i32
      %dma_wait3A_758 = arith.constant 0 : i32
      %dma_wait3A_759 = tpu.memref_slice %arg6[%run_scoped3A_420, %dma_wait3A_757, %dma_wait3A_758] : memref<4x800x32xf32, #tpu.memory_space<vmem>> -> memref<1x800x32xf32, #tpu.memory_space<vmem>>
      %dma_wait3A_760 = tpu.memref_squeeze %dma_wait3A_759 : memref<1x800x32xf32, #tpu.memory_space<vmem>> -> memref<800x32xf32, #tpu.memory_space<vmem>>
      tpu.wait_dma2 semaphore(%run_scoped3A_736 : memref<!tpu.dma_semaphore, #tpu.memory_space<semaphore_mem>>) src(%dma_wait3A_760 : memref<800x32xf32, #tpu.memory_space<vmem>>) dst(%dma_wait3A_756 : memref<800x32xf32, #tpu.memory_space<hbm>>)
      tpu.yield
    }) : () -> ()
    %dma_start3A_421 = arith.constant 0 : i32
    %dma_start3A_422 = arith.constant 0 : i32
    %dma_start3A_423 = arith.constant 0 : i32
    %dma_start3A_424 = tpu.memref_slice %arg6[%dma_start3A_421, %dma_start3A_422, %dma_start3A_423] : memref<4x800x32xf32, #tpu.memory_space<vmem>> -> memref<1x800x32xf32, #tpu.memory_space<vmem>>
    %dma_start3A_425 = tpu.memref_squeeze %dma_start3A_424 : memref<1x800x32xf32, #tpu.memory_space<vmem>> -> memref<800x32xf32, #tpu.memory_space<vmem>>
    %dma_start3A_426 = arith.constant 16000 : i32
    %dma_start3A_427 = tpu.memref_slice %arg5[%dma_start3A_426] : memref<25600xi32, #tpu.memory_space<vmem>> -> memref<800xi32, #tpu.memory_space<vmem>>
    %dma_start3A_428 = arith.constant 0 : i32
    %dma_start3A_429 = arith.constant 0 : i32
    %dma_start3A_430 = tpu.memref_slice %arg3[%dma_start3A_428, %dma_start3A_429] : memref<1000000x32xf32, #tpu.memory_space<hbm>> -> memref<1000000x32xf32, #tpu.memory_space<hbm>>
    tpu.enqueue_indirect_dma source(%dma_start3A_430 : memref<1000000x32xf32, #tpu.memory_space<hbm>>) target(%dma_start3A_425 : memref<800x32xf32, #tpu.memory_space<vmem>>) offsets(%dma_start3A_427 : memref<800xi32, #tpu.memory_space<vmem>>) semaphore(%arg7 : memref<!tpu.dma_semaphore, #tpu.memory_space<semaphore_mem>>)
    %dma_wait3A_431 = arith.constant 1 : i32
    %dma_wait3A_432 = arith.constant 0 : i32
    %dma_wait3A_433 = arith.constant 0 : i32
    %dma_wait3A_434 = tpu.memref_slice %arg6[%dma_wait3A_431, %dma_wait3A_432, %dma_wait3A_433] : memref<4x800x32xf32, #tpu.memory_space<vmem>> -> memref<1x800x32xf32, #tpu.memory_space<vmem>>
    %dma_wait3A_435 = tpu.memref_squeeze %dma_wait3A_434 : memref<1x800x32xf32, #tpu.memory_space<vmem>> -> memref<800x32xf32, #tpu.memory_space<vmem>>
    %dma_wait3A_436 = arith.constant 13600 : i32
    %dma_wait3A_437 = tpu.memref_slice %arg5[%dma_wait3A_436] : memref<25600xi32, #tpu.memory_space<vmem>> -> memref<800xi32, #tpu.memory_space<vmem>>
    %dma_wait3A_438 = arith.constant 0 : i32
    %dma_wait3A_439 = arith.constant 0 : i32
    %dma_wait3A_440 = tpu.memref_slice %arg3[%dma_wait3A_438, %dma_wait3A_439] : memref<1000000x32xf32, #tpu.memory_space<hbm>> -> memref<1000000x32xf32, #tpu.memory_space<hbm>>
    tpu.wait_indirect_dma semaphore(%arg8 : memref<!tpu.dma_semaphore, #tpu.memory_space<semaphore_mem>>) src(%dma_wait3A_440 : memref<1000000x32xf32, #tpu.memory_space<hbm>>) dst(%dma_wait3A_435 : memref<800x32xf32, #tpu.memory_space<vmem>>)
    %add3A_441 = arith.constant 13600 : i32
    %add3A_442 = arith.addi %mul3A_2, %add3A_441 : i32
    %run_scoped3A_443 = arith.constant 1 : i32
    "tpu.region"() ({
      %run_scoped3A_736 = tpu.sem_alloc : memref<!tpu.dma_semaphore, #tpu.memory_space<semaphore_mem>>
      %dma_start3A_737 = arith.constant 0 : i32
      %dma_start3A_738 = arith.constant 0 : i32
      %dma_start3A_739 = tpu.memref_slice %arg6[%run_scoped3A_443, %dma_start3A_737, %dma_start3A_738] : memref<4x800x32xf32, #tpu.memory_space<vmem>> -> memref<1x800x32xf32, #tpu.memory_space<vmem>>
      %dma_start3A_740 = tpu.memref_squeeze %dma_start3A_739 : memref<1x800x32xf32, #tpu.memory_space<vmem>> -> memref<800x32xf32, #tpu.memory_space<vmem>>
      %dma_start3A_741 = arith.constant 0 : i32
      %dma_start3A_742 = tpu.memref_slice %arg4[%add3A_442, %dma_start3A_741] : memref<819200x32xf32, #tpu.memory_space<hbm>> -> memref<800x32xf32, #tpu.memory_space<hbm>>
      %dma_start3A_743 = arith.constant 0 : i32
      %dma_start3A_744 = tpu.memref_slice %arg4[%add3A_442, %dma_start3A_743] : memref<819200x32xf32, #tpu.memory_space<hbm>> -> memref<800x32xf32, #tpu.memory_space<hbm>>
      %dma_start3A_745 = arith.constant 0 : i32
      %dma_start3A_746 = arith.constant 0 : i32
      %dma_start3A_747 = tpu.memref_slice %arg6[%run_scoped3A_443, %dma_start3A_745, %dma_start3A_746] : memref<4x800x32xf32, #tpu.memory_space<vmem>> -> memref<1x800x32xf32, #tpu.memory_space<vmem>>
      %dma_start3A_748 = tpu.memref_squeeze %dma_start3A_747 : memref<1x800x32xf32, #tpu.memory_space<vmem>> -> memref<800x32xf32, #tpu.memory_space<vmem>>
      tpu.enqueue_dma source(%dma_start3A_748 : memref<800x32xf32, #tpu.memory_space<vmem>>) target(%dma_start3A_744 : memref<800x32xf32, #tpu.memory_space<hbm>>) target_semaphore(%run_scoped3A_736 : memref<!tpu.dma_semaphore, #tpu.memory_space<semaphore_mem>>)
      %dma_wait3A_749 = arith.constant 0 : i32
      %dma_wait3A_750 = arith.constant 0 : i32
      %dma_wait3A_751 = tpu.memref_slice %arg6[%run_scoped3A_443, %dma_wait3A_749, %dma_wait3A_750] : memref<4x800x32xf32, #tpu.memory_space<vmem>> -> memref<1x800x32xf32, #tpu.memory_space<vmem>>
      %dma_wait3A_752 = tpu.memref_squeeze %dma_wait3A_751 : memref<1x800x32xf32, #tpu.memory_space<vmem>> -> memref<800x32xf32, #tpu.memory_space<vmem>>
      %dma_wait3A_753 = arith.constant 0 : i32
      %dma_wait3A_754 = tpu.memref_slice %arg4[%add3A_442, %dma_wait3A_753] : memref<819200x32xf32, #tpu.memory_space<hbm>> -> memref<800x32xf32, #tpu.memory_space<hbm>>
      %dma_wait3A_755 = arith.constant 0 : i32
      %dma_wait3A_756 = tpu.memref_slice %arg4[%add3A_442, %dma_wait3A_755] : memref<819200x32xf32, #tpu.memory_space<hbm>> -> memref<800x32xf32, #tpu.memory_space<hbm>>
      %dma_wait3A_757 = arith.constant 0 : i32
      %dma_wait3A_758 = arith.constant 0 : i32
      %dma_wait3A_759 = tpu.memref_slice %arg6[%run_scoped3A_443, %dma_wait3A_757, %dma_wait3A_758] : memref<4x800x32xf32, #tpu.memory_space<vmem>> -> memref<1x800x32xf32, #tpu.memory_space<vmem>>
      %dma_wait3A_760 = tpu.memref_squeeze %dma_wait3A_759 : memref<1x800x32xf32, #tpu.memory_space<vmem>> -> memref<800x32xf32, #tpu.memory_space<vmem>>
      tpu.wait_dma2 semaphore(%run_scoped3A_736 : memref<!tpu.dma_semaphore, #tpu.memory_space<semaphore_mem>>) src(%dma_wait3A_760 : memref<800x32xf32, #tpu.memory_space<vmem>>) dst(%dma_wait3A_756 : memref<800x32xf32, #tpu.memory_space<hbm>>)
      tpu.yield
    }) : () -> ()
    %dma_start3A_444 = arith.constant 1 : i32
    %dma_start3A_445 = arith.constant 0 : i32
    %dma_start3A_446 = arith.constant 0 : i32
    %dma_start3A_447 = tpu.memref_slice %arg6[%dma_start3A_444, %dma_start3A_445, %dma_start3A_446] : memref<4x800x32xf32, #tpu.memory_space<vmem>> -> memref<1x800x32xf32, #tpu.memory_space<vmem>>
    %dma_start3A_448 = tpu.memref_squeeze %dma_start3A_447 : memref<1x800x32xf32, #tpu.memory_space<vmem>> -> memref<800x32xf32, #tpu.memory_space<vmem>>
    %dma_start3A_449 = arith.constant 16800 : i32
    %dma_start3A_450 = tpu.memref_slice %arg5[%dma_start3A_449] : memref<25600xi32, #tpu.memory_space<vmem>> -> memref<800xi32, #tpu.memory_space<vmem>>
    %dma_start3A_451 = arith.constant 0 : i32
    %dma_start3A_452 = arith.constant 0 : i32
    %dma_start3A_453 = tpu.memref_slice %arg3[%dma_start3A_451, %dma_start3A_452] : memref<1000000x32xf32, #tpu.memory_space<hbm>> -> memref<1000000x32xf32, #tpu.memory_space<hbm>>
    tpu.enqueue_indirect_dma source(%dma_start3A_453 : memref<1000000x32xf32, #tpu.memory_space<hbm>>) target(%dma_start3A_448 : memref<800x32xf32, #tpu.memory_space<vmem>>) offsets(%dma_start3A_450 : memref<800xi32, #tpu.memory_space<vmem>>) semaphore(%arg8 : memref<!tpu.dma_semaphore, #tpu.memory_space<semaphore_mem>>)
    %dma_wait3A_454 = arith.constant 2 : i32
    %dma_wait3A_455 = arith.constant 0 : i32
    %dma_wait3A_456 = arith.constant 0 : i32
    %dma_wait3A_457 = tpu.memref_slice %arg6[%dma_wait3A_454, %dma_wait3A_455, %dma_wait3A_456] : memref<4x800x32xf32, #tpu.memory_space<vmem>> -> memref<1x800x32xf32, #tpu.memory_space<vmem>>
    %dma_wait3A_458 = tpu.memref_squeeze %dma_wait3A_457 : memref<1x800x32xf32, #tpu.memory_space<vmem>> -> memref<800x32xf32, #tpu.memory_space<vmem>>
    %dma_wait3A_459 = arith.constant 14400 : i32
    %dma_wait3A_460 = tpu.memref_slice %arg5[%dma_wait3A_459] : memref<25600xi32, #tpu.memory_space<vmem>> -> memref<800xi32, #tpu.memory_space<vmem>>
    %dma_wait3A_461 = arith.constant 0 : i32
    %dma_wait3A_462 = arith.constant 0 : i32
    %dma_wait3A_463 = tpu.memref_slice %arg3[%dma_wait3A_461, %dma_wait3A_462] : memref<1000000x32xf32, #tpu.memory_space<hbm>> -> memref<1000000x32xf32, #tpu.memory_space<hbm>>
    tpu.wait_indirect_dma semaphore(%arg9 : memref<!tpu.dma_semaphore, #tpu.memory_space<semaphore_mem>>) src(%dma_wait3A_463 : memref<1000000x32xf32, #tpu.memory_space<hbm>>) dst(%dma_wait3A_458 : memref<800x32xf32, #tpu.memory_space<vmem>>)
    %add3A_464 = arith.constant 14400 : i32
    %add3A_465 = arith.addi %mul3A_2, %add3A_464 : i32
    %run_scoped3A_466 = arith.constant 2 : i32
    "tpu.region"() ({
      %run_scoped3A_736 = tpu.sem_alloc : memref<!tpu.dma_semaphore, #tpu.memory_space<semaphore_mem>>
      %dma_start3A_737 = arith.constant 0 : i32
      %dma_start3A_738 = arith.constant 0 : i32
      %dma_start3A_739 = tpu.memref_slice %arg6[%run_scoped3A_466, %dma_start3A_737, %dma_start3A_738] : memref<4x800x32xf32, #tpu.memory_space<vmem>> -> memref<1x800x32xf32, #tpu.memory_space<vmem>>
      %dma_start3A_740 = tpu.memref_squeeze %dma_start3A_739 : memref<1x800x32xf32, #tpu.memory_space<vmem>> -> memref<800x32xf32, #tpu.memory_space<vmem>>
      %dma_start3A_741 = arith.constant 0 : i32
      %dma_start3A_742 = tpu.memref_slice %arg4[%add3A_465, %dma_start3A_741] : memref<819200x32xf32, #tpu.memory_space<hbm>> -> memref<800x32xf32, #tpu.memory_space<hbm>>
      %dma_start3A_743 = arith.constant 0 : i32
      %dma_start3A_744 = tpu.memref_slice %arg4[%add3A_465, %dma_start3A_743] : memref<819200x32xf32, #tpu.memory_space<hbm>> -> memref<800x32xf32, #tpu.memory_space<hbm>>
      %dma_start3A_745 = arith.constant 0 : i32
      %dma_start3A_746 = arith.constant 0 : i32
      %dma_start3A_747 = tpu.memref_slice %arg6[%run_scoped3A_466, %dma_start3A_745, %dma_start3A_746] : memref<4x800x32xf32, #tpu.memory_space<vmem>> -> memref<1x800x32xf32, #tpu.memory_space<vmem>>
      %dma_start3A_748 = tpu.memref_squeeze %dma_start3A_747 : memref<1x800x32xf32, #tpu.memory_space<vmem>> -> memref<800x32xf32, #tpu.memory_space<vmem>>
      tpu.enqueue_dma source(%dma_start3A_748 : memref<800x32xf32, #tpu.memory_space<vmem>>) target(%dma_start3A_744 : memref<800x32xf32, #tpu.memory_space<hbm>>) target_semaphore(%run_scoped3A_736 : memref<!tpu.dma_semaphore, #tpu.memory_space<semaphore_mem>>)
      %dma_wait3A_749 = arith.constant 0 : i32
      %dma_wait3A_750 = arith.constant 0 : i32
      %dma_wait3A_751 = tpu.memref_slice %arg6[%run_scoped3A_466, %dma_wait3A_749, %dma_wait3A_750] : memref<4x800x32xf32, #tpu.memory_space<vmem>> -> memref<1x800x32xf32, #tpu.memory_space<vmem>>
      %dma_wait3A_752 = tpu.memref_squeeze %dma_wait3A_751 : memref<1x800x32xf32, #tpu.memory_space<vmem>> -> memref<800x32xf32, #tpu.memory_space<vmem>>
      %dma_wait3A_753 = arith.constant 0 : i32
      %dma_wait3A_754 = tpu.memref_slice %arg4[%add3A_465, %dma_wait3A_753] : memref<819200x32xf32, #tpu.memory_space<hbm>> -> memref<800x32xf32, #tpu.memory_space<hbm>>
      %dma_wait3A_755 = arith.constant 0 : i32
      %dma_wait3A_756 = tpu.memref_slice %arg4[%add3A_465, %dma_wait3A_755] : memref<819200x32xf32, #tpu.memory_space<hbm>> -> memref<800x32xf32, #tpu.memory_space<hbm>>
      %dma_wait3A_757 = arith.constant 0 : i32
      %dma_wait3A_758 = arith.constant 0 : i32
      %dma_wait3A_759 = tpu.memref_slice %arg6[%run_scoped3A_466, %dma_wait3A_757, %dma_wait3A_758] : memref<4x800x32xf32, #tpu.memory_space<vmem>> -> memref<1x800x32xf32, #tpu.memory_space<vmem>>
      %dma_wait3A_760 = tpu.memref_squeeze %dma_wait3A_759 : memref<1x800x32xf32, #tpu.memory_space<vmem>> -> memref<800x32xf32, #tpu.memory_space<vmem>>
      tpu.wait_dma2 semaphore(%run_scoped3A_736 : memref<!tpu.dma_semaphore, #tpu.memory_space<semaphore_mem>>) src(%dma_wait3A_760 : memref<800x32xf32, #tpu.memory_space<vmem>>) dst(%dma_wait3A_756 : memref<800x32xf32, #tpu.memory_space<hbm>>)
      tpu.yield
    }) : () -> ()
    %dma_start3A_467 = arith.constant 2 : i32
    %dma_start3A_468 = arith.constant 0 : i32
    %dma_start3A_469 = arith.constant 0 : i32
    %dma_start3A_470 = tpu.memref_slice %arg6[%dma_start3A_467, %dma_start3A_468, %dma_start3A_469] : memref<4x800x32xf32, #tpu.memory_space<vmem>> -> memref<1x800x32xf32, #tpu.memory_space<vmem>>
    %dma_start3A_471 = tpu.memref_squeeze %dma_start3A_470 : memref<1x800x32xf32, #tpu.memory_space<vmem>> -> memref<800x32xf32, #tpu.memory_space<vmem>>
    %dma_start3A_472 = arith.constant 17600 : i32
    %dma_start3A_473 = tpu.memref_slice %arg5[%dma_start3A_472] : memref<25600xi32, #tpu.memory_space<vmem>> -> memref<800xi32, #tpu.memory_space<vmem>>
    %dma_start3A_474 = arith.constant 0 : i32
    %dma_start3A_475 = arith.constant 0 : i32
    %dma_start3A_476 = tpu.memref_slice %arg3[%dma_start3A_474, %dma_start3A_475] : memref<1000000x32xf32, #tpu.memory_space<hbm>> -> memref<1000000x32xf32, #tpu.memory_space<hbm>>
    tpu.enqueue_indirect_dma source(%dma_start3A_476 : memref<1000000x32xf32, #tpu.memory_space<hbm>>) target(%dma_start3A_471 : memref<800x32xf32, #tpu.memory_space<vmem>>) offsets(%dma_start3A_473 : memref<800xi32, #tpu.memory_space<vmem>>) semaphore(%arg9 : memref<!tpu.dma_semaphore, #tpu.memory_space<semaphore_mem>>)
    %dma_wait3A_477 = arith.constant 3 : i32
    %dma_wait3A_478 = arith.constant 0 : i32
    %dma_wait3A_479 = arith.constant 0 : i32
    %dma_wait3A_480 = tpu.memref_slice %arg6[%dma_wait3A_477, %dma_wait3A_478, %dma_wait3A_479] : memref<4x800x32xf32, #tpu.memory_space<vmem>> -> memref<1x800x32xf32, #tpu.memory_space<vmem>>
    %dma_wait3A_481 = tpu.memref_squeeze %dma_wait3A_480 : memref<1x800x32xf32, #tpu.memory_space<vmem>> -> memref<800x32xf32, #tpu.memory_space<vmem>>
    %dma_wait3A_482 = arith.constant 15200 : i32
    %dma_wait3A_483 = tpu.memref_slice %arg5[%dma_wait3A_482] : memref<25600xi32, #tpu.memory_space<vmem>> -> memref<800xi32, #tpu.memory_space<vmem>>
    %dma_wait3A_484 = arith.constant 0 : i32
    %dma_wait3A_485 = arith.constant 0 : i32
    %dma_wait3A_486 = tpu.memref_slice %arg3[%dma_wait3A_484, %dma_wait3A_485] : memref<1000000x32xf32, #tpu.memory_space<hbm>> -> memref<1000000x32xf32, #tpu.memory_space<hbm>>
    tpu.wait_indirect_dma semaphore(%arg10 : memref<!tpu.dma_semaphore, #tpu.memory_space<semaphore_mem>>) src(%dma_wait3A_486 : memref<1000000x32xf32, #tpu.memory_space<hbm>>) dst(%dma_wait3A_481 : memref<800x32xf32, #tpu.memory_space<vmem>>)
    %add3A_487 = arith.constant 15200 : i32
    %add3A_488 = arith.addi %mul3A_2, %add3A_487 : i32
    %run_scoped3A_489 = arith.constant 3 : i32
    "tpu.region"() ({
      %run_scoped3A_736 = tpu.sem_alloc : memref<!tpu.dma_semaphore, #tpu.memory_space<semaphore_mem>>
      %dma_start3A_737 = arith.constant 0 : i32
      %dma_start3A_738 = arith.constant 0 : i32
      %dma_start3A_739 = tpu.memref_slice %arg6[%run_scoped3A_489, %dma_start3A_737, %dma_start3A_738] : memref<4x800x32xf32, #tpu.memory_space<vmem>> -> memref<1x800x32xf32, #tpu.memory_space<vmem>>
      %dma_start3A_740 = tpu.memref_squeeze %dma_start3A_739 : memref<1x800x32xf32, #tpu.memory_space<vmem>> -> memref<800x32xf32, #tpu.memory_space<vmem>>
      %dma_start3A_741 = arith.constant 0 : i32
      %dma_start3A_742 = tpu.memref_slice %arg4[%add3A_488, %dma_start3A_741] : memref<819200x32xf32, #tpu.memory_space<hbm>> -> memref<800x32xf32, #tpu.memory_space<hbm>>
      %dma_start3A_743 = arith.constant 0 : i32
      %dma_start3A_744 = tpu.memref_slice %arg4[%add3A_488, %dma_start3A_743] : memref<819200x32xf32, #tpu.memory_space<hbm>> -> memref<800x32xf32, #tpu.memory_space<hbm>>
      %dma_start3A_745 = arith.constant 0 : i32
      %dma_start3A_746 = arith.constant 0 : i32
      %dma_start3A_747 = tpu.memref_slice %arg6[%run_scoped3A_489, %dma_start3A_745, %dma_start3A_746] : memref<4x800x32xf32, #tpu.memory_space<vmem>> -> memref<1x800x32xf32, #tpu.memory_space<vmem>>
      %dma_start3A_748 = tpu.memref_squeeze %dma_start3A_747 : memref<1x800x32xf32, #tpu.memory_space<vmem>> -> memref<800x32xf32, #tpu.memory_space<vmem>>
      tpu.enqueue_dma source(%dma_start3A_748 : memref<800x32xf32, #tpu.memory_space<vmem>>) target(%dma_start3A_744 : memref<800x32xf32, #tpu.memory_space<hbm>>) target_semaphore(%run_scoped3A_736 : memref<!tpu.dma_semaphore, #tpu.memory_space<semaphore_mem>>)
      %dma_wait3A_749 = arith.constant 0 : i32
      %dma_wait3A_750 = arith.constant 0 : i32
      %dma_wait3A_751 = tpu.memref_slice %arg6[%run_scoped3A_489, %dma_wait3A_749, %dma_wait3A_750] : memref<4x800x32xf32, #tpu.memory_space<vmem>> -> memref<1x800x32xf32, #tpu.memory_space<vmem>>
      %dma_wait3A_752 = tpu.memref_squeeze %dma_wait3A_751 : memref<1x800x32xf32, #tpu.memory_space<vmem>> -> memref<800x32xf32, #tpu.memory_space<vmem>>
      %dma_wait3A_753 = arith.constant 0 : i32
      %dma_wait3A_754 = tpu.memref_slice %arg4[%add3A_488, %dma_wait3A_753] : memref<819200x32xf32, #tpu.memory_space<hbm>> -> memref<800x32xf32, #tpu.memory_space<hbm>>
      %dma_wait3A_755 = arith.constant 0 : i32
      %dma_wait3A_756 = tpu.memref_slice %arg4[%add3A_488, %dma_wait3A_755] : memref<819200x32xf32, #tpu.memory_space<hbm>> -> memref<800x32xf32, #tpu.memory_space<hbm>>
      %dma_wait3A_757 = arith.constant 0 : i32
      %dma_wait3A_758 = arith.constant 0 : i32
      %dma_wait3A_759 = tpu.memref_slice %arg6[%run_scoped3A_489, %dma_wait3A_757, %dma_wait3A_758] : memref<4x800x32xf32, #tpu.memory_space<vmem>> -> memref<1x800x32xf32, #tpu.memory_space<vmem>>
      %dma_wait3A_760 = tpu.memref_squeeze %dma_wait3A_759 : memref<1x800x32xf32, #tpu.memory_space<vmem>> -> memref<800x32xf32, #tpu.memory_space<vmem>>
      tpu.wait_dma2 semaphore(%run_scoped3A_736 : memref<!tpu.dma_semaphore, #tpu.memory_space<semaphore_mem>>) src(%dma_wait3A_760 : memref<800x32xf32, #tpu.memory_space<vmem>>) dst(%dma_wait3A_756 : memref<800x32xf32, #tpu.memory_space<hbm>>)
      tpu.yield
    }) : () -> ()
    %dma_start3A_490 = arith.constant 3 : i32
    %dma_start3A_491 = arith.constant 0 : i32
    %dma_start3A_492 = arith.constant 0 : i32
    %dma_start3A_493 = tpu.memref_slice %arg6[%dma_start3A_490, %dma_start3A_491, %dma_start3A_492] : memref<4x800x32xf32, #tpu.memory_space<vmem>> -> memref<1x800x32xf32, #tpu.memory_space<vmem>>
    %dma_start3A_494 = tpu.memref_squeeze %dma_start3A_493 : memref<1x800x32xf32, #tpu.memory_space<vmem>> -> memref<800x32xf32, #tpu.memory_space<vmem>>
    %dma_start3A_495 = arith.constant 18400 : i32
    %dma_start3A_496 = tpu.memref_slice %arg5[%dma_start3A_495] : memref<25600xi32, #tpu.memory_space<vmem>> -> memref<800xi32, #tpu.memory_space<vmem>>
    %dma_start3A_497 = arith.constant 0 : i32
    %dma_start3A_498 = arith.constant 0 : i32
    %dma_start3A_499 = tpu.memref_slice %arg3[%dma_start3A_497, %dma_start3A_498] : memref<1000000x32xf32, #tpu.memory_space<hbm>> -> memref<1000000x32xf32, #tpu.memory_space<hbm>>
    tpu.enqueue_indirect_dma source(%dma_start3A_499 : memref<1000000x32xf32, #tpu.memory_space<hbm>>) target(%dma_start3A_494 : memref<800x32xf32, #tpu.memory_space<vmem>>) offsets(%dma_start3A_496 : memref<800xi32, #tpu.memory_space<vmem>>) semaphore(%arg10 : memref<!tpu.dma_semaphore, #tpu.memory_space<semaphore_mem>>)
    %dma_wait3A_500 = arith.constant 0 : i32
    %dma_wait3A_501 = arith.constant 0 : i32
    %dma_wait3A_502 = arith.constant 0 : i32
    %dma_wait3A_503 = tpu.memref_slice %arg6[%dma_wait3A_500, %dma_wait3A_501, %dma_wait3A_502] : memref<4x800x32xf32, #tpu.memory_space<vmem>> -> memref<1x800x32xf32, #tpu.memory_space<vmem>>
    %dma_wait3A_504 = tpu.memref_squeeze %dma_wait3A_503 : memref<1x800x32xf32, #tpu.memory_space<vmem>> -> memref<800x32xf32, #tpu.memory_space<vmem>>
    %dma_wait3A_505 = arith.constant 16000 : i32
    %dma_wait3A_506 = tpu.memref_slice %arg5[%dma_wait3A_505] : memref<25600xi32, #tpu.memory_space<vmem>> -> memref<800xi32, #tpu.memory_space<vmem>>
    %dma_wait3A_507 = arith.constant 0 : i32
    %dma_wait3A_508 = arith.constant 0 : i32
    %dma_wait3A_509 = tpu.memref_slice %arg3[%dma_wait3A_507, %dma_wait3A_508] : memref<1000000x32xf32, #tpu.memory_space<hbm>> -> memref<1000000x32xf32, #tpu.memory_space<hbm>>
    tpu.wait_indirect_dma semaphore(%arg7 : memref<!tpu.dma_semaphore, #tpu.memory_space<semaphore_mem>>) src(%dma_wait3A_509 : memref<1000000x32xf32, #tpu.memory_space<hbm>>) dst(%dma_wait3A_504 : memref<800x32xf32, #tpu.memory_space<vmem>>)
    %add3A_510 = arith.constant 16000 : i32
    %add3A_511 = arith.addi %mul3A_2, %add3A_510 : i32
    %run_scoped3A_512 = arith.constant 0 : i32
    "tpu.region"() ({
      %run_scoped3A_736 = tpu.sem_alloc : memref<!tpu.dma_semaphore, #tpu.memory_space<semaphore_mem>>
      %dma_start3A_737 = arith.constant 0 : i32
      %dma_start3A_738 = arith.constant 0 : i32
      %dma_start3A_739 = tpu.memref_slice %arg6[%run_scoped3A_512, %dma_start3A_737, %dma_start3A_738] : memref<4x800x32xf32, #tpu.memory_space<vmem>> -> memref<1x800x32xf32, #tpu.memory_space<vmem>>
      %dma_start3A_740 = tpu.memref_squeeze %dma_start3A_739 : memref<1x800x32xf32, #tpu.memory_space<vmem>> -> memref<800x32xf32, #tpu.memory_space<vmem>>
      %dma_start3A_741 = arith.constant 0 : i32
      %dma_start3A_742 = tpu.memref_slice %arg4[%add3A_511, %dma_start3A_741] : memref<819200x32xf32, #tpu.memory_space<hbm>> -> memref<800x32xf32, #tpu.memory_space<hbm>>
      %dma_start3A_743 = arith.constant 0 : i32
      %dma_start3A_744 = tpu.memref_slice %arg4[%add3A_511, %dma_start3A_743] : memref<819200x32xf32, #tpu.memory_space<hbm>> -> memref<800x32xf32, #tpu.memory_space<hbm>>
      %dma_start3A_745 = arith.constant 0 : i32
      %dma_start3A_746 = arith.constant 0 : i32
      %dma_start3A_747 = tpu.memref_slice %arg6[%run_scoped3A_512, %dma_start3A_745, %dma_start3A_746] : memref<4x800x32xf32, #tpu.memory_space<vmem>> -> memref<1x800x32xf32, #tpu.memory_space<vmem>>
      %dma_start3A_748 = tpu.memref_squeeze %dma_start3A_747 : memref<1x800x32xf32, #tpu.memory_space<vmem>> -> memref<800x32xf32, #tpu.memory_space<vmem>>
      tpu.enqueue_dma source(%dma_start3A_748 : memref<800x32xf32, #tpu.memory_space<vmem>>) target(%dma_start3A_744 : memref<800x32xf32, #tpu.memory_space<hbm>>) target_semaphore(%run_scoped3A_736 : memref<!tpu.dma_semaphore, #tpu.memory_space<semaphore_mem>>)
      %dma_wait3A_749 = arith.constant 0 : i32
      %dma_wait3A_750 = arith.constant 0 : i32
      %dma_wait3A_751 = tpu.memref_slice %arg6[%run_scoped3A_512, %dma_wait3A_749, %dma_wait3A_750] : memref<4x800x32xf32, #tpu.memory_space<vmem>> -> memref<1x800x32xf32, #tpu.memory_space<vmem>>
      %dma_wait3A_752 = tpu.memref_squeeze %dma_wait3A_751 : memref<1x800x32xf32, #tpu.memory_space<vmem>> -> memref<800x32xf32, #tpu.memory_space<vmem>>
      %dma_wait3A_753 = arith.constant 0 : i32
      %dma_wait3A_754 = tpu.memref_slice %arg4[%add3A_511, %dma_wait3A_753] : memref<819200x32xf32, #tpu.memory_space<hbm>> -> memref<800x32xf32, #tpu.memory_space<hbm>>
      %dma_wait3A_755 = arith.constant 0 : i32
      %dma_wait3A_756 = tpu.memref_slice %arg4[%add3A_511, %dma_wait3A_755] : memref<819200x32xf32, #tpu.memory_space<hbm>> -> memref<800x32xf32, #tpu.memory_space<hbm>>
      %dma_wait3A_757 = arith.constant 0 : i32
      %dma_wait3A_758 = arith.constant 0 : i32
      %dma_wait3A_759 = tpu.memref_slice %arg6[%run_scoped3A_512, %dma_wait3A_757, %dma_wait3A_758] : memref<4x800x32xf32, #tpu.memory_space<vmem>> -> memref<1x800x32xf32, #tpu.memory_space<vmem>>
      %dma_wait3A_760 = tpu.memref_squeeze %dma_wait3A_759 : memref<1x800x32xf32, #tpu.memory_space<vmem>> -> memref<800x32xf32, #tpu.memory_space<vmem>>
      tpu.wait_dma2 semaphore(%run_scoped3A_736 : memref<!tpu.dma_semaphore, #tpu.memory_space<semaphore_mem>>) src(%dma_wait3A_760 : memref<800x32xf32, #tpu.memory_space<vmem>>) dst(%dma_wait3A_756 : memref<800x32xf32, #tpu.memory_space<hbm>>)
      tpu.yield
    }) : () -> ()
    %dma_start3A_513 = arith.constant 0 : i32
    %dma_start3A_514 = arith.constant 0 : i32
    %dma_start3A_515 = arith.constant 0 : i32
    %dma_start3A_516 = tpu.memref_slice %arg6[%dma_start3A_513, %dma_start3A_514, %dma_start3A_515] : memref<4x800x32xf32, #tpu.memory_space<vmem>> -> memref<1x800x32xf32, #tpu.memory_space<vmem>>
    %dma_start3A_517 = tpu.memref_squeeze %dma_start3A_516 : memref<1x800x32xf32, #tpu.memory_space<vmem>> -> memref<800x32xf32, #tpu.memory_space<vmem>>
    %dma_start3A_518 = arith.constant 19200 : i32
    %dma_start3A_519 = tpu.memref_slice %arg5[%dma_start3A_518] : memref<25600xi32, #tpu.memory_space<vmem>> -> memref<800xi32, #tpu.memory_space<vmem>>
    %dma_start3A_520 = arith.constant 0 : i32
    %dma_start3A_521 = arith.constant 0 : i32
    %dma_start3A_522 = tpu.memref_slice %arg3[%dma_start3A_520, %dma_start3A_521] : memref<1000000x32xf32, #tpu.memory_space<hbm>> -> memref<1000000x32xf32, #tpu.memory_space<hbm>>
    tpu.enqueue_indirect_dma source(%dma_start3A_522 : memref<1000000x32xf32, #tpu.memory_space<hbm>>) target(%dma_start3A_517 : memref<800x32xf32, #tpu.memory_space<vmem>>) offsets(%dma_start3A_519 : memref<800xi32, #tpu.memory_space<vmem>>) semaphore(%arg7 : memref<!tpu.dma_semaphore, #tpu.memory_space<semaphore_mem>>)
    %dma_wait3A_523 = arith.constant 1 : i32
    %dma_wait3A_524 = arith.constant 0 : i32
    %dma_wait3A_525 = arith.constant 0 : i32
    %dma_wait3A_526 = tpu.memref_slice %arg6[%dma_wait3A_523, %dma_wait3A_524, %dma_wait3A_525] : memref<4x800x32xf32, #tpu.memory_space<vmem>> -> memref<1x800x32xf32, #tpu.memory_space<vmem>>
    %dma_wait3A_527 = tpu.memref_squeeze %dma_wait3A_526 : memref<1x800x32xf32, #tpu.memory_space<vmem>> -> memref<800x32xf32, #tpu.memory_space<vmem>>
    %dma_wait3A_528 = arith.constant 16800 : i32
    %dma_wait3A_529 = tpu.memref_slice %arg5[%dma_wait3A_528] : memref<25600xi32, #tpu.memory_space<vmem>> -> memref<800xi32, #tpu.memory_space<vmem>>
    %dma_wait3A_530 = arith.constant 0 : i32
    %dma_wait3A_531 = arith.constant 0 : i32
    %dma_wait3A_532 = tpu.memref_slice %arg3[%dma_wait3A_530, %dma_wait3A_531] : memref<1000000x32xf32, #tpu.memory_space<hbm>> -> memref<1000000x32xf32, #tpu.memory_space<hbm>>
    tpu.wait_indirect_dma semaphore(%arg8 : memref<!tpu.dma_semaphore, #tpu.memory_space<semaphore_mem>>) src(%dma_wait3A_532 : memref<1000000x32xf32, #tpu.memory_space<hbm>>) dst(%dma_wait3A_527 : memref<800x32xf32, #tpu.memory_space<vmem>>)
    %add3A_533 = arith.constant 16800 : i32
    %add3A_534 = arith.addi %mul3A_2, %add3A_533 : i32
    %run_scoped3A_535 = arith.constant 1 : i32
    "tpu.region"() ({
      %run_scoped3A_736 = tpu.sem_alloc : memref<!tpu.dma_semaphore, #tpu.memory_space<semaphore_mem>>
      %dma_start3A_737 = arith.constant 0 : i32
      %dma_start3A_738 = arith.constant 0 : i32
      %dma_start3A_739 = tpu.memref_slice %arg6[%run_scoped3A_535, %dma_start3A_737, %dma_start3A_738] : memref<4x800x32xf32, #tpu.memory_space<vmem>> -> memref<1x800x32xf32, #tpu.memory_space<vmem>>
      %dma_start3A_740 = tpu.memref_squeeze %dma_start3A_739 : memref<1x800x32xf32, #tpu.memory_space<vmem>> -> memref<800x32xf32, #tpu.memory_space<vmem>>
      %dma_start3A_741 = arith.constant 0 : i32
      %dma_start3A_742 = tpu.memref_slice %arg4[%add3A_534, %dma_start3A_741] : memref<819200x32xf32, #tpu.memory_space<hbm>> -> memref<800x32xf32, #tpu.memory_space<hbm>>
      %dma_start3A_743 = arith.constant 0 : i32
      %dma_start3A_744 = tpu.memref_slice %arg4[%add3A_534, %dma_start3A_743] : memref<819200x32xf32, #tpu.memory_space<hbm>> -> memref<800x32xf32, #tpu.memory_space<hbm>>
      %dma_start3A_745 = arith.constant 0 : i32
      %dma_start3A_746 = arith.constant 0 : i32
      %dma_start3A_747 = tpu.memref_slice %arg6[%run_scoped3A_535, %dma_start3A_745, %dma_start3A_746] : memref<4x800x32xf32, #tpu.memory_space<vmem>> -> memref<1x800x32xf32, #tpu.memory_space<vmem>>
      %dma_start3A_748 = tpu.memref_squeeze %dma_start3A_747 : memref<1x800x32xf32, #tpu.memory_space<vmem>> -> memref<800x32xf32, #tpu.memory_space<vmem>>
      tpu.enqueue_dma source(%dma_start3A_748 : memref<800x32xf32, #tpu.memory_space<vmem>>) target(%dma_start3A_744 : memref<800x32xf32, #tpu.memory_space<hbm>>) target_semaphore(%run_scoped3A_736 : memref<!tpu.dma_semaphore, #tpu.memory_space<semaphore_mem>>)
      %dma_wait3A_749 = arith.constant 0 : i32
      %dma_wait3A_750 = arith.constant 0 : i32
      %dma_wait3A_751 = tpu.memref_slice %arg6[%run_scoped3A_535, %dma_wait3A_749, %dma_wait3A_750] : memref<4x800x32xf32, #tpu.memory_space<vmem>> -> memref<1x800x32xf32, #tpu.memory_space<vmem>>
      %dma_wait3A_752 = tpu.memref_squeeze %dma_wait3A_751 : memref<1x800x32xf32, #tpu.memory_space<vmem>> -> memref<800x32xf32, #tpu.memory_space<vmem>>
      %dma_wait3A_753 = arith.constant 0 : i32
      %dma_wait3A_754 = tpu.memref_slice %arg4[%add3A_534, %dma_wait3A_753] : memref<819200x32xf32, #tpu.memory_space<hbm>> -> memref<800x32xf32, #tpu.memory_space<hbm>>
      %dma_wait3A_755 = arith.constant 0 : i32
      %dma_wait3A_756 = tpu.memref_slice %arg4[%add3A_534, %dma_wait3A_755] : memref<819200x32xf32, #tpu.memory_space<hbm>> -> memref<800x32xf32, #tpu.memory_space<hbm>>
      %dma_wait3A_757 = arith.constant 0 : i32
      %dma_wait3A_758 = arith.constant 0 : i32
      %dma_wait3A_759 = tpu.memref_slice %arg6[%run_scoped3A_535, %dma_wait3A_757, %dma_wait3A_758] : memref<4x800x32xf32, #tpu.memory_space<vmem>> -> memref<1x800x32xf32, #tpu.memory_space<vmem>>
      %dma_wait3A_760 = tpu.memref_squeeze %dma_wait3A_759 : memref<1x800x32xf32, #tpu.memory_space<vmem>> -> memref<800x32xf32, #tpu.memory_space<vmem>>
      tpu.wait_dma2 semaphore(%run_scoped3A_736 : memref<!tpu.dma_semaphore, #tpu.memory_space<semaphore_mem>>) src(%dma_wait3A_760 : memref<800x32xf32, #tpu.memory_space<vmem>>) dst(%dma_wait3A_756 : memref<800x32xf32, #tpu.memory_space<hbm>>)
      tpu.yield
    }) : () -> ()
    %dma_start3A_536 = arith.constant 1 : i32
    %dma_start3A_537 = arith.constant 0 : i32
    %dma_start3A_538 = arith.constant 0 : i32
    %dma_start3A_539 = tpu.memref_slice %arg6[%dma_start3A_536, %dma_start3A_537, %dma_start3A_538] : memref<4x800x32xf32, #tpu.memory_space<vmem>> -> memref<1x800x32xf32, #tpu.memory_space<vmem>>
    %dma_start3A_540 = tpu.memref_squeeze %dma_start3A_539 : memref<1x800x32xf32, #tpu.memory_space<vmem>> -> memref<800x32xf32, #tpu.memory_space<vmem>>
    %dma_start3A_541 = arith.constant 20000 : i32
    %dma_start3A_542 = tpu.memref_slice %arg5[%dma_start3A_541] : memref<25600xi32, #tpu.memory_space<vmem>> -> memref<800xi32, #tpu.memory_space<vmem>>
    %dma_start3A_543 = arith.constant 0 : i32
    %dma_start3A_544 = arith.constant 0 : i32
    %dma_start3A_545 = tpu.memref_slice %arg3[%dma_start3A_543, %dma_start3A_544] : memref<1000000x32xf32, #tpu.memory_space<hbm>> -> memref<1000000x32xf32, #tpu.memory_space<hbm>>
    tpu.enqueue_indirect_dma source(%dma_start3A_545 : memref<1000000x32xf32, #tpu.memory_space<hbm>>) target(%dma_start3A_540 : memref<800x32xf32, #tpu.memory_space<vmem>>) offsets(%dma_start3A_542 : memref<800xi32, #tpu.memory_space<vmem>>) semaphore(%arg8 : memref<!tpu.dma_semaphore, #tpu.memory_space<semaphore_mem>>)
    %dma_wait3A_546 = arith.constant 2 : i32
    %dma_wait3A_547 = arith.constant 0 : i32
    %dma_wait3A_548 = arith.constant 0 : i32
    %dma_wait3A_549 = tpu.memref_slice %arg6[%dma_wait3A_546, %dma_wait3A_547, %dma_wait3A_548] : memref<4x800x32xf32, #tpu.memory_space<vmem>> -> memref<1x800x32xf32, #tpu.memory_space<vmem>>
    %dma_wait3A_550 = tpu.memref_squeeze %dma_wait3A_549 : memref<1x800x32xf32, #tpu.memory_space<vmem>> -> memref<800x32xf32, #tpu.memory_space<vmem>>
    %dma_wait3A_551 = arith.constant 17600 : i32
    %dma_wait3A_552 = tpu.memref_slice %arg5[%dma_wait3A_551] : memref<25600xi32, #tpu.memory_space<vmem>> -> memref<800xi32, #tpu.memory_space<vmem>>
    %dma_wait3A_553 = arith.constant 0 : i32
    %dma_wait3A_554 = arith.constant 0 : i32
    %dma_wait3A_555 = tpu.memref_slice %arg3[%dma_wait3A_553, %dma_wait3A_554] : memref<1000000x32xf32, #tpu.memory_space<hbm>> -> memref<1000000x32xf32, #tpu.memory_space<hbm>>
    tpu.wait_indirect_dma semaphore(%arg9 : memref<!tpu.dma_semaphore, #tpu.memory_space<semaphore_mem>>) src(%dma_wait3A_555 : memref<1000000x32xf32, #tpu.memory_space<hbm>>) dst(%dma_wait3A_550 : memref<800x32xf32, #tpu.memory_space<vmem>>)
    %add3A_556 = arith.constant 17600 : i32
    %add3A_557 = arith.addi %mul3A_2, %add3A_556 : i32
    %run_scoped3A_558 = arith.constant 2 : i32
    "tpu.region"() ({
      %run_scoped3A_736 = tpu.sem_alloc : memref<!tpu.dma_semaphore, #tpu.memory_space<semaphore_mem>>
      %dma_start3A_737 = arith.constant 0 : i32
      %dma_start3A_738 = arith.constant 0 : i32
      %dma_start3A_739 = tpu.memref_slice %arg6[%run_scoped3A_558, %dma_start3A_737, %dma_start3A_738] : memref<4x800x32xf32, #tpu.memory_space<vmem>> -> memref<1x800x32xf32, #tpu.memory_space<vmem>>
      %dma_start3A_740 = tpu.memref_squeeze %dma_start3A_739 : memref<1x800x32xf32, #tpu.memory_space<vmem>> -> memref<800x32xf32, #tpu.memory_space<vmem>>
      %dma_start3A_741 = arith.constant 0 : i32
      %dma_start3A_742 = tpu.memref_slice %arg4[%add3A_557, %dma_start3A_741] : memref<819200x32xf32, #tpu.memory_space<hbm>> -> memref<800x32xf32, #tpu.memory_space<hbm>>
      %dma_start3A_743 = arith.constant 0 : i32
      %dma_start3A_744 = tpu.memref_slice %arg4[%add3A_557, %dma_start3A_743] : memref<819200x32xf32, #tpu.memory_space<hbm>> -> memref<800x32xf32, #tpu.memory_space<hbm>>
      %dma_start3A_745 = arith.constant 0 : i32
      %dma_start3A_746 = arith.constant 0 : i32
      %dma_start3A_747 = tpu.memref_slice %arg6[%run_scoped3A_558, %dma_start3A_745, %dma_start3A_746] : memref<4x800x32xf32, #tpu.memory_space<vmem>> -> memref<1x800x32xf32, #tpu.memory_space<vmem>>
      %dma_start3A_748 = tpu.memref_squeeze %dma_start3A_747 : memref<1x800x32xf32, #tpu.memory_space<vmem>> -> memref<800x32xf32, #tpu.memory_space<vmem>>
      tpu.enqueue_dma source(%dma_start3A_748 : memref<800x32xf32, #tpu.memory_space<vmem>>) target(%dma_start3A_744 : memref<800x32xf32, #tpu.memory_space<hbm>>) target_semaphore(%run_scoped3A_736 : memref<!tpu.dma_semaphore, #tpu.memory_space<semaphore_mem>>)
      %dma_wait3A_749 = arith.constant 0 : i32
      %dma_wait3A_750 = arith.constant 0 : i32
      %dma_wait3A_751 = tpu.memref_slice %arg6[%run_scoped3A_558, %dma_wait3A_749, %dma_wait3A_750] : memref<4x800x32xf32, #tpu.memory_space<vmem>> -> memref<1x800x32xf32, #tpu.memory_space<vmem>>
      %dma_wait3A_752 = tpu.memref_squeeze %dma_wait3A_751 : memref<1x800x32xf32, #tpu.memory_space<vmem>> -> memref<800x32xf32, #tpu.memory_space<vmem>>
      %dma_wait3A_753 = arith.constant 0 : i32
      %dma_wait3A_754 = tpu.memref_slice %arg4[%add3A_557, %dma_wait3A_753] : memref<819200x32xf32, #tpu.memory_space<hbm>> -> memref<800x32xf32, #tpu.memory_space<hbm>>
      %dma_wait3A_755 = arith.constant 0 : i32
      %dma_wait3A_756 = tpu.memref_slice %arg4[%add3A_557, %dma_wait3A_755] : memref<819200x32xf32, #tpu.memory_space<hbm>> -> memref<800x32xf32, #tpu.memory_space<hbm>>
      %dma_wait3A_757 = arith.constant 0 : i32
      %dma_wait3A_758 = arith.constant 0 : i32
      %dma_wait3A_759 = tpu.memref_slice %arg6[%run_scoped3A_558, %dma_wait3A_757, %dma_wait3A_758] : memref<4x800x32xf32, #tpu.memory_space<vmem>> -> memref<1x800x32xf32, #tpu.memory_space<vmem>>
      %dma_wait3A_760 = tpu.memref_squeeze %dma_wait3A_759 : memref<1x800x32xf32, #tpu.memory_space<vmem>> -> memref<800x32xf32, #tpu.memory_space<vmem>>
      tpu.wait_dma2 semaphore(%run_scoped3A_736 : memref<!tpu.dma_semaphore, #tpu.memory_space<semaphore_mem>>) src(%dma_wait3A_760 : memref<800x32xf32, #tpu.memory_space<vmem>>) dst(%dma_wait3A_756 : memref<800x32xf32, #tpu.memory_space<hbm>>)
      tpu.yield
    }) : () -> ()
    %dma_start3A_559 = arith.constant 2 : i32
    %dma_start3A_560 = arith.constant 0 : i32
    %dma_start3A_561 = arith.constant 0 : i32
    %dma_start3A_562 = tpu.memref_slice %arg6[%dma_start3A_559, %dma_start3A_560, %dma_start3A_561] : memref<4x800x32xf32, #tpu.memory_space<vmem>> -> memref<1x800x32xf32, #tpu.memory_space<vmem>>
    %dma_start3A_563 = tpu.memref_squeeze %dma_start3A_562 : memref<1x800x32xf32, #tpu.memory_space<vmem>> -> memref<800x32xf32, #tpu.memory_space<vmem>>
    %dma_start3A_564 = arith.constant 20800 : i32
    %dma_start3A_565 = tpu.memref_slice %arg5[%dma_start3A_564] : memref<25600xi32, #tpu.memory_space<vmem>> -> memref<800xi32, #tpu.memory_space<vmem>>
    %dma_start3A_566 = arith.constant 0 : i32
    %dma_start3A_567 = arith.constant 0 : i32
    %dma_start3A_568 = tpu.memref_slice %arg3[%dma_start3A_566, %dma_start3A_567] : memref<1000000x32xf32, #tpu.memory_space<hbm>> -> memref<1000000x32xf32, #tpu.memory_space<hbm>>
    tpu.enqueue_indirect_dma source(%dma_start3A_568 : memref<1000000x32xf32, #tpu.memory_space<hbm>>) target(%dma_start3A_563 : memref<800x32xf32, #tpu.memory_space<vmem>>) offsets(%dma_start3A_565 : memref<800xi32, #tpu.memory_space<vmem>>) semaphore(%arg9 : memref<!tpu.dma_semaphore, #tpu.memory_space<semaphore_mem>>)
    %dma_wait3A_569 = arith.constant 3 : i32
    %dma_wait3A_570 = arith.constant 0 : i32
    %dma_wait3A_571 = arith.constant 0 : i32
    %dma_wait3A_572 = tpu.memref_slice %arg6[%dma_wait3A_569, %dma_wait3A_570, %dma_wait3A_571] : memref<4x800x32xf32, #tpu.memory_space<vmem>> -> memref<1x800x32xf32, #tpu.memory_space<vmem>>
    %dma_wait3A_573 = tpu.memref_squeeze %dma_wait3A_572 : memref<1x800x32xf32, #tpu.memory_space<vmem>> -> memref<800x32xf32, #tpu.memory_space<vmem>>
    %dma_wait3A_574 = arith.constant 18400 : i32
    %dma_wait3A_575 = tpu.memref_slice %arg5[%dma_wait3A_574] : memref<25600xi32, #tpu.memory_space<vmem>> -> memref<800xi32, #tpu.memory_space<vmem>>
    %dma_wait3A_576 = arith.constant 0 : i32
    %dma_wait3A_577 = arith.constant 0 : i32
    %dma_wait3A_578 = tpu.memref_slice %arg3[%dma_wait3A_576, %dma_wait3A_577] : memref<1000000x32xf32, #tpu.memory_space<hbm>> -> memref<1000000x32xf32, #tpu.memory_space<hbm>>
    tpu.wait_indirect_dma semaphore(%arg10 : memref<!tpu.dma_semaphore, #tpu.memory_space<semaphore_mem>>) src(%dma_wait3A_578 : memref<1000000x32xf32, #tpu.memory_space<hbm>>) dst(%dma_wait3A_573 : memref<800x32xf32, #tpu.memory_space<vmem>>)
    %add3A_579 = arith.constant 18400 : i32
    %add3A_580 = arith.addi %mul3A_2, %add3A_579 : i32
    %run_scoped3A_581 = arith.constant 3 : i32
    "tpu.region"() ({
      %run_scoped3A_736 = tpu.sem_alloc : memref<!tpu.dma_semaphore, #tpu.memory_space<semaphore_mem>>
      %dma_start3A_737 = arith.constant 0 : i32
      %dma_start3A_738 = arith.constant 0 : i32
      %dma_start3A_739 = tpu.memref_slice %arg6[%run_scoped3A_581, %dma_start3A_737, %dma_start3A_738] : memref<4x800x32xf32, #tpu.memory_space<vmem>> -> memref<1x800x32xf32, #tpu.memory_space<vmem>>
      %dma_start3A_740 = tpu.memref_squeeze %dma_start3A_739 : memref<1x800x32xf32, #tpu.memory_space<vmem>> -> memref<800x32xf32, #tpu.memory_space<vmem>>
      %dma_start3A_741 = arith.constant 0 : i32
      %dma_start3A_742 = tpu.memref_slice %arg4[%add3A_580, %dma_start3A_741] : memref<819200x32xf32, #tpu.memory_space<hbm>> -> memref<800x32xf32, #tpu.memory_space<hbm>>
      %dma_start3A_743 = arith.constant 0 : i32
      %dma_start3A_744 = tpu.memref_slice %arg4[%add3A_580, %dma_start3A_743] : memref<819200x32xf32, #tpu.memory_space<hbm>> -> memref<800x32xf32, #tpu.memory_space<hbm>>
      %dma_start3A_745 = arith.constant 0 : i32
      %dma_start3A_746 = arith.constant 0 : i32
      %dma_start3A_747 = tpu.memref_slice %arg6[%run_scoped3A_581, %dma_start3A_745, %dma_start3A_746] : memref<4x800x32xf32, #tpu.memory_space<vmem>> -> memref<1x800x32xf32, #tpu.memory_space<vmem>>
      %dma_start3A_748 = tpu.memref_squeeze %dma_start3A_747 : memref<1x800x32xf32, #tpu.memory_space<vmem>> -> memref<800x32xf32, #tpu.memory_space<vmem>>
      tpu.enqueue_dma source(%dma_start3A_748 : memref<800x32xf32, #tpu.memory_space<vmem>>) target(%dma_start3A_744 : memref<800x32xf32, #tpu.memory_space<hbm>>) target_semaphore(%run_scoped3A_736 : memref<!tpu.dma_semaphore, #tpu.memory_space<semaphore_mem>>)
      %dma_wait3A_749 = arith.constant 0 : i32
      %dma_wait3A_750 = arith.constant 0 : i32
      %dma_wait3A_751 = tpu.memref_slice %arg6[%run_scoped3A_581, %dma_wait3A_749, %dma_wait3A_750] : memref<4x800x32xf32, #tpu.memory_space<vmem>> -> memref<1x800x32xf32, #tpu.memory_space<vmem>>
      %dma_wait3A_752 = tpu.memref_squeeze %dma_wait3A_751 : memref<1x800x32xf32, #tpu.memory_space<vmem>> -> memref<800x32xf32, #tpu.memory_space<vmem>>
      %dma_wait3A_753 = arith.constant 0 : i32
      %dma_wait3A_754 = tpu.memref_slice %arg4[%add3A_580, %dma_wait3A_753] : memref<819200x32xf32, #tpu.memory_space<hbm>> -> memref<800x32xf32, #tpu.memory_space<hbm>>
      %dma_wait3A_755 = arith.constant 0 : i32
      %dma_wait3A_756 = tpu.memref_slice %arg4[%add3A_580, %dma_wait3A_755] : memref<819200x32xf32, #tpu.memory_space<hbm>> -> memref<800x32xf32, #tpu.memory_space<hbm>>
      %dma_wait3A_757 = arith.constant 0 : i32
      %dma_wait3A_758 = arith.constant 0 : i32
      %dma_wait3A_759 = tpu.memref_slice %arg6[%run_scoped3A_581, %dma_wait3A_757, %dma_wait3A_758] : memref<4x800x32xf32, #tpu.memory_space<vmem>> -> memref<1x800x32xf32, #tpu.memory_space<vmem>>
      %dma_wait3A_760 = tpu.memref_squeeze %dma_wait3A_759 : memref<1x800x32xf32, #tpu.memory_space<vmem>> -> memref<800x32xf32, #tpu.memory_space<vmem>>
      tpu.wait_dma2 semaphore(%run_scoped3A_736 : memref<!tpu.dma_semaphore, #tpu.memory_space<semaphore_mem>>) src(%dma_wait3A_760 : memref<800x32xf32, #tpu.memory_space<vmem>>) dst(%dma_wait3A_756 : memref<800x32xf32, #tpu.memory_space<hbm>>)
      tpu.yield
    }) : () -> ()
    %dma_start3A_582 = arith.constant 3 : i32
    %dma_start3A_583 = arith.constant 0 : i32
    %dma_start3A_584 = arith.constant 0 : i32
    %dma_start3A_585 = tpu.memref_slice %arg6[%dma_start3A_582, %dma_start3A_583, %dma_start3A_584] : memref<4x800x32xf32, #tpu.memory_space<vmem>> -> memref<1x800x32xf32, #tpu.memory_space<vmem>>
    %dma_start3A_586 = tpu.memref_squeeze %dma_start3A_585 : memref<1x800x32xf32, #tpu.memory_space<vmem>> -> memref<800x32xf32, #tpu.memory_space<vmem>>
    %dma_start3A_587 = arith.constant 21600 : i32
    %dma_start3A_588 = tpu.memref_slice %arg5[%dma_start3A_587] : memref<25600xi32, #tpu.memory_space<vmem>> -> memref<800xi32, #tpu.memory_space<vmem>>
    %dma_start3A_589 = arith.constant 0 : i32
    %dma_start3A_590 = arith.constant 0 : i32
    %dma_start3A_591 = tpu.memref_slice %arg3[%dma_start3A_589, %dma_start3A_590] : memref<1000000x32xf32, #tpu.memory_space<hbm>> -> memref<1000000x32xf32, #tpu.memory_space<hbm>>
    tpu.enqueue_indirect_dma source(%dma_start3A_591 : memref<1000000x32xf32, #tpu.memory_space<hbm>>) target(%dma_start3A_586 : memref<800x32xf32, #tpu.memory_space<vmem>>) offsets(%dma_start3A_588 : memref<800xi32, #tpu.memory_space<vmem>>) semaphore(%arg10 : memref<!tpu.dma_semaphore, #tpu.memory_space<semaphore_mem>>)
    %dma_wait3A_592 = arith.constant 0 : i32
    %dma_wait3A_593 = arith.constant 0 : i32
    %dma_wait3A_594 = arith.constant 0 : i32
    %dma_wait3A_595 = tpu.memref_slice %arg6[%dma_wait3A_592, %dma_wait3A_593, %dma_wait3A_594] : memref<4x800x32xf32, #tpu.memory_space<vmem>> -> memref<1x800x32xf32, #tpu.memory_space<vmem>>
    %dma_wait3A_596 = tpu.memref_squeeze %dma_wait3A_595 : memref<1x800x32xf32, #tpu.memory_space<vmem>> -> memref<800x32xf32, #tpu.memory_space<vmem>>
    %dma_wait3A_597 = arith.constant 19200 : i32
    %dma_wait3A_598 = tpu.memref_slice %arg5[%dma_wait3A_597] : memref<25600xi32, #tpu.memory_space<vmem>> -> memref<800xi32, #tpu.memory_space<vmem>>
    %dma_wait3A_599 = arith.constant 0 : i32
    %dma_wait3A_600 = arith.constant 0 : i32
    %dma_wait3A_601 = tpu.memref_slice %arg3[%dma_wait3A_599, %dma_wait3A_600] : memref<1000000x32xf32, #tpu.memory_space<hbm>> -> memref<1000000x32xf32, #tpu.memory_space<hbm>>
    tpu.wait_indirect_dma semaphore(%arg7 : memref<!tpu.dma_semaphore, #tpu.memory_space<semaphore_mem>>) src(%dma_wait3A_601 : memref<1000000x32xf32, #tpu.memory_space<hbm>>) dst(%dma_wait3A_596 : memref<800x32xf32, #tpu.memory_space<vmem>>)
    %add3A_602 = arith.constant 19200 : i32
    %add3A_603 = arith.addi %mul3A_2, %add3A_602 : i32
    %run_scoped3A_604 = arith.constant 0 : i32
    "tpu.region"() ({
      %run_scoped3A_736 = tpu.sem_alloc : memref<!tpu.dma_semaphore, #tpu.memory_space<semaphore_mem>>
      %dma_start3A_737 = arith.constant 0 : i32
      %dma_start3A_738 = arith.constant 0 : i32
      %dma_start3A_739 = tpu.memref_slice %arg6[%run_scoped3A_604, %dma_start3A_737, %dma_start3A_738] : memref<4x800x32xf32, #tpu.memory_space<vmem>> -> memref<1x800x32xf32, #tpu.memory_space<vmem>>
      %dma_start3A_740 = tpu.memref_squeeze %dma_start3A_739 : memref<1x800x32xf32, #tpu.memory_space<vmem>> -> memref<800x32xf32, #tpu.memory_space<vmem>>
      %dma_start3A_741 = arith.constant 0 : i32
      %dma_start3A_742 = tpu.memref_slice %arg4[%add3A_603, %dma_start3A_741] : memref<819200x32xf32, #tpu.memory_space<hbm>> -> memref<800x32xf32, #tpu.memory_space<hbm>>
      %dma_start3A_743 = arith.constant 0 : i32
      %dma_start3A_744 = tpu.memref_slice %arg4[%add3A_603, %dma_start3A_743] : memref<819200x32xf32, #tpu.memory_space<hbm>> -> memref<800x32xf32, #tpu.memory_space<hbm>>
      %dma_start3A_745 = arith.constant 0 : i32
      %dma_start3A_746 = arith.constant 0 : i32
      %dma_start3A_747 = tpu.memref_slice %arg6[%run_scoped3A_604, %dma_start3A_745, %dma_start3A_746] : memref<4x800x32xf32, #tpu.memory_space<vmem>> -> memref<1x800x32xf32, #tpu.memory_space<vmem>>
      %dma_start3A_748 = tpu.memref_squeeze %dma_start3A_747 : memref<1x800x32xf32, #tpu.memory_space<vmem>> -> memref<800x32xf32, #tpu.memory_space<vmem>>
      tpu.enqueue_dma source(%dma_start3A_748 : memref<800x32xf32, #tpu.memory_space<vmem>>) target(%dma_start3A_744 : memref<800x32xf32, #tpu.memory_space<hbm>>) target_semaphore(%run_scoped3A_736 : memref<!tpu.dma_semaphore, #tpu.memory_space<semaphore_mem>>)
      %dma_wait3A_749 = arith.constant 0 : i32
      %dma_wait3A_750 = arith.constant 0 : i32
      %dma_wait3A_751 = tpu.memref_slice %arg6[%run_scoped3A_604, %dma_wait3A_749, %dma_wait3A_750] : memref<4x800x32xf32, #tpu.memory_space<vmem>> -> memref<1x800x32xf32, #tpu.memory_space<vmem>>
      %dma_wait3A_752 = tpu.memref_squeeze %dma_wait3A_751 : memref<1x800x32xf32, #tpu.memory_space<vmem>> -> memref<800x32xf32, #tpu.memory_space<vmem>>
      %dma_wait3A_753 = arith.constant 0 : i32
      %dma_wait3A_754 = tpu.memref_slice %arg4[%add3A_603, %dma_wait3A_753] : memref<819200x32xf32, #tpu.memory_space<hbm>> -> memref<800x32xf32, #tpu.memory_space<hbm>>
      %dma_wait3A_755 = arith.constant 0 : i32
      %dma_wait3A_756 = tpu.memref_slice %arg4[%add3A_603, %dma_wait3A_755] : memref<819200x32xf32, #tpu.memory_space<hbm>> -> memref<800x32xf32, #tpu.memory_space<hbm>>
      %dma_wait3A_757 = arith.constant 0 : i32
      %dma_wait3A_758 = arith.constant 0 : i32
      %dma_wait3A_759 = tpu.memref_slice %arg6[%run_scoped3A_604, %dma_wait3A_757, %dma_wait3A_758] : memref<4x800x32xf32, #tpu.memory_space<vmem>> -> memref<1x800x32xf32, #tpu.memory_space<vmem>>
      %dma_wait3A_760 = tpu.memref_squeeze %dma_wait3A_759 : memref<1x800x32xf32, #tpu.memory_space<vmem>> -> memref<800x32xf32, #tpu.memory_space<vmem>>
      tpu.wait_dma2 semaphore(%run_scoped3A_736 : memref<!tpu.dma_semaphore, #tpu.memory_space<semaphore_mem>>) src(%dma_wait3A_760 : memref<800x32xf32, #tpu.memory_space<vmem>>) dst(%dma_wait3A_756 : memref<800x32xf32, #tpu.memory_space<hbm>>)
      tpu.yield
    }) : () -> ()
    %dma_start3A_605 = arith.constant 0 : i32
    %dma_start3A_606 = arith.constant 0 : i32
    %dma_start3A_607 = arith.constant 0 : i32
    %dma_start3A_608 = tpu.memref_slice %arg6[%dma_start3A_605, %dma_start3A_606, %dma_start3A_607] : memref<4x800x32xf32, #tpu.memory_space<vmem>> -> memref<1x800x32xf32, #tpu.memory_space<vmem>>
    %dma_start3A_609 = tpu.memref_squeeze %dma_start3A_608 : memref<1x800x32xf32, #tpu.memory_space<vmem>> -> memref<800x32xf32, #tpu.memory_space<vmem>>
    %dma_start3A_610 = arith.constant 22400 : i32
    %dma_start3A_611 = tpu.memref_slice %arg5[%dma_start3A_610] : memref<25600xi32, #tpu.memory_space<vmem>> -> memref<800xi32, #tpu.memory_space<vmem>>
    %dma_start3A_612 = arith.constant 0 : i32
    %dma_start3A_613 = arith.constant 0 : i32
    %dma_start3A_614 = tpu.memref_slice %arg3[%dma_start3A_612, %dma_start3A_613] : memref<1000000x32xf32, #tpu.memory_space<hbm>> -> memref<1000000x32xf32, #tpu.memory_space<hbm>>
    tpu.enqueue_indirect_dma source(%dma_start3A_614 : memref<1000000x32xf32, #tpu.memory_space<hbm>>) target(%dma_start3A_609 : memref<800x32xf32, #tpu.memory_space<vmem>>) offsets(%dma_start3A_611 : memref<800xi32, #tpu.memory_space<vmem>>) semaphore(%arg7 : memref<!tpu.dma_semaphore, #tpu.memory_space<semaphore_mem>>)
    %dma_wait3A_615 = arith.constant 1 : i32
    %dma_wait3A_616 = arith.constant 0 : i32
    %dma_wait3A_617 = arith.constant 0 : i32
    %dma_wait3A_618 = tpu.memref_slice %arg6[%dma_wait3A_615, %dma_wait3A_616, %dma_wait3A_617] : memref<4x800x32xf32, #tpu.memory_space<vmem>> -> memref<1x800x32xf32, #tpu.memory_space<vmem>>
    %dma_wait3A_619 = tpu.memref_squeeze %dma_wait3A_618 : memref<1x800x32xf32, #tpu.memory_space<vmem>> -> memref<800x32xf32, #tpu.memory_space<vmem>>
    %dma_wait3A_620 = arith.constant 20000 : i32
    %dma_wait3A_621 = tpu.memref_slice %arg5[%dma_wait3A_620] : memref<25600xi32, #tpu.memory_space<vmem>> -> memref<800xi32, #tpu.memory_space<vmem>>
    %dma_wait3A_622 = arith.constant 0 : i32
    %dma_wait3A_623 = arith.constant 0 : i32
    %dma_wait3A_624 = tpu.memref_slice %arg3[%dma_wait3A_622, %dma_wait3A_623] : memref<1000000x32xf32, #tpu.memory_space<hbm>> -> memref<1000000x32xf32, #tpu.memory_space<hbm>>
    tpu.wait_indirect_dma semaphore(%arg8 : memref<!tpu.dma_semaphore, #tpu.memory_space<semaphore_mem>>) src(%dma_wait3A_624 : memref<1000000x32xf32, #tpu.memory_space<hbm>>) dst(%dma_wait3A_619 : memref<800x32xf32, #tpu.memory_space<vmem>>)
    %add3A_625 = arith.constant 20000 : i32
    %add3A_626 = arith.addi %mul3A_2, %add3A_625 : i32
    %run_scoped3A_627 = arith.constant 1 : i32
    "tpu.region"() ({
      %run_scoped3A_736 = tpu.sem_alloc : memref<!tpu.dma_semaphore, #tpu.memory_space<semaphore_mem>>
      %dma_start3A_737 = arith.constant 0 : i32
      %dma_start3A_738 = arith.constant 0 : i32
      %dma_start3A_739 = tpu.memref_slice %arg6[%run_scoped3A_627, %dma_start3A_737, %dma_start3A_738] : memref<4x800x32xf32, #tpu.memory_space<vmem>> -> memref<1x800x32xf32, #tpu.memory_space<vmem>>
      %dma_start3A_740 = tpu.memref_squeeze %dma_start3A_739 : memref<1x800x32xf32, #tpu.memory_space<vmem>> -> memref<800x32xf32, #tpu.memory_space<vmem>>
      %dma_start3A_741 = arith.constant 0 : i32
      %dma_start3A_742 = tpu.memref_slice %arg4[%add3A_626, %dma_start3A_741] : memref<819200x32xf32, #tpu.memory_space<hbm>> -> memref<800x32xf32, #tpu.memory_space<hbm>>
      %dma_start3A_743 = arith.constant 0 : i32
      %dma_start3A_744 = tpu.memref_slice %arg4[%add3A_626, %dma_start3A_743] : memref<819200x32xf32, #tpu.memory_space<hbm>> -> memref<800x32xf32, #tpu.memory_space<hbm>>
      %dma_start3A_745 = arith.constant 0 : i32
      %dma_start3A_746 = arith.constant 0 : i32
      %dma_start3A_747 = tpu.memref_slice %arg6[%run_scoped3A_627, %dma_start3A_745, %dma_start3A_746] : memref<4x800x32xf32, #tpu.memory_space<vmem>> -> memref<1x800x32xf32, #tpu.memory_space<vmem>>
      %dma_start3A_748 = tpu.memref_squeeze %dma_start3A_747 : memref<1x800x32xf32, #tpu.memory_space<vmem>> -> memref<800x32xf32, #tpu.memory_space<vmem>>
      tpu.enqueue_dma source(%dma_start3A_748 : memref<800x32xf32, #tpu.memory_space<vmem>>) target(%dma_start3A_744 : memref<800x32xf32, #tpu.memory_space<hbm>>) target_semaphore(%run_scoped3A_736 : memref<!tpu.dma_semaphore, #tpu.memory_space<semaphore_mem>>)
      %dma_wait3A_749 = arith.constant 0 : i32
      %dma_wait3A_750 = arith.constant 0 : i32
      %dma_wait3A_751 = tpu.memref_slice %arg6[%run_scoped3A_627, %dma_wait3A_749, %dma_wait3A_750] : memref<4x800x32xf32, #tpu.memory_space<vmem>> -> memref<1x800x32xf32, #tpu.memory_space<vmem>>
      %dma_wait3A_752 = tpu.memref_squeeze %dma_wait3A_751 : memref<1x800x32xf32, #tpu.memory_space<vmem>> -> memref<800x32xf32, #tpu.memory_space<vmem>>
      %dma_wait3A_753 = arith.constant 0 : i32
      %dma_wait3A_754 = tpu.memref_slice %arg4[%add3A_626, %dma_wait3A_753] : memref<819200x32xf32, #tpu.memory_space<hbm>> -> memref<800x32xf32, #tpu.memory_space<hbm>>
      %dma_wait3A_755 = arith.constant 0 : i32
      %dma_wait3A_756 = tpu.memref_slice %arg4[%add3A_626, %dma_wait3A_755] : memref<819200x32xf32, #tpu.memory_space<hbm>> -> memref<800x32xf32, #tpu.memory_space<hbm>>
      %dma_wait3A_757 = arith.constant 0 : i32
      %dma_wait3A_758 = arith.constant 0 : i32
      %dma_wait3A_759 = tpu.memref_slice %arg6[%run_scoped3A_627, %dma_wait3A_757, %dma_wait3A_758] : memref<4x800x32xf32, #tpu.memory_space<vmem>> -> memref<1x800x32xf32, #tpu.memory_space<vmem>>
      %dma_wait3A_760 = tpu.memref_squeeze %dma_wait3A_759 : memref<1x800x32xf32, #tpu.memory_space<vmem>> -> memref<800x32xf32, #tpu.memory_space<vmem>>
      tpu.wait_dma2 semaphore(%run_scoped3A_736 : memref<!tpu.dma_semaphore, #tpu.memory_space<semaphore_mem>>) src(%dma_wait3A_760 : memref<800x32xf32, #tpu.memory_space<vmem>>) dst(%dma_wait3A_756 : memref<800x32xf32, #tpu.memory_space<hbm>>)
      tpu.yield
    }) : () -> ()
    %dma_start3A_628 = arith.constant 1 : i32
    %dma_start3A_629 = arith.constant 0 : i32
    %dma_start3A_630 = arith.constant 0 : i32
    %dma_start3A_631 = tpu.memref_slice %arg6[%dma_start3A_628, %dma_start3A_629, %dma_start3A_630] : memref<4x800x32xf32, #tpu.memory_space<vmem>> -> memref<1x800x32xf32, #tpu.memory_space<vmem>>
    %dma_start3A_632 = tpu.memref_squeeze %dma_start3A_631 : memref<1x800x32xf32, #tpu.memory_space<vmem>> -> memref<800x32xf32, #tpu.memory_space<vmem>>
    %dma_start3A_633 = arith.constant 23200 : i32
    %dma_start3A_634 = tpu.memref_slice %arg5[%dma_start3A_633] : memref<25600xi32, #tpu.memory_space<vmem>> -> memref<800xi32, #tpu.memory_space<vmem>>
    %dma_start3A_635 = arith.constant 0 : i32
    %dma_start3A_636 = arith.constant 0 : i32
    %dma_start3A_637 = tpu.memref_slice %arg3[%dma_start3A_635, %dma_start3A_636] : memref<1000000x32xf32, #tpu.memory_space<hbm>> -> memref<1000000x32xf32, #tpu.memory_space<hbm>>
    tpu.enqueue_indirect_dma source(%dma_start3A_637 : memref<1000000x32xf32, #tpu.memory_space<hbm>>) target(%dma_start3A_632 : memref<800x32xf32, #tpu.memory_space<vmem>>) offsets(%dma_start3A_634 : memref<800xi32, #tpu.memory_space<vmem>>) semaphore(%arg8 : memref<!tpu.dma_semaphore, #tpu.memory_space<semaphore_mem>>)
    %dma_wait3A_638 = arith.constant 2 : i32
    %dma_wait3A_639 = arith.constant 0 : i32
    %dma_wait3A_640 = arith.constant 0 : i32
    %dma_wait3A_641 = tpu.memref_slice %arg6[%dma_wait3A_638, %dma_wait3A_639, %dma_wait3A_640] : memref<4x800x32xf32, #tpu.memory_space<vmem>> -> memref<1x800x32xf32, #tpu.memory_space<vmem>>
    %dma_wait3A_642 = tpu.memref_squeeze %dma_wait3A_641 : memref<1x800x32xf32, #tpu.memory_space<vmem>> -> memref<800x32xf32, #tpu.memory_space<vmem>>
    %dma_wait3A_643 = arith.constant 20800 : i32
    %dma_wait3A_644 = tpu.memref_slice %arg5[%dma_wait3A_643] : memref<25600xi32, #tpu.memory_space<vmem>> -> memref<800xi32, #tpu.memory_space<vmem>>
    %dma_wait3A_645 = arith.constant 0 : i32
    %dma_wait3A_646 = arith.constant 0 : i32
    %dma_wait3A_647 = tpu.memref_slice %arg3[%dma_wait3A_645, %dma_wait3A_646] : memref<1000000x32xf32, #tpu.memory_space<hbm>> -> memref<1000000x32xf32, #tpu.memory_space<hbm>>
    tpu.wait_indirect_dma semaphore(%arg9 : memref<!tpu.dma_semaphore, #tpu.memory_space<semaphore_mem>>) src(%dma_wait3A_647 : memref<1000000x32xf32, #tpu.memory_space<hbm>>) dst(%dma_wait3A_642 : memref<800x32xf32, #tpu.memory_space<vmem>>)
    %add3A_648 = arith.constant 20800 : i32
    %add3A_649 = arith.addi %mul3A_2, %add3A_648 : i32
    %run_scoped3A_650 = arith.constant 2 : i32
    "tpu.region"() ({
      %run_scoped3A_736 = tpu.sem_alloc : memref<!tpu.dma_semaphore, #tpu.memory_space<semaphore_mem>>
      %dma_start3A_737 = arith.constant 0 : i32
      %dma_start3A_738 = arith.constant 0 : i32
      %dma_start3A_739 = tpu.memref_slice %arg6[%run_scoped3A_650, %dma_start3A_737, %dma_start3A_738] : memref<4x800x32xf32, #tpu.memory_space<vmem>> -> memref<1x800x32xf32, #tpu.memory_space<vmem>>
      %dma_start3A_740 = tpu.memref_squeeze %dma_start3A_739 : memref<1x800x32xf32, #tpu.memory_space<vmem>> -> memref<800x32xf32, #tpu.memory_space<vmem>>
      %dma_start3A_741 = arith.constant 0 : i32
      %dma_start3A_742 = tpu.memref_slice %arg4[%add3A_649, %dma_start3A_741] : memref<819200x32xf32, #tpu.memory_space<hbm>> -> memref<800x32xf32, #tpu.memory_space<hbm>>
      %dma_start3A_743 = arith.constant 0 : i32
      %dma_start3A_744 = tpu.memref_slice %arg4[%add3A_649, %dma_start3A_743] : memref<819200x32xf32, #tpu.memory_space<hbm>> -> memref<800x32xf32, #tpu.memory_space<hbm>>
      %dma_start3A_745 = arith.constant 0 : i32
      %dma_start3A_746 = arith.constant 0 : i32
      %dma_start3A_747 = tpu.memref_slice %arg6[%run_scoped3A_650, %dma_start3A_745, %dma_start3A_746] : memref<4x800x32xf32, #tpu.memory_space<vmem>> -> memref<1x800x32xf32, #tpu.memory_space<vmem>>
      %dma_start3A_748 = tpu.memref_squeeze %dma_start3A_747 : memref<1x800x32xf32, #tpu.memory_space<vmem>> -> memref<800x32xf32, #tpu.memory_space<vmem>>
      tpu.enqueue_dma source(%dma_start3A_748 : memref<800x32xf32, #tpu.memory_space<vmem>>) target(%dma_start3A_744 : memref<800x32xf32, #tpu.memory_space<hbm>>) target_semaphore(%run_scoped3A_736 : memref<!tpu.dma_semaphore, #tpu.memory_space<semaphore_mem>>)
      %dma_wait3A_749 = arith.constant 0 : i32
      %dma_wait3A_750 = arith.constant 0 : i32
      %dma_wait3A_751 = tpu.memref_slice %arg6[%run_scoped3A_650, %dma_wait3A_749, %dma_wait3A_750] : memref<4x800x32xf32, #tpu.memory_space<vmem>> -> memref<1x800x32xf32, #tpu.memory_space<vmem>>
      %dma_wait3A_752 = tpu.memref_squeeze %dma_wait3A_751 : memref<1x800x32xf32, #tpu.memory_space<vmem>> -> memref<800x32xf32, #tpu.memory_space<vmem>>
      %dma_wait3A_753 = arith.constant 0 : i32
      %dma_wait3A_754 = tpu.memref_slice %arg4[%add3A_649, %dma_wait3A_753] : memref<819200x32xf32, #tpu.memory_space<hbm>> -> memref<800x32xf32, #tpu.memory_space<hbm>>
      %dma_wait3A_755 = arith.constant 0 : i32
      %dma_wait3A_756 = tpu.memref_slice %arg4[%add3A_649, %dma_wait3A_755] : memref<819200x32xf32, #tpu.memory_space<hbm>> -> memref<800x32xf32, #tpu.memory_space<hbm>>
      %dma_wait3A_757 = arith.constant 0 : i32
      %dma_wait3A_758 = arith.constant 0 : i32
      %dma_wait3A_759 = tpu.memref_slice %arg6[%run_scoped3A_650, %dma_wait3A_757, %dma_wait3A_758] : memref<4x800x32xf32, #tpu.memory_space<vmem>> -> memref<1x800x32xf32, #tpu.memory_space<vmem>>
      %dma_wait3A_760 = tpu.memref_squeeze %dma_wait3A_759 : memref<1x800x32xf32, #tpu.memory_space<vmem>> -> memref<800x32xf32, #tpu.memory_space<vmem>>
      tpu.wait_dma2 semaphore(%run_scoped3A_736 : memref<!tpu.dma_semaphore, #tpu.memory_space<semaphore_mem>>) src(%dma_wait3A_760 : memref<800x32xf32, #tpu.memory_space<vmem>>) dst(%dma_wait3A_756 : memref<800x32xf32, #tpu.memory_space<hbm>>)
      tpu.yield
    }) : () -> ()
    %dma_start3A_651 = arith.constant 2 : i32
    %dma_start3A_652 = arith.constant 0 : i32
    %dma_start3A_653 = arith.constant 0 : i32
    %dma_start3A_654 = tpu.memref_slice %arg6[%dma_start3A_651, %dma_start3A_652, %dma_start3A_653] : memref<4x800x32xf32, #tpu.memory_space<vmem>> -> memref<1x800x32xf32, #tpu.memory_space<vmem>>
    %dma_start3A_655 = tpu.memref_squeeze %dma_start3A_654 : memref<1x800x32xf32, #tpu.memory_space<vmem>> -> memref<800x32xf32, #tpu.memory_space<vmem>>
    %dma_start3A_656 = arith.constant 24000 : i32
    %dma_start3A_657 = tpu.memref_slice %arg5[%dma_start3A_656] : memref<25600xi32, #tpu.memory_space<vmem>> -> memref<800xi32, #tpu.memory_space<vmem>>
    %dma_start3A_658 = arith.constant 0 : i32
    %dma_start3A_659 = arith.constant 0 : i32
    %dma_start3A_660 = tpu.memref_slice %arg3[%dma_start3A_658, %dma_start3A_659] : memref<1000000x32xf32, #tpu.memory_space<hbm>> -> memref<1000000x32xf32, #tpu.memory_space<hbm>>
    tpu.enqueue_indirect_dma source(%dma_start3A_660 : memref<1000000x32xf32, #tpu.memory_space<hbm>>) target(%dma_start3A_655 : memref<800x32xf32, #tpu.memory_space<vmem>>) offsets(%dma_start3A_657 : memref<800xi32, #tpu.memory_space<vmem>>) semaphore(%arg9 : memref<!tpu.dma_semaphore, #tpu.memory_space<semaphore_mem>>)
    %dma_wait3A_661 = arith.constant 3 : i32
    %dma_wait3A_662 = arith.constant 0 : i32
    %dma_wait3A_663 = arith.constant 0 : i32
    %dma_wait3A_664 = tpu.memref_slice %arg6[%dma_wait3A_661, %dma_wait3A_662, %dma_wait3A_663] : memref<4x800x32xf32, #tpu.memory_space<vmem>> -> memref<1x800x32xf32, #tpu.memory_space<vmem>>
    %dma_wait3A_665 = tpu.memref_squeeze %dma_wait3A_664 : memref<1x800x32xf32, #tpu.memory_space<vmem>> -> memref<800x32xf32, #tpu.memory_space<vmem>>
    %dma_wait3A_666 = arith.constant 21600 : i32
    %dma_wait3A_667 = tpu.memref_slice %arg5[%dma_wait3A_666] : memref<25600xi32, #tpu.memory_space<vmem>> -> memref<800xi32, #tpu.memory_space<vmem>>
    %dma_wait3A_668 = arith.constant 0 : i32
    %dma_wait3A_669 = arith.constant 0 : i32
    %dma_wait3A_670 = tpu.memref_slice %arg3[%dma_wait3A_668, %dma_wait3A_669] : memref<1000000x32xf32, #tpu.memory_space<hbm>> -> memref<1000000x32xf32, #tpu.memory_space<hbm>>
    tpu.wait_indirect_dma semaphore(%arg10 : memref<!tpu.dma_semaphore, #tpu.memory_space<semaphore_mem>>) src(%dma_wait3A_670 : memref<1000000x32xf32, #tpu.memory_space<hbm>>) dst(%dma_wait3A_665 : memref<800x32xf32, #tpu.memory_space<vmem>>)
    %add3A_671 = arith.constant 21600 : i32
    %add3A_672 = arith.addi %mul3A_2, %add3A_671 : i32
    %run_scoped3A_673 = arith.constant 3 : i32
    "tpu.region"() ({
      %run_scoped3A_736 = tpu.sem_alloc : memref<!tpu.dma_semaphore, #tpu.memory_space<semaphore_mem>>
      %dma_start3A_737 = arith.constant 0 : i32
      %dma_start3A_738 = arith.constant 0 : i32
      %dma_start3A_739 = tpu.memref_slice %arg6[%run_scoped3A_673, %dma_start3A_737, %dma_start3A_738] : memref<4x800x32xf32, #tpu.memory_space<vmem>> -> memref<1x800x32xf32, #tpu.memory_space<vmem>>
      %dma_start3A_740 = tpu.memref_squeeze %dma_start3A_739 : memref<1x800x32xf32, #tpu.memory_space<vmem>> -> memref<800x32xf32, #tpu.memory_space<vmem>>
      %dma_start3A_741 = arith.constant 0 : i32
      %dma_start3A_742 = tpu.memref_slice %arg4[%add3A_672, %dma_start3A_741] : memref<819200x32xf32, #tpu.memory_space<hbm>> -> memref<800x32xf32, #tpu.memory_space<hbm>>
      %dma_start3A_743 = arith.constant 0 : i32
      %dma_start3A_744 = tpu.memref_slice %arg4[%add3A_672, %dma_start3A_743] : memref<819200x32xf32, #tpu.memory_space<hbm>> -> memref<800x32xf32, #tpu.memory_space<hbm>>
      %dma_start3A_745 = arith.constant 0 : i32
      %dma_start3A_746 = arith.constant 0 : i32
      %dma_start3A_747 = tpu.memref_slice %arg6[%run_scoped3A_673, %dma_start3A_745, %dma_start3A_746] : memref<4x800x32xf32, #tpu.memory_space<vmem>> -> memref<1x800x32xf32, #tpu.memory_space<vmem>>
      %dma_start3A_748 = tpu.memref_squeeze %dma_start3A_747 : memref<1x800x32xf32, #tpu.memory_space<vmem>> -> memref<800x32xf32, #tpu.memory_space<vmem>>
      tpu.enqueue_dma source(%dma_start3A_748 : memref<800x32xf32, #tpu.memory_space<vmem>>) target(%dma_start3A_744 : memref<800x32xf32, #tpu.memory_space<hbm>>) target_semaphore(%run_scoped3A_736 : memref<!tpu.dma_semaphore, #tpu.memory_space<semaphore_mem>>)
      %dma_wait3A_749 = arith.constant 0 : i32
      %dma_wait3A_750 = arith.constant 0 : i32
      %dma_wait3A_751 = tpu.memref_slice %arg6[%run_scoped3A_673, %dma_wait3A_749, %dma_wait3A_750] : memref<4x800x32xf32, #tpu.memory_space<vmem>> -> memref<1x800x32xf32, #tpu.memory_space<vmem>>
      %dma_wait3A_752 = tpu.memref_squeeze %dma_wait3A_751 : memref<1x800x32xf32, #tpu.memory_space<vmem>> -> memref<800x32xf32, #tpu.memory_space<vmem>>
      %dma_wait3A_753 = arith.constant 0 : i32
      %dma_wait3A_754 = tpu.memref_slice %arg4[%add3A_672, %dma_wait3A_753] : memref<819200x32xf32, #tpu.memory_space<hbm>> -> memref<800x32xf32, #tpu.memory_space<hbm>>
      %dma_wait3A_755 = arith.constant 0 : i32
      %dma_wait3A_756 = tpu.memref_slice %arg4[%add3A_672, %dma_wait3A_755] : memref<819200x32xf32, #tpu.memory_space<hbm>> -> memref<800x32xf32, #tpu.memory_space<hbm>>
      %dma_wait3A_757 = arith.constant 0 : i32
      %dma_wait3A_758 = arith.constant 0 : i32
      %dma_wait3A_759 = tpu.memref_slice %arg6[%run_scoped3A_673, %dma_wait3A_757, %dma_wait3A_758] : memref<4x800x32xf32, #tpu.memory_space<vmem>> -> memref<1x800x32xf32, #tpu.memory_space<vmem>>
      %dma_wait3A_760 = tpu.memref_squeeze %dma_wait3A_759 : memref<1x800x32xf32, #tpu.memory_space<vmem>> -> memref<800x32xf32, #tpu.memory_space<vmem>>
      tpu.wait_dma2 semaphore(%run_scoped3A_736 : memref<!tpu.dma_semaphore, #tpu.memory_space<semaphore_mem>>) src(%dma_wait3A_760 : memref<800x32xf32, #tpu.memory_space<vmem>>) dst(%dma_wait3A_756 : memref<800x32xf32, #tpu.memory_space<hbm>>)
      tpu.yield
    }) : () -> ()
    %dma_start3A_674 = arith.constant 3 : i32
    %dma_start3A_675 = arith.constant 0 : i32
    %dma_start3A_676 = arith.constant 0 : i32
    %dma_start3A_677 = tpu.memref_slice %arg6[%dma_start3A_674, %dma_start3A_675, %dma_start3A_676] : memref<4x800x32xf32, #tpu.memory_space<vmem>> -> memref<1x800x32xf32, #tpu.memory_space<vmem>>
    %dma_start3A_678 = tpu.memref_squeeze %dma_start3A_677 : memref<1x800x32xf32, #tpu.memory_space<vmem>> -> memref<800x32xf32, #tpu.memory_space<vmem>>
    %dma_start3A_679 = arith.constant 24800 : i32
    %dma_start3A_680 = tpu.memref_slice %arg5[%dma_start3A_679] : memref<25600xi32, #tpu.memory_space<vmem>> -> memref<800xi32, #tpu.memory_space<vmem>>
    %dma_start3A_681 = arith.constant 0 : i32
    %dma_start3A_682 = arith.constant 0 : i32
    %dma_start3A_683 = tpu.memref_slice %arg3[%dma_start3A_681, %dma_start3A_682] : memref<1000000x32xf32, #tpu.memory_space<hbm>> -> memref<1000000x32xf32, #tpu.memory_space<hbm>>
    tpu.enqueue_indirect_dma source(%dma_start3A_683 : memref<1000000x32xf32, #tpu.memory_space<hbm>>) target(%dma_start3A_678 : memref<800x32xf32, #tpu.memory_space<vmem>>) offsets(%dma_start3A_680 : memref<800xi32, #tpu.memory_space<vmem>>) semaphore(%arg10 : memref<!tpu.dma_semaphore, #tpu.memory_space<semaphore_mem>>)
    %dma_wait3A_684 = arith.constant 0 : i32
    %dma_wait3A_685 = arith.constant 0 : i32
    %dma_wait3A_686 = arith.constant 0 : i32
    %dma_wait3A_687 = tpu.memref_slice %arg6[%dma_wait3A_684, %dma_wait3A_685, %dma_wait3A_686] : memref<4x800x32xf32, #tpu.memory_space<vmem>> -> memref<1x800x32xf32, #tpu.memory_space<vmem>>
    %dma_wait3A_688 = tpu.memref_squeeze %dma_wait3A_687 : memref<1x800x32xf32, #tpu.memory_space<vmem>> -> memref<800x32xf32, #tpu.memory_space<vmem>>
    %dma_wait3A_689 = arith.constant 22400 : i32
    %dma_wait3A_690 = tpu.memref_slice %arg5[%dma_wait3A_689] : memref<25600xi32, #tpu.memory_space<vmem>> -> memref<800xi32, #tpu.memory_space<vmem>>
    %dma_wait3A_691 = arith.constant 0 : i32
    %dma_wait3A_692 = arith.constant 0 : i32
    %dma_wait3A_693 = tpu.memref_slice %arg3[%dma_wait3A_691, %dma_wait3A_692] : memref<1000000x32xf32, #tpu.memory_space<hbm>> -> memref<1000000x32xf32, #tpu.memory_space<hbm>>
    tpu.wait_indirect_dma semaphore(%arg7 : memref<!tpu.dma_semaphore, #tpu.memory_space<semaphore_mem>>) src(%dma_wait3A_693 : memref<1000000x32xf32, #tpu.memory_space<hbm>>) dst(%dma_wait3A_688 : memref<800x32xf32, #tpu.memory_space<vmem>>)
    %add3A_694 = arith.constant 22400 : i32
    %add3A_695 = arith.addi %mul3A_2, %add3A_694 : i32
    %run_scoped3A_696 = arith.constant 0 : i32
    "tpu.region"() ({
      %run_scoped3A_736 = tpu.sem_alloc : memref<!tpu.dma_semaphore, #tpu.memory_space<semaphore_mem>>
      %dma_start3A_737 = arith.constant 0 : i32
      %dma_start3A_738 = arith.constant 0 : i32
      %dma_start3A_739 = tpu.memref_slice %arg6[%run_scoped3A_696, %dma_start3A_737, %dma_start3A_738] : memref<4x800x32xf32, #tpu.memory_space<vmem>> -> memref<1x800x32xf32, #tpu.memory_space<vmem>>
      %dma_start3A_740 = tpu.memref_squeeze %dma_start3A_739 : memref<1x800x32xf32, #tpu.memory_space<vmem>> -> memref<800x32xf32, #tpu.memory_space<vmem>>
      %dma_start3A_741 = arith.constant 0 : i32
      %dma_start3A_742 = tpu.memref_slice %arg4[%add3A_695, %dma_start3A_741] : memref<819200x32xf32, #tpu.memory_space<hbm>> -> memref<800x32xf32, #tpu.memory_space<hbm>>
      %dma_start3A_743 = arith.constant 0 : i32
      %dma_start3A_744 = tpu.memref_slice %arg4[%add3A_695, %dma_start3A_743] : memref<819200x32xf32, #tpu.memory_space<hbm>> -> memref<800x32xf32, #tpu.memory_space<hbm>>
      %dma_start3A_745 = arith.constant 0 : i32
      %dma_start3A_746 = arith.constant 0 : i32
      %dma_start3A_747 = tpu.memref_slice %arg6[%run_scoped3A_696, %dma_start3A_745, %dma_start3A_746] : memref<4x800x32xf32, #tpu.memory_space<vmem>> -> memref<1x800x32xf32, #tpu.memory_space<vmem>>
      %dma_start3A_748 = tpu.memref_squeeze %dma_start3A_747 : memref<1x800x32xf32, #tpu.memory_space<vmem>> -> memref<800x32xf32, #tpu.memory_space<vmem>>
      tpu.enqueue_dma source(%dma_start3A_748 : memref<800x32xf32, #tpu.memory_space<vmem>>) target(%dma_start3A_744 : memref<800x32xf32, #tpu.memory_space<hbm>>) target_semaphore(%run_scoped3A_736 : memref<!tpu.dma_semaphore, #tpu.memory_space<semaphore_mem>>)
      %dma_wait3A_749 = arith.constant 0 : i32
      %dma_wait3A_750 = arith.constant 0 : i32
      %dma_wait3A_751 = tpu.memref_slice %arg6[%run_scoped3A_696, %dma_wait3A_749, %dma_wait3A_750] : memref<4x800x32xf32, #tpu.memory_space<vmem>> -> memref<1x800x32xf32, #tpu.memory_space<vmem>>
      %dma_wait3A_752 = tpu.memref_squeeze %dma_wait3A_751 : memref<1x800x32xf32, #tpu.memory_space<vmem>> -> memref<800x32xf32, #tpu.memory_space<vmem>>
      %dma_wait3A_753 = arith.constant 0 : i32
      %dma_wait3A_754 = tpu.memref_slice %arg4[%add3A_695, %dma_wait3A_753] : memref<819200x32xf32, #tpu.memory_space<hbm>> -> memref<800x32xf32, #tpu.memory_space<hbm>>
      %dma_wait3A_755 = arith.constant 0 : i32
      %dma_wait3A_756 = tpu.memref_slice %arg4[%add3A_695, %dma_wait3A_755] : memref<819200x32xf32, #tpu.memory_space<hbm>> -> memref<800x32xf32, #tpu.memory_space<hbm>>
      %dma_wait3A_757 = arith.constant 0 : i32
      %dma_wait3A_758 = arith.constant 0 : i32
      %dma_wait3A_759 = tpu.memref_slice %arg6[%run_scoped3A_696, %dma_wait3A_757, %dma_wait3A_758] : memref<4x800x32xf32, #tpu.memory_space<vmem>> -> memref<1x800x32xf32, #tpu.memory_space<vmem>>
      %dma_wait3A_760 = tpu.memref_squeeze %dma_wait3A_759 : memref<1x800x32xf32, #tpu.memory_space<vmem>> -> memref<800x32xf32, #tpu.memory_space<vmem>>
      tpu.wait_dma2 semaphore(%run_scoped3A_736 : memref<!tpu.dma_semaphore, #tpu.memory_space<semaphore_mem>>) src(%dma_wait3A_760 : memref<800x32xf32, #tpu.memory_space<vmem>>) dst(%dma_wait3A_756 : memref<800x32xf32, #tpu.memory_space<hbm>>)
      tpu.yield
    }) : () -> ()
    %dma_wait3A_697 = arith.constant 1 : i32
    %dma_wait3A_698 = arith.constant 0 : i32
    %dma_wait3A_699 = arith.constant 0 : i32
    %dma_wait3A_700 = tpu.memref_slice %arg6[%dma_wait3A_697, %dma_wait3A_698, %dma_wait3A_699] : memref<4x800x32xf32, #tpu.memory_space<vmem>> -> memref<1x800x32xf32, #tpu.memory_space<vmem>>
    %dma_wait3A_701 = tpu.memref_squeeze %dma_wait3A_700 : memref<1x800x32xf32, #tpu.memory_space<vmem>> -> memref<800x32xf32, #tpu.memory_space<vmem>>
    %dma_wait3A_702 = arith.constant 23200 : i32
    %dma_wait3A_703 = tpu.memref_slice %arg5[%dma_wait3A_702] : memref<25600xi32, #tpu.memory_space<vmem>> -> memref<800xi32, #tpu.memory_space<vmem>>
    %dma_wait3A_704 = arith.constant 0 : i32
    %dma_wait3A_705 = arith.constant 0 : i32
    %dma_wait3A_706 = tpu.memref_slice %arg3[%dma_wait3A_704, %dma_wait3A_705] : memref<1000000x32xf32, #tpu.memory_space<hbm>> -> memref<1000000x32xf32, #tpu.memory_space<hbm>>
    tpu.wait_indirect_dma semaphore(%arg8 : memref<!tpu.dma_semaphore, #tpu.memory_space<semaphore_mem>>) src(%dma_wait3A_706 : memref<1000000x32xf32, #tpu.memory_space<hbm>>) dst(%dma_wait3A_701 : memref<800x32xf32, #tpu.memory_space<vmem>>)
    %add3A_707 = arith.constant 23200 : i32
    %add3A_708 = arith.addi %mul3A_2, %add3A_707 : i32
    %run_scoped3A_709 = arith.constant 1 : i32
    "tpu.region"() ({
      %run_scoped3A_736 = tpu.sem_alloc : memref<!tpu.dma_semaphore, #tpu.memory_space<semaphore_mem>>
      %dma_start3A_737 = arith.constant 0 : i32
      %dma_start3A_738 = arith.constant 0 : i32
      %dma_start3A_739 = tpu.memref_slice %arg6[%run_scoped3A_709, %dma_start3A_737, %dma_start3A_738] : memref<4x800x32xf32, #tpu.memory_space<vmem>> -> memref<1x800x32xf32, #tpu.memory_space<vmem>>
      %dma_start3A_740 = tpu.memref_squeeze %dma_start3A_739 : memref<1x800x32xf32, #tpu.memory_space<vmem>> -> memref<800x32xf32, #tpu.memory_space<vmem>>
      %dma_start3A_741 = arith.constant 0 : i32
      %dma_start3A_742 = tpu.memref_slice %arg4[%add3A_708, %dma_start3A_741] : memref<819200x32xf32, #tpu.memory_space<hbm>> -> memref<800x32xf32, #tpu.memory_space<hbm>>
      %dma_start3A_743 = arith.constant 0 : i32
      %dma_start3A_744 = tpu.memref_slice %arg4[%add3A_708, %dma_start3A_743] : memref<819200x32xf32, #tpu.memory_space<hbm>> -> memref<800x32xf32, #tpu.memory_space<hbm>>
      %dma_start3A_745 = arith.constant 0 : i32
      %dma_start3A_746 = arith.constant 0 : i32
      %dma_start3A_747 = tpu.memref_slice %arg6[%run_scoped3A_709, %dma_start3A_745, %dma_start3A_746] : memref<4x800x32xf32, #tpu.memory_space<vmem>> -> memref<1x800x32xf32, #tpu.memory_space<vmem>>
      %dma_start3A_748 = tpu.memref_squeeze %dma_start3A_747 : memref<1x800x32xf32, #tpu.memory_space<vmem>> -> memref<800x32xf32, #tpu.memory_space<vmem>>
      tpu.enqueue_dma source(%dma_start3A_748 : memref<800x32xf32, #tpu.memory_space<vmem>>) target(%dma_start3A_744 : memref<800x32xf32, #tpu.memory_space<hbm>>) target_semaphore(%run_scoped3A_736 : memref<!tpu.dma_semaphore, #tpu.memory_space<semaphore_mem>>)
      %dma_wait3A_749 = arith.constant 0 : i32
      %dma_wait3A_750 = arith.constant 0 : i32
      %dma_wait3A_751 = tpu.memref_slice %arg6[%run_scoped3A_709, %dma_wait3A_749, %dma_wait3A_750] : memref<4x800x32xf32, #tpu.memory_space<vmem>> -> memref<1x800x32xf32, #tpu.memory_space<vmem>>
      %dma_wait3A_752 = tpu.memref_squeeze %dma_wait3A_751 : memref<1x800x32xf32, #tpu.memory_space<vmem>> -> memref<800x32xf32, #tpu.memory_space<vmem>>
      %dma_wait3A_753 = arith.constant 0 : i32
      %dma_wait3A_754 = tpu.memref_slice %arg4[%add3A_708, %dma_wait3A_753] : memref<819200x32xf32, #tpu.memory_space<hbm>> -> memref<800x32xf32, #tpu.memory_space<hbm>>
      %dma_wait3A_755 = arith.constant 0 : i32
      %dma_wait3A_756 = tpu.memref_slice %arg4[%add3A_708, %dma_wait3A_755] : memref<819200x32xf32, #tpu.memory_space<hbm>> -> memref<800x32xf32, #tpu.memory_space<hbm>>
      %dma_wait3A_757 = arith.constant 0 : i32
      %dma_wait3A_758 = arith.constant 0 : i32
      %dma_wait3A_759 = tpu.memref_slice %arg6[%run_scoped3A_709, %dma_wait3A_757, %dma_wait3A_758] : memref<4x800x32xf32, #tpu.memory_space<vmem>> -> memref<1x800x32xf32, #tpu.memory_space<vmem>>
      %dma_wait3A_760 = tpu.memref_squeeze %dma_wait3A_759 : memref<1x800x32xf32, #tpu.memory_space<vmem>> -> memref<800x32xf32, #tpu.memory_space<vmem>>
      tpu.wait_dma2 semaphore(%run_scoped3A_736 : memref<!tpu.dma_semaphore, #tpu.memory_space<semaphore_mem>>) src(%dma_wait3A_760 : memref<800x32xf32, #tpu.memory_space<vmem>>) dst(%dma_wait3A_756 : memref<800x32xf32, #tpu.memory_space<hbm>>)
      tpu.yield
    }) : () -> ()
    %dma_wait3A_710 = arith.constant 2 : i32
    %dma_wait3A_711 = arith.constant 0 : i32
    %dma_wait3A_712 = arith.constant 0 : i32
    %dma_wait3A_713 = tpu.memref_slice %arg6[%dma_wait3A_710, %dma_wait3A_711, %dma_wait3A_712] : memref<4x800x32xf32, #tpu.memory_space<vmem>> -> memref<1x800x32xf32, #tpu.memory_space<vmem>>
    %dma_wait3A_714 = tpu.memref_squeeze %dma_wait3A_713 : memref<1x800x32xf32, #tpu.memory_space<vmem>> -> memref<800x32xf32, #tpu.memory_space<vmem>>
    %dma_wait3A_715 = arith.constant 24000 : i32
    %dma_wait3A_716 = tpu.memref_slice %arg5[%dma_wait3A_715] : memref<25600xi32, #tpu.memory_space<vmem>> -> memref<800xi32, #tpu.memory_space<vmem>>
    %dma_wait3A_717 = arith.constant 0 : i32
    %dma_wait3A_718 = arith.constant 0 : i32
    %dma_wait3A_719 = tpu.memref_slice %arg3[%dma_wait3A_717, %dma_wait3A_718] : memref<1000000x32xf32, #tpu.memory_space<hbm>> -> memref<1000000x32xf32, #tpu.memory_space<hbm>>
    tpu.wait_indirect_dma semaphore(%arg9 : memref<!tpu.dma_semaphore, #tpu.memory_space<semaphore_mem>>) src(%dma_wait3A_719 : memref<1000000x32xf32, #tpu.memory_space<hbm>>) dst(%dma_wait3A_714 : memref<800x32xf32, #tpu.memory_space<vmem>>)
    %add3A_720 = arith.constant 24000 : i32
    %add3A_721 = arith.addi %mul3A_2, %add3A_720 : i32
    %run_scoped3A_722 = arith.constant 2 : i32
    "tpu.region"() ({
      %run_scoped3A_736 = tpu.sem_alloc : memref<!tpu.dma_semaphore, #tpu.memory_space<semaphore_mem>>
      %dma_start3A_737 = arith.constant 0 : i32
      %dma_start3A_738 = arith.constant 0 : i32
      %dma_start3A_739 = tpu.memref_slice %arg6[%run_scoped3A_722, %dma_start3A_737, %dma_start3A_738] : memref<4x800x32xf32, #tpu.memory_space<vmem>> -> memref<1x800x32xf32, #tpu.memory_space<vmem>>
      %dma_start3A_740 = tpu.memref_squeeze %dma_start3A_739 : memref<1x800x32xf32, #tpu.memory_space<vmem>> -> memref<800x32xf32, #tpu.memory_space<vmem>>
      %dma_start3A_741 = arith.constant 0 : i32
      %dma_start3A_742 = tpu.memref_slice %arg4[%add3A_721, %dma_start3A_741] : memref<819200x32xf32, #tpu.memory_space<hbm>> -> memref<800x32xf32, #tpu.memory_space<hbm>>
      %dma_start3A_743 = arith.constant 0 : i32
      %dma_start3A_744 = tpu.memref_slice %arg4[%add3A_721, %dma_start3A_743] : memref<819200x32xf32, #tpu.memory_space<hbm>> -> memref<800x32xf32, #tpu.memory_space<hbm>>
      %dma_start3A_745 = arith.constant 0 : i32
      %dma_start3A_746 = arith.constant 0 : i32
      %dma_start3A_747 = tpu.memref_slice %arg6[%run_scoped3A_722, %dma_start3A_745, %dma_start3A_746] : memref<4x800x32xf32, #tpu.memory_space<vmem>> -> memref<1x800x32xf32, #tpu.memory_space<vmem>>
      %dma_start3A_748 = tpu.memref_squeeze %dma_start3A_747 : memref<1x800x32xf32, #tpu.memory_space<vmem>> -> memref<800x32xf32, #tpu.memory_space<vmem>>
      tpu.enqueue_dma source(%dma_start3A_748 : memref<800x32xf32, #tpu.memory_space<vmem>>) target(%dma_start3A_744 : memref<800x32xf32, #tpu.memory_space<hbm>>) target_semaphore(%run_scoped3A_736 : memref<!tpu.dma_semaphore, #tpu.memory_space<semaphore_mem>>)
      %dma_wait3A_749 = arith.constant 0 : i32
      %dma_wait3A_750 = arith.constant 0 : i32
      %dma_wait3A_751 = tpu.memref_slice %arg6[%run_scoped3A_722, %dma_wait3A_749, %dma_wait3A_750] : memref<4x800x32xf32, #tpu.memory_space<vmem>> -> memref<1x800x32xf32, #tpu.memory_space<vmem>>
      %dma_wait3A_752 = tpu.memref_squeeze %dma_wait3A_751 : memref<1x800x32xf32, #tpu.memory_space<vmem>> -> memref<800x32xf32, #tpu.memory_space<vmem>>
      %dma_wait3A_753 = arith.constant 0 : i32
      %dma_wait3A_754 = tpu.memref_slice %arg4[%add3A_721, %dma_wait3A_753] : memref<819200x32xf32, #tpu.memory_space<hbm>> -> memref<800x32xf32, #tpu.memory_space<hbm>>
      %dma_wait3A_755 = arith.constant 0 : i32
      %dma_wait3A_756 = tpu.memref_slice %arg4[%add3A_721, %dma_wait3A_755] : memref<819200x32xf32, #tpu.memory_space<hbm>> -> memref<800x32xf32, #tpu.memory_space<hbm>>
      %dma_wait3A_757 = arith.constant 0 : i32
      %dma_wait3A_758 = arith.constant 0 : i32
      %dma_wait3A_759 = tpu.memref_slice %arg6[%run_scoped3A_722, %dma_wait3A_757, %dma_wait3A_758] : memref<4x800x32xf32, #tpu.memory_space<vmem>> -> memref<1x800x32xf32, #tpu.memory_space<vmem>>
      %dma_wait3A_760 = tpu.memref_squeeze %dma_wait3A_759 : memref<1x800x32xf32, #tpu.memory_space<vmem>> -> memref<800x32xf32, #tpu.memory_space<vmem>>
      tpu.wait_dma2 semaphore(%run_scoped3A_736 : memref<!tpu.dma_semaphore, #tpu.memory_space<semaphore_mem>>) src(%dma_wait3A_760 : memref<800x32xf32, #tpu.memory_space<vmem>>) dst(%dma_wait3A_756 : memref<800x32xf32, #tpu.memory_space<hbm>>)
      tpu.yield
    }) : () -> ()
    %dma_wait3A_723 = arith.constant 3 : i32
    %dma_wait3A_724 = arith.constant 0 : i32
    %dma_wait3A_725 = arith.constant 0 : i32
    %dma_wait3A_726 = tpu.memref_slice %arg6[%dma_wait3A_723, %dma_wait3A_724, %dma_wait3A_725] : memref<4x800x32xf32, #tpu.memory_space<vmem>> -> memref<1x800x32xf32, #tpu.memory_space<vmem>>
    %dma_wait3A_727 = tpu.memref_squeeze %dma_wait3A_726 : memref<1x800x32xf32, #tpu.memory_space<vmem>> -> memref<800x32xf32, #tpu.memory_space<vmem>>
    %dma_wait3A_728 = arith.constant 24800 : i32
    %dma_wait3A_729 = tpu.memref_slice %arg5[%dma_wait3A_728] : memref<25600xi32, #tpu.memory_space<vmem>> -> memref<800xi32, #tpu.memory_space<vmem>>
    %dma_wait3A_730 = arith.constant 0 : i32
    %dma_wait3A_731 = arith.constant 0 : i32
    %dma_wait3A_732 = tpu.memref_slice %arg3[%dma_wait3A_730, %dma_wait3A_731] : memref<1000000x32xf32, #tpu.memory_space<hbm>> -> memref<1000000x32xf32, #tpu.memory_space<hbm>>
    tpu.wait_indirect_dma semaphore(%arg10 : memref<!tpu.dma_semaphore, #tpu.memory_space<semaphore_mem>>) src(%dma_wait3A_732 : memref<1000000x32xf32, #tpu.memory_space<hbm>>) dst(%dma_wait3A_727 : memref<800x32xf32, #tpu.memory_space<vmem>>)
    %add3A_733 = arith.constant 24800 : i32
    %add3A_734 = arith.addi %mul3A_2, %add3A_733 : i32
    %run_scoped3A_735 = arith.constant 3 : i32
    "tpu.region"() ({
      %run_scoped3A_736 = tpu.sem_alloc : memref<!tpu.dma_semaphore, #tpu.memory_space<semaphore_mem>>
      %dma_start3A_737 = arith.constant 0 : i32
      %dma_start3A_738 = arith.constant 0 : i32
      %dma_start3A_739 = tpu.memref_slice %arg6[%run_scoped3A_735, %dma_start3A_737, %dma_start3A_738] : memref<4x800x32xf32, #tpu.memory_space<vmem>> -> memref<1x800x32xf32, #tpu.memory_space<vmem>>
      %dma_start3A_740 = tpu.memref_squeeze %dma_start3A_739 : memref<1x800x32xf32, #tpu.memory_space<vmem>> -> memref<800x32xf32, #tpu.memory_space<vmem>>
      %dma_start3A_741 = arith.constant 0 : i32
      %dma_start3A_742 = tpu.memref_slice %arg4[%add3A_734, %dma_start3A_741] : memref<819200x32xf32, #tpu.memory_space<hbm>> -> memref<800x32xf32, #tpu.memory_space<hbm>>
      %dma_start3A_743 = arith.constant 0 : i32
      %dma_start3A_744 = tpu.memref_slice %arg4[%add3A_734, %dma_start3A_743] : memref<819200x32xf32, #tpu.memory_space<hbm>> -> memref<800x32xf32, #tpu.memory_space<hbm>>
      %dma_start3A_745 = arith.constant 0 : i32
      %dma_start3A_746 = arith.constant 0 : i32
      %dma_start3A_747 = tpu.memref_slice %arg6[%run_scoped3A_735, %dma_start3A_745, %dma_start3A_746] : memref<4x800x32xf32, #tpu.memory_space<vmem>> -> memref<1x800x32xf32, #tpu.memory_space<vmem>>
      %dma_start3A_748 = tpu.memref_squeeze %dma_start3A_747 : memref<1x800x32xf32, #tpu.memory_space<vmem>> -> memref<800x32xf32, #tpu.memory_space<vmem>>
      tpu.enqueue_dma source(%dma_start3A_748 : memref<800x32xf32, #tpu.memory_space<vmem>>) target(%dma_start3A_744 : memref<800x32xf32, #tpu.memory_space<hbm>>) target_semaphore(%run_scoped3A_736 : memref<!tpu.dma_semaphore, #tpu.memory_space<semaphore_mem>>)
      %dma_wait3A_749 = arith.constant 0 : i32
      %dma_wait3A_750 = arith.constant 0 : i32
      %dma_wait3A_751 = tpu.memref_slice %arg6[%run_scoped3A_735, %dma_wait3A_749, %dma_wait3A_750] : memref<4x800x32xf32, #tpu.memory_space<vmem>> -> memref<1x800x32xf32, #tpu.memory_space<vmem>>
      %dma_wait3A_752 = tpu.memref_squeeze %dma_wait3A_751 : memref<1x800x32xf32, #tpu.memory_space<vmem>> -> memref<800x32xf32, #tpu.memory_space<vmem>>
      %dma_wait3A_753 = arith.constant 0 : i32
      %dma_wait3A_754 = tpu.memref_slice %arg4[%add3A_734, %dma_wait3A_753] : memref<819200x32xf32, #tpu.memory_space<hbm>> -> memref<800x32xf32, #tpu.memory_space<hbm>>
      %dma_wait3A_755 = arith.constant 0 : i32
      %dma_wait3A_756 = tpu.memref_slice %arg4[%add3A_734, %dma_wait3A_755] : memref<819200x32xf32, #tpu.memory_space<hbm>> -> memref<800x32xf32, #tpu.memory_space<hbm>>
      %dma_wait3A_757 = arith.constant 0 : i32
      %dma_wait3A_758 = arith.constant 0 : i32
      %dma_wait3A_759 = tpu.memref_slice %arg6[%run_scoped3A_735, %dma_wait3A_757, %dma_wait3A_758] : memref<4x800x32xf32, #tpu.memory_space<vmem>> -> memref<1x800x32xf32, #tpu.memory_space<vmem>>
      %dma_wait3A_760 = tpu.memref_squeeze %dma_wait3A_759 : memref<1x800x32xf32, #tpu.memory_space<vmem>> -> memref<800x32xf32, #tpu.memory_space<vmem>>
      tpu.wait_dma2 semaphore(%run_scoped3A_736 : memref<!tpu.dma_semaphore, #tpu.memory_space<semaphore_mem>>) src(%dma_wait3A_760 : memref<800x32xf32, #tpu.memory_space<vmem>>) dst(%dma_wait3A_756 : memref<800x32xf32, #tpu.memory_space<hbm>>)
      tpu.yield
    }) : () -> ()
    return
  }
}

</mosaic_0001>

<sc_bundles>
// kernel: kernel.3.cloned.1.call-start
scs
__scs_entry_jumppad:
0x0: {  	(pc) =	sbr.rel $0x88, $3  }
0x1: {  	(tag) =	ssettag $0x0;
	lr =	simm.s32 $0x1  }
0x2: {  	[smem:$0x3F9F] =	sst lr;
	_ =	strace $0xD0000000  }
0x3: {  	_ = 	snop  }
0x4: {  	_ = 	snop  }
0x5: {  	_ = 	snop  }
0x6: {  	_ = 	snop  }
0x7: {  	_ = 	snop  }
__scs_overlays_trampoline_lowered:
0x8: {  	[smem:$0x3FAE] =	sst s0  }
0x9: {  	[smem:$0x3FAF] =	sst s1  }
0xa: {  	[smem:$0x3FB0] =	sst s2  }
0xb: {  	[smem:$0x3FB1] =	sst s3  }
0xc: {  	[smem:$0x3FB2] =	sst s4  }
0xd: {  	[smem:$0x3FB3] =	sst s5  }
0xe: {  	[smem:$0x3FB4] =	sst s6  }
0xf: {  	[smem:$0x3FB5] =	sst s7  }
0x10: {  	[smem:$0x3FB6] =	sst s8  }
0x11: {  	[smem:$0x3FB7] =	sst s9;
	s0 =	simm.s32 @!p0 $0x0  }
0x12: {  	s1 =	sld [smem:$0x3F9D];
	s0 =	simm.s32 @p0 $0x1  }
0x13: {  	[smem:$0x3FB8] =	sst s0;
	s0 =	simm.s32 @!p1 $0x0  }
0x14: {  	s2 =	sld [smem:$0x3F9C];
	s0 =	simm.s32 @p1 $0x1  }
0x15: {  	[smem:$0x3FB9] =	sst s0;
	s0 =	simm.s32 @!p2 $0x0  }
0x16: {  	s3 =	sld [smem:$0x3FDB];
	s0 =	simm.s32 @p2 $0x1  }
0x17: {  	s4 =	simm.s32 $0x1BF5;
	[smem:$0x3FBB] =	sst s0  }
0x18: {  	s0 =	sld [smem:$0x3F9E];
	_ =	swait.ge [sflag:s4], $0x0  }
0x19: {  	s7 =	sld [smem:$0x3F9F]  }
0x1a: {  	s8 =	sadd.s32 $0xFFFFE003, lr  }
0x1b: {  	s9 =	sadd.s32 $0xFFFFFEF7, lr;
	s5 =	simm.s32 $0xFFFFFFFF;
	p2 =	slt.u32 s8, $0xFFFFF086  }
0x1c: {  	p1 =	slt.u32 s9, $0xF7A;
	s5 =	simm.s32 @!p2 $0x0  }
0x1d: {  	s5 =	simm.s32 @p1 $0x1;
	p0 =	seq.s32 s7, s2  }
0x1e: {  	s7 =	smul.u32 @!p0 $0xF7A, s2;
	p2 =	seq.s32 @!p0 s5, $0x0  }
0x1f: {  	s9 =	smul.u32 $0xF7A, s1;
	s8 =	simm.s32 @!p0 $0x1BF5;
	p2 =	por !p2, p0  }
0x20: {  	[sflag:s8] =	ssyncset.s32 @!p0 $0xFFFFF086;
	s6 =	sadd.s32 @!p0 s3, s7;
	s7 =	simm.s32 @!p0 $0x108  }
0x21: {  	s3 =	sadd.s32 s3, s9;
	s6 =	sadd.s32 @!p0 $0x88, s6;
	s7 =	simm.s32 @p2 $0x1082  }
0x22: {  	[simem:s7], [sflag:s8] =	dma.local @!p0 [hbm:s6], $0xF7A  }
0x23: {  	s9 =	sor.u32 $0xD0000000, s2;
	s6 =	simm.s32 $0x108;
	_ =	swait.ge @!p0 [sflag:s8], $0x0  }
0x24: {  	s3 =	sadd.s32 $0x88, s3;
	s6 =	simm.s32 @!p1 $0x1082;
	[sflag:s4] =	ssyncset.s32 $0xFFFFF086  }
0x25: {  	[simem:s6], [sflag:s4] =	dma.local [hbm:s3], $0xF7A  }
0x26: {  	[smem:$0x3F9F] =	sst s1;
	(tag) =	ssettag s2;
	_ =	strace s9  }
0x27: {  	s1 =	sld [smem:$0x3FAF]  }
0x28: {  	s2 =	sld [smem:$0x3FB0]  }
0x29: {  	s4 =	sld [smem:$0x3FB2]  }
0x2a: {  	p0 =	seq.s32 s5, $0x0;
	s5 =	sld [smem:$0x3FB3]  }
0x2b: {  	s6 =	sld [smem:$0x3FB4]  }
0x2c: {  	s7 =	sld [smem:$0x3FB5]  }
0x2d: {  	s3 =	simm.s32 $0x108;
	s8 =	sld [smem:$0x3FB6]  }
0x2e: {  	s3 =	simm.s32 @!p0 $0x1082;
	s9 =	sld [smem:$0x3FB7]  }
0x2f: {  	lr =	sadd.s32 s0, s3;
	s0 =	sld [smem:$0x3FAE]  }
0x30: {  	s3 =	sld [smem:$0x3FB1]  }
0x31: {  	[smem:$0x3FBA] =	sst s10  }
0x32: {  	s10 =	sld [smem:$0x3FB8];
	_ =	sdelay $0x3  }
0x33: {  	p0 =	seq.s32 s10, $0x1;
	s10 =	sld [smem:$0x3FBA];
	_ =	sdelay $0x3  }
0x34: {  	[smem:$0x3FBA] =	sst s10  }
0x35: {  	s10 =	sld [smem:$0x3FB9];
	_ =	sdelay $0x3  }
0x36: {  	p1 =	seq.s32 s10, $0x1;
	s10 =	sld [smem:$0x3FBA];
	_ =	sdelay $0x3  }
0x37: {  	[smem:$0x3FBA] =	sst s10  }
0x38: {  	s10 =	sld [smem:$0x3FBB]  }
0x39: {  	_ = 	snop;
	(pc) =	sbr.ind lr, $3  }
0x3a: {  	_ = 	snop  }
0x3b: {  	_ = 	snop  }
0x3c: {  	p2 =	seq.s32 s10, $0x1;
	s10 =	sld [smem:$0x3FBA]  }
0x3d: {  	_ =	shalt  }
0x3e: {  	_ =	shalt  }
0x3f: {  	_ =	shalt  }
0x40: {  	_ =	shalt  }
0x41: {  	_ =	shalt  }
0x42: {  	_ =	shalt  }
0x43: {  	_ =	shalt  }
0x44: {  	_ =	shalt  }
0x45: {  	_ =	shalt  }
0x46: {  	_ =	shalt  }
0x47: {  	_ =	shalt  }
0x48: {  	_ =	shalt  }
0x49: {  	_ =	shalt  }
0x4a: {  	_ =	shalt  }
0x4b: {  	_ =	shalt  }
0x4c: {  	_ =	shalt  }
0x4d: {  	_ =	shalt  }
0x4e: {  	_ =	shalt  }
0x4f: {  	_ =	shalt  }
0x50: {  	_ =	shalt  }
0x51: {  	_ =	shalt  }
0x52: {  	_ =	shalt  }
0x53: {  	_ =	shalt  }
0x54: {  	_ =	shalt  }
0x55: {  	_ =	shalt  }
0x56: {  	_ =	shalt  }
0x57: {  	_ =	shalt  }
0x58: {  	_ =	shalt  }
0x59: {  	_ =	shalt  }
0x5a: {  	_ =	shalt  }
0x5b: {  	_ =	shalt  }
0x5c: {  	_ =	shalt  }
0x5d: {  	_ =	shalt  }
0x5e: {  	_ =	shalt  }
0x5f: {  	_ =	shalt  }
0x60: {  	_ =	shalt  }
0x61: {  	_ =	shalt  }
0x62: {  	_ =	shalt  }
0x63: {  	_ =	shalt  }
0x64: {  	_ =	shalt  }
0x65: {  	_ =	shalt  }
0x66: {  	_ =	shalt  }
0x67: {  	_ =	shalt  }
0x68: {  	_ =	shalt  }
0x69: {  	_ =	shalt  }
0x6a: {  	_ =	shalt  }
0x6b: {  	_ =	shalt  }
0x6c: {  	_ =	shalt  }
0x6d: {  	_ =	shalt  }
0x6e: {  	_ =	shalt  }
0x6f: {  	_ =	shalt  }
0x70: {  	_ =	shalt  }
0x71: {  	_ =	shalt  }
0x72: {  	_ =	shalt  }
0x73: {  	_ =	shalt  }
0x74: {  	_ =	shalt  }
0x75: {  	_ =	shalt  }
0x76: {  	_ =	shalt  }
0x77: {  	_ =	shalt  }
0x78: {  	_ =	shalt  }
0x79: {  	_ =	shalt  }
0x7a: {  	_ =	shalt  }
0x7b: {  	_ =	shalt  }
0x7c: {  	_ =	shalt  }
0x7d: {  	_ =	shalt  }
0x7e: {  	_ =	shalt  }
0x7f: {  	_ =	shalt  }
0x80: {  	_ =	shalt  }
0x81: {  	_ =	shalt  }
0x82: {  	_ =	shalt  }
0x83: {  	_ =	shalt  }
0x84: {  	_ =	shalt  }
0x85: {  	_ =	shalt  }
0x86: {  	_ =	shalt  }
0x87: {  	_ =	shalt  }
.Lfunc_end0:
.L_simem_size_0:
called_computation.1_lowered:
.L_overlay_start_0:
0x88: {  	s2 =	sld [smem:$0x3FD9]  }
0x89: {  	s3 =	sld [smem:$0x3FFE];
	_ =	sdelay $0x1  }
0x8a: {  	s1 =	srdreg.scid  }
0x8b: {  	s0 =	sand.u32 $0x1, s1  }
0x8c: {  	s17 =	sshll.u32 s0, $0xA;
	s2 =	sadd.s32 s3, s2  }
0x8d: {  	s2 =	sadd.s32 s2, s17  }
0x8e: {  	[smem:$0x3FC6] =	sst s2  }
0x8f: {  	_ = 	snop  }
0x90: {  	s2 =	sld [smem:$0x3FD0];
	(tm) =	ssettm $0x1  }
0x91: {  	s18 =	sld [smem:$0x3FFB];
	_ =	sdelay $0x3  }
0x92: {  	_ =	strace s18  }
0x93: {  	s3 =	sld [smem:$0x3FFC];
	_ =	sdelay $0x3  }
0x94: {  	_ =	strace s3  }
0x95: {  	s3 =	sld [smem:$0x3FFD];
	_ =	sdelay $0x3  }
0x96: {  	_ =	strace s3  }
0x97: {  	_ =	strace $0x8FFFFFFF  }
0x98: {  	s19 =	sld [smem:$0x3FDB];
	_ =	sdelay $0x1  }
0x99: {  	s4 =	simm.s32 $_scs_section_size  }
0x9a: {  	s5 =	simm.s32 $_size__tile_overlayer_lowered;
	s6 =	simm.s32 $_tile_overlayer_lowered  }
0x9b: {  	s22 =	simm.s32 $0x1BFF;
	s21 =	sshll.u32 s6, $0x1;
	s3 =	sadd.s32 s4, s19  }
0x9c: {  	s7 =	simm.s32 $0x0;
	s20 =	sshll.u32 s5, $0x1;
	s5 =	sadd.s32 s21, s3  }
0x9d: {  	[timem:s7], [sflag:s22] =	dma.local [hbm:s5], s20  }
0x9e: {  	_ =	swait.ge [sflag:s22], s20  }
0x9f: {  	s4 =	ssub.s32 $0x0, s20;
	[sflag:s22] =	ssyncset.done $0x0  }
0xa0: {  	[sflag:s22] =	ssyncadd.s32 s4;
	_ =	sdelay $0x1  }
0xa1: {  	s23 =	simm.s32 $0x1B8B  }
0xa2: {  	_ =	swait.ge [sflag:s23], $0x1  }
0xa3: {  	[sflag:s23] =	ssyncset.done $0x0  }
0xa4: {  	s25 =	simm.s32 $0x1B8E;
	s24 =	sld [smem:$0x3FFE];
	[sflag:s23] =	ssyncadd.s32 $0xFFFFFFFF  }
0xa5: {  	s26 =	simm.s32 $execute0_lowered;
	[smem:$0x3FD2] =	sst s25  }
0xa6: {  	s5 =	sshll.u32 s26, $0x1;
	_ =	strace $0x80000046;
	[dreg:$0x1] =	wrdreg $0xFFFFFFFF  }
0xa7: {  	s28 =	simm.s32 $_size_execute0_lowered;
	s3 =	sadd.s32 s3, s5;
	[dreg:$0x0] =	wrdreg $0x0  }
0xa8: {  	s5 =	sshll.u32 s28, $0x1;
	[dreg:$0x2] =	wrdreg s3  }
0xa9: {  	[dreg:$0x3] =	wrdreg s5  }
0xaa: {  	[dreg:$0x4] =	wrdreg $0xC0  }
0xab: {  	_ =	task [dreg:s7], $0x5FFFF  }
0xac: {  	[dreg:$0x1] =	wrdreg $0xFFFFFFFF  }
0xad: {  	[dreg:$0x0] =	wrdreg $0x60  }
0xae: {  	[dreg:$0x2] =	wrdreg s24  }
0xaf: {  	[dreg:$0x3] =	wrdreg s2  }
0xb0: {  	[dreg:$0x4] =	wrdreg $0x9  }
0xb1: {  	_ =	task.clear_ibuf [dreg:s7], $0x5FFFF;
	_ =	strace $0x90000046  }
0xb2: {  	s29 =	simm.s32 $0x9;
	_ =	strace $0x80000048  }
0xb3: {  	_ =	swait.ge [sflag:s29], $0x1  }
0xb4: {  	[sflag:s29] =	ssyncadd.s32 $0xFFFFFFFF  }
0xb5: {  	_ =	strace $0x90000048  }
0xb6: {  	_ =	sfence  }
0xb7: {  	s30 =	sld [smem:$0x0];
	_ =	sdelay $0x2  }
0xb8: {  	s31 =	sshll.u32 s1, $0xD;
	s1 =	sshrl.u32 s1, $0x2  }
0xb9: {  	s3 =	sand.u32 $0x4000, s31;
	s1 =	sadd.s32 s1, s30  }
0xba: {  	s0 =	sor.u32 s3, s0;
	s1 =	sshll.u32 s1, $0x11  }
0xbb: {  	s0 =	sor.u32 s1, s0  }
0xbc: {  	s0 =	sadd.s32 $0x8F2B, s0  }
0xbd: {  	[sflag:s0] =	ssyncadd.remote.s32 $0x1  }
0xbe: {  	_ =	sfence.sel $0xFFFF  }
0xbf: {  	[dreg:$0x0] =	wrdreg $0xFFFFFFFF;
	(pc) =	sbr.abs _section_cstart, $3  }
0xc0: {  	[dreg:$0x1] =	wrdreg $0xFFFFFFFF  }
0xc1: {  	_ =	task.clear_ibuf [dreg:s7], $0x2FFFF;
	_ =	strace $0x9FFFFFFF  }
0xc2: {  	(tm) =	ssettm $0x7FFFFFFF  }
0xc3: {  	_ =	shalt  }
tec
execute0_lowered:
.L_overlay_start_1:
0x0: {  	(tag) =	ssettag $0x1  }
0x1: {  	s0 =	srdreg.scid;
	s14 =	stileid.u32  }
0x2: {  	s1 =	sand.u32 $0x1, s0;
	s24 =	sshll.u32 s14, $0x1  }
0x3: {  	s0 =	sor.u32 s1, s24  }
0x4: {  	s5 =	smul.u32 $0xC80, s0  }
0x5: {  	s3 =	rddreg [dreg:$0x0];
	s2 =	simm.s32 $0x0;
	s6 =	smul.u32 $0x19000, s0  }
0x6: {  	[smem:$0x7FF] =	sst s2;
	s0 =	smul.u32 $0xC8000, s0  }
0x7: {  	s4 =	rddreg [dreg:$0x1];
	_ =	strace $0x80000047;
	s5 =	sadd.s32 s5, s3  }
0x8: {  	s31 =	sadd.s32 s4, s6;
	s0 =	sshrl.u32 s0, $0x3;
	s5 =	sadd.s32 $0xA00, s5  }
0x9: {  	s25 =	sadd.s32 $0xC80, s31;
	s0 =	sadd.s32 s4, s0;
	[dreg:$0x3] =	wrdreg s5  }
0xa: {  	[dreg:$0x4] =	wrdreg s25;
	s4 =	sadd.s32 $0x1900, s0  }
0xb: {  	s26 =	sadd.s32 $0x2580, s0;
	[dreg:$0x5] =	wrdreg s4  }
0xc: {  	s5 =	sadd.s32 $0x3200, s0;
	[dreg:$0x6] =	wrdreg s26  }
0xd: {  	s6 =	sadd.s32 $0x3E80, s0;
	[dreg:$0x7] =	wrdreg s5  }
0xe: {  	s7 =	sadd.s32 $0x4B00, s0;
	[dreg:$0x8] =	wrdreg s6  }
0xf: {  	s8 =	sadd.s32 $0x5780, s0;
	[dreg:$0x9] =	wrdreg s7  }
0x10: {  	s9 =	sadd.s32 $0x6400, s0;
	[dreg:$0xa] =	wrdreg s8  }
0x11: {  	s10 =	sadd.s32 $0x7080, s0;
	[dreg:$0xb] =	wrdreg s9  }
0x12: {  	s11 =	sadd.s32 $0x7D00, s0;
	[dreg:$0xc] =	wrdreg s10  }
0x13: {  	s12 =	sadd.s32 $0x8980, s0;
	[dreg:$0xd] =	wrdreg s11  }
0x14: {  	s13 =	sadd.s32 $0x9600, s0;
	[dreg:$0xe] =	wrdreg s12  }
0x15: {  	s15 =	sadd.s32 $0xA280, s0;
	[dreg:$0xf] =	wrdreg s13  }
0x16: {  	s16 =	sadd.s32 $0xAF00, s0;
	[dreg:$0x10] =	wrdreg s15  }
0x17: {  	s17 =	sadd.s32 $0xBB80, s0;
	[dreg:$0x11] =	wrdreg s16  }
0x18: {  	s18 =	sadd.s32 $0xC800, s0;
	[dreg:$0x12] =	wrdreg s17  }
0x19: {  	s19 =	sadd.s32 $0xD480, s0;
	[dreg:$0x13] =	wrdreg s18  }
0x1a: {  	s20 =	sadd.s32 $0xE100, s0;
	[dreg:$0x14] =	wrdreg s19  }
0x1b: {  	s21 =	sadd.s32 $0xED80, s0;
	[dreg:$0x15] =	wrdreg s20  }
0x1c: {  	s22 =	sadd.s32 $0xFA00, s0;
	[dreg:$0x16] =	wrdreg s21  }
0x1d: {  	s23 =	sadd.s32 $0x10680, s0;
	[dreg:$0x17] =	wrdreg s22  }
0x1e: {  	s24 =	sadd.s32 $0x11300, s0;
	[dreg:$0x18] =	wrdreg s23  }
0x1f: {  	s25 =	sadd.s32 $0x11F80, s0;
	[dreg:$0x19] =	wrdreg s24  }
0x20: {  	[dreg:$0x1a] =	wrdreg s25;
	s26 =	sadd.s32 $0x12C00, s0  }
0x21: {  	s5 =	sadd.s32 $0x13880, s0;
	[dreg:$0x1b] =	wrdreg s26  }
0x22: {  	s6 =	sadd.s32 $0x14500, s0;
	[dreg:$0x1c] =	wrdreg s5  }
0x23: {  	s7 =	sadd.s32 $0x15180, s0;
	[dreg:$0x1d] =	wrdreg s6  }
0x24: {  	s30 =	simm.s32 $0x3520;
	s8 =	sadd.s32 $0x15E00, s0;
	[dreg:$0x1e] =	wrdreg s7  }
0x25: {  	s29 =	simm.s32 $0x3840;
	s9 =	sadd.s32 $0x16A80, s0;
	[dreg:$0x1f] =	wrdreg s8  }
0x26: {  	s28 =	simm.s32 $0x3B60;
	s10 =	sadd.s32 $0x17700, s0;
	[smem:$0x7ED] =	sst s9  }
0x27: {  	p0 =	por $0x0, $0x0;
	s0 =	sadd.s32 $0x18380, s0;
	[smem:$0x7EE] =	sst s10  }
0x28: {  	s1 =	ssub.s32 $0x2, s1;
	s11 =	simm.s32 $0x640;
	[smem:$0x7EF] =	sst s0  }
0x29: {  	s4 =	sadd.s32 $0xF42E00, s3;
	s13 =	simm.s32 $0x960;
	[smem:$0x7F0] =	sst s11  }
0x2a: {  	s12 =	sshrl.u32 s1, $0x1;
	s15 =	simm.s32 $0xC80;
	[smem:$0x7F1] =	sst s13  }
0x2b: {  	s16 =	simm.s32 $0xFA0;
	s3 =	simm.s32 $0x5;
	[smem:$0x7F2] =	sst s15  }
0x2c: {  	s17 =	simm.s32 $0x12C0;
	s18 =	simm.s32 $0x15E0;
	[smem:$0x7F3] =	sst s16  }
0x2d: {  	s19 =	simm.s32 $0x1900;
	s20 =	simm.s32 $0x1C20;
	[smem:$0x7F4] =	sst s17  }
0x2e: {  	s21 =	simm.s32 $0x1F40;
	s22 =	simm.s32 $0x2260;
	[smem:$0x7F5] =	sst s18  }
0x2f: {  	s23 =	simm.s32 $0x2580;
	s24 =	simm.s32 $0x28A0;
	[smem:$0x7F6] =	sst s19  }
0x30: {  	s25 =	simm.s32 $0x2BC0;
	s1 =	ssub.s32 s1, s12;
	[smem:$0x7F7] =	sst s20  }
0x31: {  	s10 =	simm.s32 $0x320;
	s9 =	simm.s32 $0x6400;
	[smem:$0x7F8] =	sst s21  }
0x32: {  	s7 =	simm.s32 $0xC800;
	s6 =	simm.s32 $0x12C00;
	[smem:$0x7F9] =	sst s22  }
0x33: {  	s5 =	simm.s32 $0x19000;
	s13 =	simm.s32 $0x1;
	[smem:$0x7FA] =	sst s23  }
0x34: {  	s12 =	simm.s32 $0x2;
	s11 =	simm.s32 $0x3;
	[smem:$0x7FB] =	sst s24  }
0x35: {  	s8 =	simm.s32 $0x4;
	[smem:$0x7FC] =	sst s25;
	s1 =	smax.u32 s1, $0x1  }
0x36: {  	s26 =	simm.s32 $0x2EE0;
	s25 =	simm.s32 $0x41A0;
	p1 =	sne.s32 s1, $0x1  }
.Ltmp0:
0x37: {  	s24 =	simm.s32 $0x44C0;
	s23 =	simm.s32 $0x47E0;
	(pc) =	sbr.rel @!p1 .LBB2_1-.Ltmp0, $4  }
0x38: {  	s22 =	simm.s32 $0x4B00;
	s21 =	simm.s32 $0x4E20;
	s20 =	simm.s32 $0x5140  }
0x39: {  	s19 =	simm.s32 $0x5460;
	s18 =	simm.s32 $0x5780;
	s17 =	simm.s32 $0x5AA0  }
0x3a: {  	s16 =	simm.s32 $0x5DC0;
	s15 =	simm.s32 $0x60E0;
	s0 =	rddreg [dreg:$0x3]  }
0x3b: {  	[smem:$0x7FD] =	sst s26;
	s26 =	simm.s32 $0x3E80;
	s1 =	sadd.s32 $0xFFFFFFFF, s1  }
0x3c: {  	[tilespmem:s2], [sflag:$0x5] =	stream.linear.gather [hbm4b:s0+s2], $0x6400, $0x38;
	[tilespmem:$0x1F400] =	vst v63  }
0x3d: {  	_ =	swait.ge [sflag:s3], $0x6400  }
0x3e: {  	[sflag:s3] =	ssyncset.done $0x0  }
0x3f: {  	[sflag:s3] =	ssyncadd.s32 $0xFFFF9C00  }
0x40: {  	[tilespmem:s9], [sflag:$0x1] =	stream.indirect.gather [hbm4b:s4+s10], $0x20, s2, s10, $0xb8;
	[tilespmem:$0x1F400] =	vst v63  }
0x41: {  	s0 =	sld [smem:$0x7F0]  }
0x42: {  	[tilespmem:s7], [sflag:$0x2] =	stream.indirect.gather [hbm4b:s4+s10], $0x20, s10, s10, $0xb8;
	[tilespmem:$0x1F400] =	vst v63  }
0x43: {  	s14 =	smov.u32 s1;
	s1 =	sld [smem:$0x7F1]  }
0x44: {  	[tilespmem:s6], [sflag:$0x3] =	stream.indirect.gather [hbm4b:s4+s10], $0x20, s0, s10, $0xb8;
	[tilespmem:$0x1F400] =	vst v63  }
0x45: {  	_ = 	snop  }
0x46: {  	[tilespmem:s5], [sflag:$0x4] =	stream.indirect.gather [hbm4b:s4+s10], $0x20, s1, s10, $0xb8;
	[tilespmem:$0x1F400] =	vst v63  }
0x47: {  	_ =	swait.ge [sflag:s13], $0x6400  }
0x48: {  	[sflag:s13] =	ssyncset.done $0x0  }
0x49: {  	[sflag:s13] =	ssyncadd.s32 $0xFFFF9C00  }
0x4a: {  	[hbm4b:s31+s2] =	stream.linear.scatter [tilespmem:s9], [sflag:$0x5], $0x6400, $0x38;
	[tilespmem:$0x1F400] =	vst v63  }
0x4b: {  	_ =	swait.ge [sflag:s3], $0x6400  }
0x4c: {  	s1 =	sld [smem:$0x7F2]  }
0x4d: {  	[sflag:s3] =	ssyncset.done $0x0  }
0x4e: {  	[sflag:s3] =	ssyncadd.s32 $0xFFFF9C00  }
0x4f: {  	[tilespmem:s9], [sflag:$0x1] =	stream.indirect.gather [hbm4b:s4+s10], $0x20, s1, s10, $0xb8;
	[tilespmem:$0x1F400] =	vst v63  }
0x50: {  	_ =	swait.ge [sflag:s12], $0x6400  }
0x51: {  	[sflag:s12] =	ssyncset.done $0x0  }
0x52: {  	s1 =	rddreg [dreg:$0x4];
	[sflag:s12] =	ssyncadd.s32 $0xFFFF9C00  }
0x53: {  	[hbm4b:s1+s2] =	stream.linear.scatter [tilespmem:s7], [sflag:$0x5], $0x6400, $0x38;
	[tilespmem:$0x1F400] =	vst v63  }
0x54: {  	_ =	swait.ge [sflag:s3], $0x6400  }
0x55: {  	s1 =	sld [smem:$0x7F3]  }
0x56: {  	[sflag:s3] =	ssyncset.done $0x0  }
0x57: {  	[sflag:s3] =	ssyncadd.s32 $0xFFFF9C00  }
0x58: {  	[tilespmem:s7], [sflag:$0x2] =	stream.indirect.gather [hbm4b:s4+s10], $0x20, s1, s10, $0xb8;
	[tilespmem:$0x1F400] =	vst v63  }
0x59: {  	_ =	swait.ge [sflag:s11], $0x6400  }
0x5a: {  	[sflag:s11] =	ssyncset.done $0x0  }
0x5b: {  	s1 =	rddreg [dreg:$0x5];
	[sflag:s11] =	ssyncadd.s32 $0xFFFF9C00  }
0x5c: {  	[hbm4b:s1+s2] =	stream.linear.scatter [tilespmem:s6], [sflag:$0x5], $0x6400, $0x38;
	[tilespmem:$0x1F400] =	vst v63  }
0x5d: {  	_ =	swait.ge [sflag:s3], $0x6400  }
0x5e: {  	s1 =	sld [smem:$0x7F4]  }
0x5f: {  	[sflag:s3] =	ssyncset.done $0x0  }
0x60: {  	[sflag:s3] =	ssyncadd.s32 $0xFFFF9C00  }
0x61: {  	[tilespmem:s6], [sflag:$0x3] =	stream.indirect.gather [hbm4b:s4+s10], $0x20, s1, s10, $0xb8;
	[tilespmem:$0x1F400] =	vst v63  }
0x62: {  	_ =	swait.ge [sflag:s8], $0x6400  }
0x63: {  	[sflag:s8] =	ssyncset.done $0x0  }
0x64: {  	s1 =	rddreg [dreg:$0x6];
	[sflag:s8] =	ssyncadd.s32 $0xFFFF9C00  }
0x65: {  	[hbm4b:s1+s2] =	stream.linear.scatter [tilespmem:s5], [sflag:$0x5], $0x6400, $0x38;
	[tilespmem:$0x1F400] =	vst v63  }
0x66: {  	_ =	swait.ge [sflag:s3], $0x6400  }
0x67: {  	s1 =	sld [smem:$0x7F5]  }
0x68: {  	[sflag:s3] =	ssyncset.done $0x0  }
0x69: {  	[sflag:s3] =	ssyncadd.s32 $0xFFFF9C00  }
0x6a: {  	[tilespmem:s5], [sflag:$0x4] =	stream.indirect.gather [hbm4b:s4+s10], $0x20, s1, s10, $0xb8;
	[tilespmem:$0x1F400] =	vst v63  }
0x6b: {  	_ =	swait.ge [sflag:s13], $0x6400  }
0x6c: {  	[sflag:s13] =	ssyncset.done $0x0  }
0x6d: {  	s1 =	rddreg [dreg:$0x7];
	[sflag:s13] =	ssyncadd.s32 $0xFFFF9C00  }
0x6e: {  	[hbm4b:s1+s2] =	stream.linear.scatter [tilespmem:s9], [sflag:$0x5], $0x6400, $0x38;
	[tilespmem:$0x1F400] =	vst v63  }
0x6f: {  	_ =	swait.ge [sflag:s3], $0x6400  }
0x70: {  	s1 =	sld [smem:$0x7F6]  }
0x71: {  	[sflag:s3] =	ssyncset.done $0x0  }
0x72: {  	[sflag:s3] =	ssyncadd.s32 $0xFFFF9C00  }
0x73: {  	[tilespmem:s9], [sflag:$0x1] =	stream.indirect.gather [hbm4b:s4+s10], $0x20, s1, s10, $0xb8;
	[tilespmem:$0x1F400] =	vst v63  }
0x74: {  	_ =	swait.ge [sflag:s12], $0x6400  }
0x75: {  	[sflag:s12] =	ssyncset.done $0x0  }
0x76: {  	s1 =	rddreg [dreg:$0x8];
	[sflag:s12] =	ssyncadd.s32 $0xFFFF9C00  }
0x77: {  	[hbm4b:s1+s2] =	stream.linear.scatter [tilespmem:s7], [sflag:$0x5], $0x6400, $0x38;
	[tilespmem:$0x1F400] =	vst v63  }
0x78: {  	_ =	swait.ge [sflag:s3], $0x6400  }
0x79: {  	s1 =	sld [smem:$0x7F7]  }
0x7a: {  	[sflag:s3] =	ssyncset.done $0x0  }
0x7b: {  	[sflag:s3] =	ssyncadd.s32 $0xFFFF9C00  }
0x7c: {  	[tilespmem:s7], [sflag:$0x2] =	stream.indirect.gather [hbm4b:s4+s10], $0x20, s1, s10, $0xb8;
	[tilespmem:$0x1F400] =	vst v63  }
0x7d: {  	_ =	swait.ge [sflag:s11], $0x6400  }
0x7e: {  	[sflag:s11] =	ssyncset.done $0x0  }
0x7f: {  	s1 =	rddreg [dreg:$0x9];
	[sflag:s11] =	ssyncadd.s32 $0xFFFF9C00  }
0x80: {  	[hbm4b:s1+s2] =	stream.linear.scatter [tilespmem:s6], [sflag:$0x5], $0x6400, $0x38;
	[tilespmem:$0x1F400] =	vst v63  }
0x81: {  	_ =	swait.ge [sflag:s3], $0x6400  }
0x82: {  	s1 =	sld [smem:$0x7F8]  }
0x83: {  	[sflag:s3] =	ssyncset.done $0x0  }
0x84: {  	[sflag:s3] =	ssyncadd.s32 $0xFFFF9C00  }
0x85: {  	[tilespmem:s6], [sflag:$0x3] =	stream.indirect.gather [hbm4b:s4+s10], $0x20, s1, s10, $0xb8;
	[tilespmem:$0x1F400] =	vst v63  }
0x86: {  	_ =	swait.ge [sflag:s8], $0x6400  }
0x87: {  	[sflag:s8] =	ssyncset.done $0x0  }
0x88: {  	s1 =	rddreg [dreg:$0xa];
	[sflag:s8] =	ssyncadd.s32 $0xFFFF9C00  }
0x89: {  	[hbm4b:s1+s2] =	stream.linear.scatter [tilespmem:s5], [sflag:$0x5], $0x6400, $0x38;
	[tilespmem:$0x1F400] =	vst v63  }
0x8a: {  	_ =	swait.ge [sflag:s3], $0x6400  }
0x8b: {  	s1 =	sld [smem:$0x7F9]  }
0x8c: {  	[sflag:s3] =	ssyncset.done $0x0  }
0x8d: {  	[sflag:s3] =	ssyncadd.s32 $0xFFFF9C00  }
0x8e: {  	[tilespmem:s5], [sflag:$0x4] =	stream.indirect.gather [hbm4b:s4+s10], $0x20, s1, s10, $0xb8;
	[tilespmem:$0x1F400] =	vst v63  }
0x8f: {  	_ =	swait.ge [sflag:s13], $0x6400  }
0x90: {  	[sflag:s13] =	ssyncset.done $0x0  }
0x91: {  	s1 =	rddreg [dreg:$0xb];
	[sflag:s13] =	ssyncadd.s32 $0xFFFF9C00  }
0x92: {  	[hbm4b:s1+s2] =	stream.linear.scatter [tilespmem:s9], [sflag:$0x5], $0x6400, $0x38;
	[tilespmem:$0x1F400] =	vst v63  }
0x93: {  	_ =	swait.ge [sflag:s3], $0x6400  }
0x94: {  	s1 =	sld [smem:$0x7FA]  }
0x95: {  	[sflag:s3] =	ssyncset.done $0x0  }
0x96: {  	[sflag:s3] =	ssyncadd.s32 $0xFFFF9C00  }
0x97: {  	[tilespmem:s9], [sflag:$0x1] =	stream.indirect.gather [hbm4b:s4+s10], $0x20, s1, s10, $0xb8;
	[tilespmem:$0x1F400] =	vst v63  }
0x98: {  	_ =	swait.ge [sflag:s12], $0x6400  }
0x99: {  	[sflag:s12] =	ssyncset.done $0x0  }
0x9a: {  	s1 =	rddreg [dreg:$0xc];
	[sflag:s12] =	ssyncadd.s32 $0xFFFF9C00  }
0x9b: {  	[hbm4b:s1+s2] =	stream.linear.scatter [tilespmem:s7], [sflag:$0x5], $0x6400, $0x38;
	[tilespmem:$0x1F400] =	vst v63  }
0x9c: {  	_ =	swait.ge [sflag:s3], $0x6400  }
0x9d: {  	s1 =	sld [smem:$0x7FB]  }
0x9e: {  	[sflag:s3] =	ssyncset.done $0x0  }
0x9f: {  	[sflag:s3] =	ssyncadd.s32 $0xFFFF9C00  }
0xa0: {  	[tilespmem:s7], [sflag:$0x2] =	stream.indirect.gather [hbm4b:s4+s10], $0x20, s1, s10, $0xb8;
	[tilespmem:$0x1F400] =	vst v63  }
0xa1: {  	_ =	swait.ge [sflag:s11], $0x6400  }
0xa2: {  	[sflag:s11] =	ssyncset.done $0x0  }
0xa3: {  	s1 =	rddreg [dreg:$0xd];
	[sflag:s11] =	ssyncadd.s32 $0xFFFF9C00  }
0xa4: {  	[hbm4b:s1+s2] =	stream.linear.scatter [tilespmem:s6], [sflag:$0x5], $0x6400, $0x38;
	[tilespmem:$0x1F400] =	vst v63  }
0xa5: {  	_ =	swait.ge [sflag:s3], $0x6400  }
0xa6: {  	s1 =	sld [smem:$0x7FC]  }
0xa7: {  	[sflag:s3] =	ssyncset.done $0x0  }
0xa8: {  	[sflag:s3] =	ssyncadd.s32 $0xFFFF9C00  }
0xa9: {  	[tilespmem:s6], [sflag:$0x3] =	stream.indirect.gather [hbm4b:s4+s10], $0x20, s1, s10, $0xb8;
	[tilespmem:$0x1F400] =	vst v63  }
0xaa: {  	_ =	swait.ge [sflag:s8], $0x6400  }
0xab: {  	[sflag:s8] =	ssyncset.done $0x0  }
0xac: {  	s1 =	rddreg [dreg:$0xe];
	[sflag:s8] =	ssyncadd.s32 $0xFFFF9C00  }
0xad: {  	[hbm4b:s1+s2] =	stream.linear.scatter [tilespmem:s5], [sflag:$0x5], $0x6400, $0x38;
	[tilespmem:$0x1F400] =	vst v63  }
0xae: {  	_ =	swait.ge [sflag:s3], $0x6400  }
0xaf: {  	s1 =	sld [smem:$0x7FD]  }
0xb0: {  	[sflag:s3] =	ssyncset.done $0x0  }
0xb1: {  	[sflag:s3] =	ssyncadd.s32 $0xFFFF9C00  }
0xb2: {  	[tilespmem:s5], [sflag:$0x4] =	stream.indirect.gather [hbm4b:s4+s10], $0x20, s1, s10, $0xb8;
	[tilespmem:$0x1F400] =	vst v63  }
0xb3: {  	_ =	swait.ge [sflag:s13], $0x6400  }
0xb4: {  	[sflag:s13] =	ssyncset.done $0x0  }
0xb5: {  	s1 =	rddreg [dreg:$0xf];
	[sflag:s13] =	ssyncadd.s32 $0xFFFF9C00  }
0xb6: {  	[hbm4b:s1+s2] =	stream.linear.scatter [tilespmem:s9], [sflag:$0x5], $0x6400, $0x38;
	[tilespmem:$0x1F400] =	vst v63  }
0xb7: {  	_ =	swait.ge [sflag:s3], $0x6400  }
0xb8: {  	[sflag:s3] =	ssyncset.done $0x0  }
0xb9: {  	s1 =	simm.s32 $0x3200;
	[sflag:s3] =	ssyncadd.s32 $0xFFFF9C00  }
0xba: {  	[tilespmem:s9], [sflag:$0x1] =	stream.indirect.gather [hbm4b:s4+s10], $0x20, s1, s10, $0xb8;
	[tilespmem:$0x1F400] =	vst v63  }
0xbb: {  	_ =	swait.ge [sflag:s12], $0x6400  }
0xbc: {  	[sflag:s12] =	ssyncset.done $0x0  }
0xbd: {  	s1 =	rddreg [dreg:$0x10];
	[sflag:s12] =	ssyncadd.s32 $0xFFFF9C00  }
0xbe: {  	[hbm4b:s1+s2] =	stream.linear.scatter [tilespmem:s7], [sflag:$0x5], $0x6400, $0x38;
	[tilespmem:$0x1F400] =	vst v63  }
0xbf: {  	_ =	swait.ge [sflag:s3], $0x6400  }
0xc0: {  	[sflag:s3] =	ssyncset.done $0x0  }
0xc1: {  	[sflag:s3] =	ssyncadd.s32 $0xFFFF9C00  }
0xc2: {  	[tilespmem:s7], [sflag:$0x2] =	stream.indirect.gather [hbm4b:s4+s10], $0x20, s30, s10, $0xb8;
	[tilespmem:$0x1F400] =	vst v63  }
0xc3: {  	_ =	swait.ge [sflag:s11], $0x6400  }
0xc4: {  	[sflag:s11] =	ssyncset.done $0x0  }
0xc5: {  	s1 =	rddreg [dreg:$0x11];
	[sflag:s11] =	ssyncadd.s32 $0xFFFF9C00  }
0xc6: {  	[hbm4b:s1+s2] =	stream.linear.scatter [tilespmem:s6], [sflag:$0x5], $0x6400, $0x38;
	[tilespmem:$0x1F400] =	vst v63  }
0xc7: {  	_ =	swait.ge [sflag:s3], $0x6400  }
0xc8: {  	[sflag:s3] =	ssyncset.done $0x0  }
0xc9: {  	[sflag:s3] =	ssyncadd.s32 $0xFFFF9C00  }
0xca: {  	[tilespmem:s6], [sflag:$0x3] =	stream.indirect.gather [hbm4b:s4+s10], $0x20, s29, s10, $0xb8;
	[tilespmem:$0x1F400] =	vst v63  }
0xcb: {  	_ =	swait.ge [sflag:s8], $0x6400  }
0xcc: {  	[sflag:s8] =	ssyncset.done $0x0  }
0xcd: {  	s1 =	rddreg [dreg:$0x12];
	[sflag:s8] =	ssyncadd.s32 $0xFFFF9C00  }
0xce: {  	[hbm4b:s1+s2] =	stream.linear.scatter [tilespmem:s5], [sflag:$0x5], $0x6400, $0x38;
	[tilespmem:$0x1F400] =	vst v63  }
0xcf: {  	_ =	swait.ge [sflag:s3], $0x6400  }
0xd0: {  	[sflag:s3] =	ssyncset.done $0x0  }
0xd1: {  	[sflag:s3] =	ssyncadd.s32 $0xFFFF9C00  }
0xd2: {  	[tilespmem:s5], [sflag:$0x4] =	stream.indirect.gather [hbm4b:s4+s10], $0x20, s28, s10, $0xb8;
	[tilespmem:$0x1F400] =	vst v63  }
0xd3: {  	_ =	swait.ge [sflag:s13], $0x6400  }
0xd4: {  	[sflag:s13] =	ssyncset.done $0x0  }
0xd5: {  	s1 =	rddreg [dreg:$0x13];
	[sflag:s13] =	ssyncadd.s32 $0xFFFF9C00  }
0xd6: {  	[hbm4b:s1+s2] =	stream.linear.scatter [tilespmem:s9], [sflag:$0x5], $0x6400, $0x38;
	[tilespmem:$0x1F400] =	vst v63  }
0xd7: {  	_ =	swait.ge [sflag:s3], $0x6400  }
0xd8: {  	[sflag:s3] =	ssyncset.done $0x0  }
0xd9: {  	[sflag:s3] =	ssyncadd.s32 $0xFFFF9C00  }
0xda: {  	[tilespmem:s9], [sflag:$0x1] =	stream.indirect.gather [hbm4b:s4+s10], $0x20, s26, s10, $0xb8;
	[tilespmem:$0x1F400] =	vst v63  }
0xdb: {  	_ =	swait.ge [sflag:s12], $0x6400  }
0xdc: {  	[sflag:s12] =	ssyncset.done $0x0  }
0xdd: {  	s1 =	rddreg [dreg:$0x14];
	[sflag:s12] =	ssyncadd.s32 $0xFFFF9C00  }
0xde: {  	[hbm4b:s1+s2] =	stream.linear.scatter [tilespmem:s7], [sflag:$0x5], $0x6400, $0x38;
	[tilespmem:$0x1F400] =	vst v63  }
0xdf: {  	_ =	swait.ge [sflag:s3], $0x6400  }
0xe0: {  	[sflag:s3] =	ssyncset.done $0x0  }
0xe1: {  	[sflag:s3] =	ssyncadd.s32 $0xFFFF9C00  }
0xe2: {  	[tilespmem:s7], [sflag:$0x2] =	stream.indirect.gather [hbm4b:s4+s10], $0x20, s25, s10, $0xb8;
	[tilespmem:$0x1F400] =	vst v63  }
0xe3: {  	_ =	swait.ge [sflag:s11], $0x6400  }
0xe4: {  	[sflag:s11] =	ssyncset.done $0x0  }
0xe5: {  	s1 =	rddreg [dreg:$0x15];
	[sflag:s11] =	ssyncadd.s32 $0xFFFF9C00  }
0xe6: {  	[hbm4b:s1+s2] =	stream.linear.scatter [tilespmem:s6], [sflag:$0x5], $0x6400, $0x38;
	[tilespmem:$0x1F400] =	vst v63  }
0xe7: {  	_ =	swait.ge [sflag:s3], $0x6400  }
0xe8: {  	[sflag:s3] =	ssyncset.done $0x0  }
0xe9: {  	[sflag:s3] =	ssyncadd.s32 $0xFFFF9C00  }
0xea: {  	[tilespmem:s6], [sflag:$0x3] =	stream.indirect.gather [hbm4b:s4+s10], $0x20, s24, s10, $0xb8;
	[tilespmem:$0x1F400] =	vst v63  }
0xeb: {  	_ =	swait.ge [sflag:s8], $0x6400  }
0xec: {  	[sflag:s8] =	ssyncset.done $0x0  }
0xed: {  	s1 =	rddreg [dreg:$0x16];
	[sflag:s8] =	ssyncadd.s32 $0xFFFF9C00  }
0xee: {  	[hbm4b:s1+s2] =	stream.linear.scatter [tilespmem:s5], [sflag:$0x5], $0x6400, $0x38;
	[tilespmem:$0x1F400] =	vst v63  }
0xef: {  	_ =	swait.ge [sflag:s3], $0x6400  }
0xf0: {  	[sflag:s3] =	ssyncset.done $0x0  }
0xf1: {  	[sflag:s3] =	ssyncadd.s32 $0xFFFF9C00  }
0xf2: {  	[tilespmem:s5], [sflag:$0x4] =	stream.indirect.gather [hbm4b:s4+s10], $0x20, s23, s10, $0xb8;
	[tilespmem:$0x1F400] =	vst v63  }
0xf3: {  	_ =	swait.ge [sflag:s13], $0x6400  }
0xf4: {  	[sflag:s13] =	ssyncset.done $0x0  }
0xf5: {  	s1 =	rddreg [dreg:$0x17];
	[sflag:s13] =	ssyncadd.s32 $0xFFFF9C00  }
0xf6: {  	[hbm4b:s1+s2] =	stream.linear.scatter [tilespmem:s9], [sflag:$0x5], $0x6400, $0x38;
	[tilespmem:$0x1F400] =	vst v63  }
0xf7: {  	_ =	swait.ge [sflag:s3], $0x6400  }
0xf8: {  	[sflag:s3] =	ssyncset.done $0x0  }
0xf9: {  	[sflag:s3] =	ssyncadd.s32 $0xFFFF9C00  }
0xfa: {  	[tilespmem:s9], [sflag:$0x1] =	stream.indirect.gather [hbm4b:s4+s10], $0x20, s22, s10, $0xb8;
	[tilespmem:$0x1F400] =	vst v63  }
0xfb: {  	_ =	swait.ge [sflag:s12], $0x6400  }
0xfc: {  	[sflag:s12] =	ssyncset.done $0x0  }
0xfd: {  	s1 =	rddreg [dreg:$0x18];
	[sflag:s12] =	ssyncadd.s32 $0xFFFF9C00  }
0xfe: {  	[hbm4b:s1+s2] =	stream.linear.scatter [tilespmem:s7], [sflag:$0x5], $0x6400, $0x38;
	[tilespmem:$0x1F400] =	vst v63  }
0xff: {  	_ =	swait.ge [sflag:s3], $0x6400  }
0x100: {  	[sflag:s3] =	ssyncset.done $0x0  }
0x101: {  	[sflag:s3] =	ssyncadd.s32 $0xFFFF9C00  }
0x102: {  	[tilespmem:s7], [sflag:$0x2] =	stream.indirect.gather [hbm4b:s4+s10], $0x20, s21, s10, $0xb8;
	[tilespmem:$0x1F400] =	vst v63  }
0x103: {  	_ =	swait.ge [sflag:s11], $0x6400  }
0x104: {  	[sflag:s11] =	ssyncset.done $0x0  }
0x105: {  	s1 =	rddreg [dreg:$0x19];
	[sflag:s11] =	ssyncadd.s32 $0xFFFF9C00  }
0x106: {  	[hbm4b:s1+s2] =	stream.linear.scatter [tilespmem:s6], [sflag:$0x5], $0x6400, $0x38;
	[tilespmem:$0x1F400] =	vst v63  }
0x107: {  	_ =	swait.ge [sflag:s3], $0x6400  }
0x108: {  	[sflag:s3] =	ssyncset.done $0x0  }
0x109: {  	[sflag:s3] =	ssyncadd.s32 $0xFFFF9C00  }
0x10a: {  	[tilespmem:s6], [sflag:$0x3] =	stream.indirect.gather [hbm4b:s4+s10], $0x20, s20, s10, $0xb8;
	[tilespmem:$0x1F400] =	vst v63  }
0x10b: {  	_ =	swait.ge [sflag:s8], $0x6400  }
0x10c: {  	[sflag:s8] =	ssyncset.done $0x0  }
0x10d: {  	s1 =	rddreg [dreg:$0x1a];
	[sflag:s8] =	ssyncadd.s32 $0xFFFF9C00  }
0x10e: {  	[hbm4b:s1+s2] =	stream.linear.scatter [tilespmem:s5], [sflag:$0x5], $0x6400, $0x38;
	[tilespmem:$0x1F400] =	vst v63  }
0x10f: {  	_ =	swait.ge [sflag:s3], $0x6400  }
0x110: {  	[sflag:s3] =	ssyncset.done $0x0  }
0x111: {  	[sflag:s3] =	ssyncadd.s32 $0xFFFF9C00  }
0x112: {  	[tilespmem:s5], [sflag:$0x4] =	stream.indirect.gather [hbm4b:s4+s10], $0x20, s19, s10, $0xb8;
	[tilespmem:$0x1F400] =	vst v63  }
0x113: {  	_ =	swait.ge [sflag:s13], $0x6400  }
0x114: {  	[sflag:s13] =	ssyncset.done $0x0  }
0x115: {  	s1 =	rddreg [dreg:$0x1b];
	[sflag:s13] =	ssyncadd.s32 $0xFFFF9C00  }
0x116: {  	[hbm4b:s1+s2] =	stream.linear.scatter [tilespmem:s9], [sflag:$0x5], $0x6400, $0x38;
	[tilespmem:$0x1F400] =	vst v63  }
0x117: {  	_ =	swait.ge [sflag:s3], $0x6400  }
0x118: {  	[sflag:s3] =	ssyncset.done $0x0  }
0x119: {  	[sflag:s3] =	ssyncadd.s32 $0xFFFF9C00  }
0x11a: {  	[tilespmem:s9], [sflag:$0x1] =	stream.indirect.gather [hbm4b:s4+s10], $0x20, s18, s10, $0xb8;
	[tilespmem:$0x1F400] =	vst v63  }
0x11b: {  	_ =	swait.ge [sflag:s12], $0x6400  }
0x11c: {  	[sflag:s12] =	ssyncset.done $0x0  }
0x11d: {  	s1 =	rddreg [dreg:$0x1c];
	[sflag:s12] =	ssyncadd.s32 $0xFFFF9C00  }
0x11e: {  	[hbm4b:s1+s2] =	stream.linear.scatter [tilespmem:s7], [sflag:$0x5], $0x6400, $0x38;
	[tilespmem:$0x1F400] =	vst v63  }
0x11f: {  	_ =	swait.ge [sflag:s3], $0x6400  }
0x120: {  	[sflag:s3] =	ssyncset.done $0x0  }
0x121: {  	[sflag:s3] =	ssyncadd.s32 $0xFFFF9C00  }
0x122: {  	[tilespmem:s7], [sflag:$0x2] =	stream.indirect.gather [hbm4b:s4+s10], $0x20, s17, s10, $0xb8;
	[tilespmem:$0x1F400] =	vst v63  }
0x123: {  	_ =	swait.ge [sflag:s11], $0x6400  }
0x124: {  	[sflag:s11] =	ssyncset.done $0x0  }
0x125: {  	s1 =	rddreg [dreg:$0x1d];
	[sflag:s11] =	ssyncadd.s32 $0xFFFF9C00  }
0x126: {  	[hbm4b:s1+s2] =	stream.linear.scatter [tilespmem:s6], [sflag:$0x5], $0x6400, $0x38;
	[tilespmem:$0x1F400] =	vst v63  }
0x127: {  	_ =	swait.ge [sflag:s3], $0x6400  }
0x128: {  	[sflag:s3] =	ssyncset.done $0x0  }
0x129: {  	[sflag:s3] =	ssyncadd.s32 $0xFFFF9C00  }
0x12a: {  	[tilespmem:s6], [sflag:$0x3] =	stream.indirect.gather [hbm4b:s4+s10], $0x20, s16, s10, $0xb8;
	[tilespmem:$0x1F400] =	vst v63  }
0x12b: {  	_ =	swait.ge [sflag:s8], $0x6400  }
0x12c: {  	[sflag:s8] =	ssyncset.done $0x0  }
0x12d: {  	s1 =	rddreg [dreg:$0x1e];
	[sflag:s8] =	ssyncadd.s32 $0xFFFF9C00  }
0x12e: {  	[hbm4b:s1+s2] =	stream.linear.scatter [tilespmem:s5], [sflag:$0x5], $0x6400, $0x38;
	[tilespmem:$0x1F400] =	vst v63  }
0x12f: {  	_ =	swait.ge [sflag:s3], $0x6400  }
0x130: {  	[sflag:s3] =	ssyncset.done $0x0  }
0x131: {  	[sflag:s3] =	ssyncadd.s32 $0xFFFF9C00  }
0x132: {  	[tilespmem:s5], [sflag:$0x4] =	stream.indirect.gather [hbm4b:s4+s10], $0x20, s15, s10, $0xb8;
	[tilespmem:$0x1F400] =	vst v63  }
0x133: {  	_ =	swait.ge [sflag:s13], $0x6400  }
0x134: {  	[sflag:s13] =	ssyncset.done $0x0  }
0x135: {  	s1 =	rddreg [dreg:$0x1f];
	[sflag:s13] =	ssyncadd.s32 $0xFFFF9C00  }
0x136: {  	[hbm4b:s1+s2] =	stream.linear.scatter [tilespmem:s9], [sflag:$0x5], $0x6400, $0x38;
	[tilespmem:$0x1F400] =	vst v63  }
0x137: {  	_ =	swait.ge [sflag:s3], $0x6400  }
0x138: {  	[sflag:s3] =	ssyncset.done $0x0  }
0x139: {  	[sflag:s3] =	ssyncadd.s32 $0xFFFF9C00  }
0x13a: {  	_ =	swait.ge [sflag:s12], $0x6400  }
0x13b: {  	s1 =	sld [smem:$0x7ED]  }
0x13c: {  	[sflag:s12] =	ssyncset.done $0x0  }
0x13d: {  	[sflag:s12] =	ssyncadd.s32 $0xFFFF9C00  }
0x13e: {  	[hbm4b:s1+s2] =	stream.linear.scatter [tilespmem:s7], [sflag:$0x5], $0x6400, $0x38;
	[tilespmem:$0x1F400] =	vst v63  }
0x13f: {  	_ =	swait.ge [sflag:s3], $0x6400  }
0x140: {  	[sflag:s3] =	ssyncset.done $0x0  }
0x141: {  	[sflag:s3] =	ssyncadd.s32 $0xFFFF9C00  }
0x142: {  	_ =	swait.ge [sflag:s11], $0x6400  }
0x143: {  	s1 =	sld [smem:$0x7EE]  }
0x144: {  	[sflag:s11] =	ssyncset.done $0x0  }
0x145: {  	[sflag:s11] =	ssyncadd.s32 $0xFFFF9C00  }
0x146: {  	[hbm4b:s1+s2] =	stream.linear.scatter [tilespmem:s6], [sflag:$0x5], $0x6400, $0x38;
	[tilespmem:$0x1F400] =	vst v63  }
0x147: {  	_ =	swait.ge [sflag:s3], $0x6400  }
0x148: {  	[sflag:s3] =	ssyncset.done $0x0  }
0x149: {  	[sflag:s3] =	ssyncadd.s32 $0xFFFF9C00  }
0x14a: {  	_ =	swait.ge [sflag:s8], $0x6400  }
0x14b: {  	p1 =	sne.s32 s14, $0x1;
	s1 =	sld [smem:$0x7EF]  }
.Ltmp1:
0x14c: {  	[sflag:s8] =	ssyncset.done $0x0;
	(pc) =	sbr.rel @!p1 .LBB2_3-.Ltmp1, $4  }
0x14d: {  	[sflag:s8] =	ssyncadd.s32 $0xFFFF9C00  }
0x14e: {  	[hbm4b:s1+s2] =	stream.linear.scatter [tilespmem:s5], [sflag:$0x5], $0x6400, $0x38;
	[tilespmem:$0x1F400] =	vst v63  }
0x14f: {  	p0 =	por $0x1, $0x1;
	_ =	swait.ge [sflag:s3], $0x6400  }
0x150: {  	s1 =	sadd.s32 $0xFFFFFFFF, s14;
	s0 =	rddreg [dreg:$0x3];
	[sflag:s3] =	ssyncset.done $0x0  }
.LBB2_4:
0x151: {  	[sflag:s3] =	ssyncadd.s32 $0xFFFF9C00  }
0x152: {  	[tilespmem:s2], [sflag:$0x5] =	stream.linear.gather [hbm4b:s0+s2], $0x6400, $0x38;
	[tilespmem:$0x1F400] =	vst v63  }
0x153: {  	_ =	swait.ge [sflag:s3], $0x6400  }
0x154: {  	[sflag:s3] =	ssyncset.done $0x0  }
0x155: {  	[sflag:s3] =	ssyncadd.s32 $0xFFFF9C00  }
0x156: {  	[tilespmem:s9], [sflag:$0x1] =	stream.indirect.gather [hbm4b:s4+s10], $0x20, s2, s10, $0xb8;
	[tilespmem:$0x1F400] =	vst v63  }
0x157: {  	s0 =	sld [smem:$0x7F0]  }
0x158: {  	[tilespmem:s7], [sflag:$0x2] =	stream.indirect.gather [hbm4b:s4+s10], $0x20, s10, s10, $0xb8;
	[tilespmem:$0x1F400] =	vst v63  }
0x159: {  	s14 =	sld [smem:$0x7F1]  }
0x15a: {  	[tilespmem:s6], [sflag:$0x3] =	stream.indirect.gather [hbm4b:s4+s10], $0x20, s0, s10, $0xb8;
	[tilespmem:$0x1F400] =	vst v63  }
0x15b: {  	_ = 	snop  }
0x15c: {  	[tilespmem:s5], [sflag:$0x4] =	stream.indirect.gather [hbm4b:s4+s10], $0x20, s14, s10, $0xb8;
	[tilespmem:$0x1F400] =	vst v63  }
0x15d: {  	_ =	swait.ge [sflag:s13], $0x6400  }
0x15e: {  	[sflag:s13] =	ssyncset.done $0x0  }
0x15f: {  	[sflag:s13] =	ssyncadd.s32 $0xFFFF9C00  }
0x160: {  	[hbm4b:s31+s2] =	stream.linear.scatter [tilespmem:s9], [sflag:$0x5], $0x6400, $0x38;
	[tilespmem:$0x1F400] =	vst v63  }
0x161: {  	_ =	swait.ge [sflag:s3], $0x6400  }
0x162: {  	s14 =	sld [smem:$0x7F2]  }
0x163: {  	[sflag:s3] =	ssyncset.done $0x0  }
0x164: {  	[sflag:s3] =	ssyncadd.s32 $0xFFFF9C00  }
0x165: {  	[tilespmem:s9], [sflag:$0x1] =	stream.indirect.gather [hbm4b:s4+s10], $0x20, s14, s10, $0xb8;
	[tilespmem:$0x1F400] =	vst v63  }
0x166: {  	_ =	swait.ge [sflag:s12], $0x6400  }
0x167: {  	[sflag:s12] =	ssyncset.done $0x0  }
0x168: {  	s14 =	rddreg [dreg:$0x4];
	[sflag:s12] =	ssyncadd.s32 $0xFFFF9C00  }
0x169: {  	[hbm4b:s14+s2] =	stream.linear.scatter [tilespmem:s7], [sflag:$0x5], $0x6400, $0x38;
	[tilespmem:$0x1F400] =	vst v63  }
0x16a: {  	_ =	swait.ge [sflag:s3], $0x6400  }
0x16b: {  	s14 =	sld [smem:$0x7F3]  }
0x16c: {  	[sflag:s3] =	ssyncset.done $0x0  }
0x16d: {  	[sflag:s3] =	ssyncadd.s32 $0xFFFF9C00  }
0x16e: {  	[tilespmem:s7], [sflag:$0x2] =	stream.indirect.gather [hbm4b:s4+s10], $0x20, s14, s10, $0xb8;
	[tilespmem:$0x1F400] =	vst v63  }
0x16f: {  	_ =	swait.ge [sflag:s11], $0x6400  }
0x170: {  	[sflag:s11] =	ssyncset.done $0x0  }
0x171: {  	s14 =	rddreg [dreg:$0x5];
	[sflag:s11] =	ssyncadd.s32 $0xFFFF9C00  }
0x172: {  	[hbm4b:s14+s2] =	stream.linear.scatter [tilespmem:s6], [sflag:$0x5], $0x6400, $0x38;
	[tilespmem:$0x1F400] =	vst v63  }
0x173: {  	_ =	swait.ge [sflag:s3], $0x6400  }
0x174: {  	s14 =	sld [smem:$0x7F4]  }
0x175: {  	[sflag:s3] =	ssyncset.done $0x0  }
0x176: {  	[sflag:s3] =	ssyncadd.s32 $0xFFFF9C00  }
0x177: {  	[tilespmem:s6], [sflag:$0x3] =	stream.indirect.gather [hbm4b:s4+s10], $0x20, s14, s10, $0xb8;
	[tilespmem:$0x1F400] =	vst v63  }
0x178: {  	_ =	swait.ge [sflag:s8], $0x6400  }
0x179: {  	[sflag:s8] =	ssyncset.done $0x0  }
0x17a: {  	s14 =	rddreg [dreg:$0x6];
	[sflag:s8] =	ssyncadd.s32 $0xFFFF9C00  }
0x17b: {  	[hbm4b:s14+s2] =	stream.linear.scatter [tilespmem:s5], [sflag:$0x5], $0x6400, $0x38;
	[tilespmem:$0x1F400] =	vst v63  }
0x17c: {  	_ =	swait.ge [sflag:s3], $0x6400  }
0x17d: {  	s14 =	sld [smem:$0x7F5]  }
0x17e: {  	[sflag:s3] =	ssyncset.done $0x0  }
0x17f: {  	[sflag:s3] =	ssyncadd.s32 $0xFFFF9C00  }
0x180: {  	[tilespmem:s5], [sflag:$0x4] =	stream.indirect.gather [hbm4b:s4+s10], $0x20, s14, s10, $0xb8;
	[tilespmem:$0x1F400] =	vst v63  }
0x181: {  	_ =	swait.ge [sflag:s13], $0x6400  }
0x182: {  	[sflag:s13] =	ssyncset.done $0x0  }
0x183: {  	s14 =	rddreg [dreg:$0x7];
	[sflag:s13] =	ssyncadd.s32 $0xFFFF9C00  }
0x184: {  	[hbm4b:s14+s2] =	stream.linear.scatter [tilespmem:s9], [sflag:$0x5], $0x6400, $0x38;
	[tilespmem:$0x1F400] =	vst v63  }
0x185: {  	_ =	swait.ge [sflag:s3], $0x6400  }
0x186: {  	s14 =	sld [smem:$0x7F6]  }
0x187: {  	[sflag:s3] =	ssyncset.done $0x0  }
0x188: {  	[sflag:s3] =	ssyncadd.s32 $0xFFFF9C00  }
0x189: {  	[tilespmem:s9], [sflag:$0x1] =	stream.indirect.gather [hbm4b:s4+s10], $0x20, s14, s10, $0xb8;
	[tilespmem:$0x1F400] =	vst v63  }
0x18a: {  	_ =	swait.ge [sflag:s12], $0x6400  }
0x18b: {  	[sflag:s12] =	ssyncset.done $0x0  }
0x18c: {  	s14 =	rddreg [dreg:$0x8];
	[sflag:s12] =	ssyncadd.s32 $0xFFFF9C00  }
0x18d: {  	[hbm4b:s14+s2] =	stream.linear.scatter [tilespmem:s7], [sflag:$0x5], $0x6400, $0x38;
	[tilespmem:$0x1F400] =	vst v63  }
0x18e: {  	_ =	swait.ge [sflag:s3], $0x6400  }
0x18f: {  	s14 =	sld [smem:$0x7F7]  }
0x190: {  	[sflag:s3] =	ssyncset.done $0x0  }
0x191: {  	[sflag:s3] =	ssyncadd.s32 $0xFFFF9C00  }
0x192: {  	[tilespmem:s7], [sflag:$0x2] =	stream.indirect.gather [hbm4b:s4+s10], $0x20, s14, s10, $0xb8;
	[tilespmem:$0x1F400] =	vst v63  }
0x193: {  	_ =	swait.ge [sflag:s11], $0x6400  }
0x194: {  	[sflag:s11] =	ssyncset.done $0x0  }
0x195: {  	s14 =	rddreg [dreg:$0x9];
	[sflag:s11] =	ssyncadd.s32 $0xFFFF9C00  }
0x196: {  	[hbm4b:s14+s2] =	stream.linear.scatter [tilespmem:s6], [sflag:$0x5], $0x6400, $0x38;
	[tilespmem:$0x1F400] =	vst v63  }
0x197: {  	_ =	swait.ge [sflag:s3], $0x6400  }
0x198: {  	s14 =	sld [smem:$0x7F8]  }
0x199: {  	[sflag:s3] =	ssyncset.done $0x0  }
0x19a: {  	[sflag:s3] =	ssyncadd.s32 $0xFFFF9C00  }
0x19b: {  	[tilespmem:s6], [sflag:$0x3] =	stream.indirect.gather [hbm4b:s4+s10], $0x20, s14, s10, $0xb8;
	[tilespmem:$0x1F400] =	vst v63  }
0x19c: {  	_ =	swait.ge [sflag:s8], $0x6400  }
0x19d: {  	[sflag:s8] =	ssyncset.done $0x0  }
0x19e: {  	s14 =	rddreg [dreg:$0xa];
	[sflag:s8] =	ssyncadd.s32 $0xFFFF9C00  }
0x19f: {  	[hbm4b:s14+s2] =	stream.linear.scatter [tilespmem:s5], [sflag:$0x5], $0x6400, $0x38;
	[tilespmem:$0x1F400] =	vst v63  }
0x1a0: {  	_ =	swait.ge [sflag:s3], $0x6400  }
0x1a1: {  	s14 =	sld [smem:$0x7F9]  }
0x1a2: {  	[sflag:s3] =	ssyncset.done $0x0  }
0x1a3: {  	[sflag:s3] =	ssyncadd.s32 $0xFFFF9C00  }
0x1a4: {  	[tilespmem:s5], [sflag:$0x4] =	stream.indirect.gather [hbm4b:s4+s10], $0x20, s14, s10, $0xb8;
	[tilespmem:$0x1F400] =	vst v63  }
0x1a5: {  	_ =	swait.ge [sflag:s13], $0x6400  }
0x1a6: {  	[sflag:s13] =	ssyncset.done $0x0  }
0x1a7: {  	s14 =	rddreg [dreg:$0xb];
	[sflag:s13] =	ssyncadd.s32 $0xFFFF9C00  }
0x1a8: {  	[hbm4b:s14+s2] =	stream.linear.scatter [tilespmem:s9], [sflag:$0x5], $0x6400, $0x38;
	[tilespmem:$0x1F400] =	vst v63  }
0x1a9: {  	_ =	swait.ge [sflag:s3], $0x6400  }
0x1aa: {  	s14 =	sld [smem:$0x7FA]  }
0x1ab: {  	[sflag:s3] =	ssyncset.done $0x0  }
0x1ac: {  	[sflag:s3] =	ssyncadd.s32 $0xFFFF9C00  }
0x1ad: {  	[tilespmem:s9], [sflag:$0x1] =	stream.indirect.gather [hbm4b:s4+s10], $0x20, s14, s10, $0xb8;
	[tilespmem:$0x1F400] =	vst v63  }
0x1ae: {  	_ =	swait.ge [sflag:s12], $0x6400  }
0x1af: {  	[sflag:s12] =	ssyncset.done $0x0  }
0x1b0: {  	s14 =	rddreg [dreg:$0xc];
	[sflag:s12] =	ssyncadd.s32 $0xFFFF9C00  }
0x1b1: {  	[hbm4b:s14+s2] =	stream.linear.scatter [tilespmem:s7], [sflag:$0x5], $0x6400, $0x38;
	[tilespmem:$0x1F400] =	vst v63  }
0x1b2: {  	_ =	swait.ge [sflag:s3], $0x6400  }
0x1b3: {  	s14 =	sld [smem:$0x7FB]  }
0x1b4: {  	[sflag:s3] =	ssyncset.done $0x0  }
0x1b5: {  	[sflag:s3] =	ssyncadd.s32 $0xFFFF9C00  }
0x1b6: {  	[tilespmem:s7], [sflag:$0x2] =	stream.indirect.gather [hbm4b:s4+s10], $0x20, s14, s10, $0xb8;
	[tilespmem:$0x1F400] =	vst v63  }
0x1b7: {  	_ =	swait.ge [sflag:s11], $0x6400  }
0x1b8: {  	[sflag:s11] =	ssyncset.done $0x0  }
0x1b9: {  	s14 =	rddreg [dreg:$0xd];
	[sflag:s11] =	ssyncadd.s32 $0xFFFF9C00  }
0x1ba: {  	[hbm4b:s14+s2] =	stream.linear.scatter [tilespmem:s6], [sflag:$0x5], $0x6400, $0x38;
	[tilespmem:$0x1F400] =	vst v63  }
0x1bb: {  	_ =	swait.ge [sflag:s3], $0x6400  }
0x1bc: {  	s14 =	sld [smem:$0x7FC]  }
0x1bd: {  	[sflag:s3] =	ssyncset.done $0x0  }
0x1be: {  	[sflag:s3] =	ssyncadd.s32 $0xFFFF9C00  }
0x1bf: {  	[tilespmem:s6], [sflag:$0x3] =	stream.indirect.gather [hbm4b:s4+s10], $0x20, s14, s10, $0xb8;
	[tilespmem:$0x1F400] =	vst v63  }
0x1c0: {  	_ =	swait.ge [sflag:s8], $0x6400  }
0x1c1: {  	[sflag:s8] =	ssyncset.done $0x0  }
0x1c2: {  	s14 =	rddreg [dreg:$0xe];
	[sflag:s8] =	ssyncadd.s32 $0xFFFF9C00  }
0x1c3: {  	[hbm4b:s14+s2] =	stream.linear.scatter [tilespmem:s5], [sflag:$0x5], $0x6400, $0x38;
	[tilespmem:$0x1F400] =	vst v63  }
0x1c4: {  	_ =	swait.ge [sflag:s3], $0x6400  }
0x1c5: {  	s14 =	sld [smem:$0x7FD]  }
0x1c6: {  	[sflag:s3] =	ssyncset.done $0x0  }
0x1c7: {  	[sflag:s3] =	ssyncadd.s32 $0xFFFF9C00  }
0x1c8: {  	[tilespmem:s5], [sflag:$0x4] =	stream.indirect.gather [hbm4b:s4+s10], $0x20, s14, s10, $0xb8;
	[tilespmem:$0x1F400] =	vst v63  }
0x1c9: {  	_ =	swait.ge [sflag:s13], $0x6400  }
0x1ca: {  	[sflag:s13] =	ssyncset.done $0x0  }
0x1cb: {  	s14 =	rddreg [dreg:$0xf];
	[sflag:s13] =	ssyncadd.s32 $0xFFFF9C00  }
0x1cc: {  	[hbm4b:s14+s2] =	stream.linear.scatter [tilespmem:s9], [sflag:$0x5], $0x6400, $0x38;
	[tilespmem:$0x1F400] =	vst v63  }
0x1cd: {  	_ =	swait.ge [sflag:s3], $0x6400  }
0x1ce: {  	[sflag:s3] =	ssyncset.done $0x0  }
0x1cf: {  	s14 =	simm.s32 $0x3200;
	[sflag:s3] =	ssyncadd.s32 $0xFFFF9C00  }
0x1d0: {  	[tilespmem:s9], [sflag:$0x1] =	stream.indirect.gather [hbm4b:s4+s10], $0x20, s14, s10, $0xb8;
	[tilespmem:$0x1F400] =	vst v63  }
0x1d1: {  	_ =	swait.ge [sflag:s12], $0x6400  }
0x1d2: {  	[sflag:s12] =	ssyncset.done $0x0  }
0x1d3: {  	s14 =	rddreg [dreg:$0x10];
	[sflag:s12] =	ssyncadd.s32 $0xFFFF9C00  }
0x1d4: {  	[hbm4b:s14+s2] =	stream.linear.scatter [tilespmem:s7], [sflag:$0x5], $0x6400, $0x38;
	[tilespmem:$0x1F400] =	vst v63  }
0x1d5: {  	_ =	swait.ge [sflag:s3], $0x6400  }
0x1d6: {  	[sflag:s3] =	ssyncset.done $0x0  }
0x1d7: {  	[sflag:s3] =	ssyncadd.s32 $0xFFFF9C00  }
0x1d8: {  	[tilespmem:s7], [sflag:$0x2] =	stream.indirect.gather [hbm4b:s4+s10], $0x20, s30, s10, $0xb8;
	[tilespmem:$0x1F400] =	vst v63  }
0x1d9: {  	_ =	swait.ge [sflag:s11], $0x6400  }
0x1da: {  	[sflag:s11] =	ssyncset.done $0x0  }
0x1db: {  	s14 =	rddreg [dreg:$0x11];
	[sflag:s11] =	ssyncadd.s32 $0xFFFF9C00  }
0x1dc: {  	[hbm4b:s14+s2] =	stream.linear.scatter [tilespmem:s6], [sflag:$0x5], $0x6400, $0x38;
	[tilespmem:$0x1F400] =	vst v63  }
0x1dd: {  	_ =	swait.ge [sflag:s3], $0x6400  }
0x1de: {  	[sflag:s3] =	ssyncset.done $0x0  }
0x1df: {  	[sflag:s3] =	ssyncadd.s32 $0xFFFF9C00  }
0x1e0: {  	[tilespmem:s6], [sflag:$0x3] =	stream.indirect.gather [hbm4b:s4+s10], $0x20, s29, s10, $0xb8;
	[tilespmem:$0x1F400] =	vst v63  }
0x1e1: {  	_ =	swait.ge [sflag:s8], $0x6400  }
0x1e2: {  	[sflag:s8] =	ssyncset.done $0x0  }
0x1e3: {  	s14 =	rddreg [dreg:$0x12];
	[sflag:s8] =	ssyncadd.s32 $0xFFFF9C00  }
0x1e4: {  	[hbm4b:s14+s2] =	stream.linear.scatter [tilespmem:s5], [sflag:$0x5], $0x6400, $0x38;
	[tilespmem:$0x1F400] =	vst v63  }
0x1e5: {  	_ =	swait.ge [sflag:s3], $0x6400  }
0x1e6: {  	[sflag:s3] =	ssyncset.done $0x0  }
0x1e7: {  	[sflag:s3] =	ssyncadd.s32 $0xFFFF9C00  }
0x1e8: {  	[tilespmem:s5], [sflag:$0x4] =	stream.indirect.gather [hbm4b:s4+s10], $0x20, s28, s10, $0xb8;
	[tilespmem:$0x1F400] =	vst v63  }
0x1e9: {  	_ =	swait.ge [sflag:s13], $0x6400  }
0x1ea: {  	[sflag:s13] =	ssyncset.done $0x0  }
0x1eb: {  	s14 =	rddreg [dreg:$0x13];
	[sflag:s13] =	ssyncadd.s32 $0xFFFF9C00  }
0x1ec: {  	[hbm4b:s14+s2] =	stream.linear.scatter [tilespmem:s9], [sflag:$0x5], $0x6400, $0x38;
	[tilespmem:$0x1F400] =	vst v63  }
0x1ed: {  	_ =	swait.ge [sflag:s3], $0x6400  }
0x1ee: {  	[sflag:s3] =	ssyncset.done $0x0  }
0x1ef: {  	[sflag:s3] =	ssyncadd.s32 $0xFFFF9C00  }
0x1f0: {  	[tilespmem:s9], [sflag:$0x1] =	stream.indirect.gather [hbm4b:s4+s10], $0x20, s26, s10, $0xb8;
	[tilespmem:$0x1F400] =	vst v63  }
0x1f1: {  	_ =	swait.ge [sflag:s12], $0x6400  }
0x1f2: {  	[sflag:s12] =	ssyncset.done $0x0  }
0x1f3: {  	s14 =	rddreg [dreg:$0x14];
	[sflag:s12] =	ssyncadd.s32 $0xFFFF9C00  }
0x1f4: {  	[hbm4b:s14+s2] =	stream.linear.scatter [tilespmem:s7], [sflag:$0x5], $0x6400, $0x38;
	[tilespmem:$0x1F400] =	vst v63  }
0x1f5: {  	_ =	swait.ge [sflag:s3], $0x6400  }
0x1f6: {  	[sflag:s3] =	ssyncset.done $0x0  }
0x1f7: {  	[sflag:s3] =	ssyncadd.s32 $0xFFFF9C00  }
0x1f8: {  	[tilespmem:s7], [sflag:$0x2] =	stream.indirect.gather [hbm4b:s4+s10], $0x20, s25, s10, $0xb8;
	[tilespmem:$0x1F400] =	vst v63  }
0x1f9: {  	_ =	swait.ge [sflag:s11], $0x6400  }
0x1fa: {  	[sflag:s11] =	ssyncset.done $0x0  }
0x1fb: {  	s14 =	rddreg [dreg:$0x15];
	[sflag:s11] =	ssyncadd.s32 $0xFFFF9C00  }
0x1fc: {  	[hbm4b:s14+s2] =	stream.linear.scatter [tilespmem:s6], [sflag:$0x5], $0x6400, $0x38;
	[tilespmem:$0x1F400] =	vst v63  }
0x1fd: {  	_ =	swait.ge [sflag:s3], $0x6400  }
0x1fe: {  	[sflag:s3] =	ssyncset.done $0x0  }
0x1ff: {  	[sflag:s3] =	ssyncadd.s32 $0xFFFF9C00  }
0x200: {  	[tilespmem:s6], [sflag:$0x3] =	stream.indirect.gather [hbm4b:s4+s10], $0x20, s24, s10, $0xb8;
	[tilespmem:$0x1F400] =	vst v63  }
0x201: {  	_ =	swait.ge [sflag:s8], $0x6400  }
0x202: {  	[sflag:s8] =	ssyncset.done $0x0  }
0x203: {  	s14 =	rddreg [dreg:$0x16];
	[sflag:s8] =	ssyncadd.s32 $0xFFFF9C00  }
0x204: {  	[hbm4b:s14+s2] =	stream.linear.scatter [tilespmem:s5], [sflag:$0x5], $0x6400, $0x38;
	[tilespmem:$0x1F400] =	vst v63  }
0x205: {  	_ =	swait.ge [sflag:s3], $0x6400  }
0x206: {  	[sflag:s3] =	ssyncset.done $0x0  }
0x207: {  	[sflag:s3] =	ssyncadd.s32 $0xFFFF9C00  }
0x208: {  	[tilespmem:s5], [sflag:$0x4] =	stream.indirect.gather [hbm4b:s4+s10], $0x20, s23, s10, $0xb8;
	[tilespmem:$0x1F400] =	vst v63  }
0x209: {  	_ =	swait.ge [sflag:s13], $0x6400  }
0x20a: {  	[sflag:s13] =	ssyncset.done $0x0  }
0x20b: {  	s14 =	rddreg [dreg:$0x17];
	[sflag:s13] =	ssyncadd.s32 $0xFFFF9C00  }
0x20c: {  	[hbm4b:s14+s2] =	stream.linear.scatter [tilespmem:s9], [sflag:$0x5], $0x6400, $0x38;
	[tilespmem:$0x1F400] =	vst v63  }
0x20d: {  	_ =	swait.ge [sflag:s3], $0x6400  }
0x20e: {  	[sflag:s3] =	ssyncset.done $0x0  }
0x20f: {  	[sflag:s3] =	ssyncadd.s32 $0xFFFF9C00  }
0x210: {  	[tilespmem:s9], [sflag:$0x1] =	stream.indirect.gather [hbm4b:s4+s10], $0x20, s22, s10, $0xb8;
	[tilespmem:$0x1F400] =	vst v63  }
0x211: {  	_ =	swait.ge [sflag:s12], $0x6400  }
0x212: {  	[sflag:s12] =	ssyncset.done $0x0  }
0x213: {  	s14 =	rddreg [dreg:$0x18];
	[sflag:s12] =	ssyncadd.s32 $0xFFFF9C00  }
0x214: {  	[hbm4b:s14+s2] =	stream.linear.scatter [tilespmem:s7], [sflag:$0x5], $0x6400, $0x38;
	[tilespmem:$0x1F400] =	vst v63  }
0x215: {  	_ =	swait.ge [sflag:s3], $0x6400  }
0x216: {  	[sflag:s3] =	ssyncset.done $0x0  }
0x217: {  	[sflag:s3] =	ssyncadd.s32 $0xFFFF9C00  }
0x218: {  	[tilespmem:s7], [sflag:$0x2] =	stream.indirect.gather [hbm4b:s4+s10], $0x20, s21, s10, $0xb8;
	[tilespmem:$0x1F400] =	vst v63  }
0x219: {  	_ =	swait.ge [sflag:s11], $0x6400  }
0x21a: {  	[sflag:s11] =	ssyncset.done $0x0  }
0x21b: {  	s14 =	rddreg [dreg:$0x19];
	[sflag:s11] =	ssyncadd.s32 $0xFFFF9C00  }
0x21c: {  	[hbm4b:s14+s2] =	stream.linear.scatter [tilespmem:s6], [sflag:$0x5], $0x6400, $0x38;
	[tilespmem:$0x1F400] =	vst v63  }
0x21d: {  	_ =	swait.ge [sflag:s3], $0x6400  }
0x21e: {  	[sflag:s3] =	ssyncset.done $0x0  }
0x21f: {  	[sflag:s3] =	ssyncadd.s32 $0xFFFF9C00  }
0x220: {  	[tilespmem:s6], [sflag:$0x3] =	stream.indirect.gather [hbm4b:s4+s10], $0x20, s20, s10, $0xb8;
	[tilespmem:$0x1F400] =	vst v63  }
0x221: {  	_ =	swait.ge [sflag:s8], $0x6400  }
0x222: {  	[sflag:s8] =	ssyncset.done $0x0  }
0x223: {  	s14 =	rddreg [dreg:$0x1a];
	[sflag:s8] =	ssyncadd.s32 $0xFFFF9C00  }
0x224: {  	[hbm4b:s14+s2] =	stream.linear.scatter [tilespmem:s5], [sflag:$0x5], $0x6400, $0x38;
	[tilespmem:$0x1F400] =	vst v63  }
0x225: {  	_ =	swait.ge [sflag:s3], $0x6400  }
0x226: {  	[sflag:s3] =	ssyncset.done $0x0  }
0x227: {  	[sflag:s3] =	ssyncadd.s32 $0xFFFF9C00  }
0x228: {  	[tilespmem:s5], [sflag:$0x4] =	stream.indirect.gather [hbm4b:s4+s10], $0x20, s19, s10, $0xb8;
	[tilespmem:$0x1F400] =	vst v63  }
0x229: {  	_ =	swait.ge [sflag:s13], $0x6400  }
0x22a: {  	[sflag:s13] =	ssyncset.done $0x0  }
0x22b: {  	s14 =	rddreg [dreg:$0x1b];
	[sflag:s13] =	ssyncadd.s32 $0xFFFF9C00  }
0x22c: {  	[hbm4b:s14+s2] =	stream.linear.scatter [tilespmem:s9], [sflag:$0x5], $0x6400, $0x38;
	[tilespmem:$0x1F400] =	vst v63  }
0x22d: {  	_ =	swait.ge [sflag:s3], $0x6400  }
0x22e: {  	[sflag:s3] =	ssyncset.done $0x0  }
0x22f: {  	[sflag:s3] =	ssyncadd.s32 $0xFFFF9C00  }
0x230: {  	[tilespmem:s9], [sflag:$0x1] =	stream.indirect.gather [hbm4b:s4+s10], $0x20, s18, s10, $0xb8;
	[tilespmem:$0x1F400] =	vst v63  }
0x231: {  	_ =	swait.ge [sflag:s12], $0x6400  }
0x232: {  	[sflag:s12] =	ssyncset.done $0x0  }
0x233: {  	s14 =	rddreg [dreg:$0x1c];
	[sflag:s12] =	ssyncadd.s32 $0xFFFF9C00  }
0x234: {  	[hbm4b:s14+s2] =	stream.linear.scatter [tilespmem:s7], [sflag:$0x5], $0x6400, $0x38;
	[tilespmem:$0x1F400] =	vst v63  }
0x235: {  	_ =	swait.ge [sflag:s3], $0x6400  }
0x236: {  	[sflag:s3] =	ssyncset.done $0x0  }
0x237: {  	[sflag:s3] =	ssyncadd.s32 $0xFFFF9C00  }
0x238: {  	[tilespmem:s7], [sflag:$0x2] =	stream.indirect.gather [hbm4b:s4+s10], $0x20, s17, s10, $0xb8;
	[tilespmem:$0x1F400] =	vst v63  }
0x239: {  	_ =	swait.ge [sflag:s11], $0x6400  }
0x23a: {  	[sflag:s11] =	ssyncset.done $0x0  }
0x23b: {  	s14 =	rddreg [dreg:$0x1d];
	[sflag:s11] =	ssyncadd.s32 $0xFFFF9C00  }
0x23c: {  	[hbm4b:s14+s2] =	stream.linear.scatter [tilespmem:s6], [sflag:$0x5], $0x6400, $0x38;
	[tilespmem:$0x1F400] =	vst v63  }
0x23d: {  	_ =	swait.ge [sflag:s3], $0x6400  }
0x23e: {  	[sflag:s3] =	ssyncset.done $0x0  }
0x23f: {  	[sflag:s3] =	ssyncadd.s32 $0xFFFF9C00  }
0x240: {  	[tilespmem:s6], [sflag:$0x3] =	stream.indirect.gather [hbm4b:s4+s10], $0x20, s16, s10, $0xb8;
	[tilespmem:$0x1F400] =	vst v63  }
0x241: {  	_ =	swait.ge [sflag:s8], $0x6400  }
0x242: {  	[sflag:s8] =	ssyncset.done $0x0  }
0x243: {  	s14 =	rddreg [dreg:$0x1e];
	[sflag:s8] =	ssyncadd.s32 $0xFFFF9C00  }
0x244: {  	[hbm4b:s14+s2] =	stream.linear.scatter [tilespmem:s5], [sflag:$0x5], $0x6400, $0x38;
	[tilespmem:$0x1F400] =	vst v63  }
0x245: {  	_ =	swait.ge [sflag:s3], $0x6400  }
0x246: {  	[sflag:s3] =	ssyncset.done $0x0  }
0x247: {  	[sflag:s3] =	ssyncadd.s32 $0xFFFF9C00  }
0x248: {  	[tilespmem:s5], [sflag:$0x4] =	stream.indirect.gather [hbm4b:s4+s10], $0x20, s15, s10, $0xb8;
	[tilespmem:$0x1F400] =	vst v63  }
0x249: {  	_ =	swait.ge [sflag:s13], $0x6400  }
0x24a: {  	[sflag:s13] =	ssyncset.done $0x0  }
0x24b: {  	s14 =	rddreg [dreg:$0x1f];
	[sflag:s13] =	ssyncadd.s32 $0xFFFF9C00  }
0x24c: {  	[hbm4b:s14+s2] =	stream.linear.scatter [tilespmem:s9], [sflag:$0x5], $0x6400, $0x38;
	[tilespmem:$0x1F400] =	vst v63  }
0x24d: {  	_ =	swait.ge [sflag:s3], $0x6400  }
0x24e: {  	[sflag:s3] =	ssyncset.done $0x0  }
0x24f: {  	[sflag:s3] =	ssyncadd.s32 $0xFFFF9C00  }
0x250: {  	_ =	swait.ge [sflag:s12], $0x6400  }
0x251: {  	s14 =	sld [smem:$0x7ED]  }
0x252: {  	[sflag:s12] =	ssyncset.done $0x0  }
0x253: {  	[sflag:s12] =	ssyncadd.s32 $0xFFFF9C00  }
0x254: {  	[hbm4b:s14+s2] =	stream.linear.scatter [tilespmem:s7], [sflag:$0x5], $0x6400, $0x38;
	[tilespmem:$0x1F400] =	vst v63  }
0x255: {  	_ =	swait.ge [sflag:s3], $0x6400  }
0x256: {  	[sflag:s3] =	ssyncset.done $0x0  }
0x257: {  	[sflag:s3] =	ssyncadd.s32 $0xFFFF9C00  }
0x258: {  	_ =	swait.ge [sflag:s11], $0x6400  }
0x259: {  	s14 =	sld [smem:$0x7EE]  }
0x25a: {  	[sflag:s11] =	ssyncset.done $0x0  }
0x25b: {  	[sflag:s11] =	ssyncadd.s32 $0xFFFF9C00  }
0x25c: {  	[hbm4b:s14+s2] =	stream.linear.scatter [tilespmem:s6], [sflag:$0x5], $0x6400, $0x38;
	[tilespmem:$0x1F400] =	vst v63  }
0x25d: {  	_ =	swait.ge [sflag:s3], $0x6400  }
0x25e: {  	[sflag:s3] =	ssyncset.done $0x0  }
0x25f: {  	[sflag:s3] =	ssyncadd.s32 $0xFFFF9C00  }
0x260: {  	_ =	swait.ge [sflag:s8], $0x6400  }
0x261: {  	p1 =	sne.s32 s1, $0x1;
	s14 =	sld [smem:$0x7EF]  }
.Ltmp2:
0x262: {  	[sflag:s8] =	ssyncset.done $0x0;
	(pc) =	sbr.rel @p1 .LBB2_4-.Ltmp2, $4  }
0x263: {  	[sflag:s8] =	ssyncadd.s32 $0xFFFF9C00  }
0x264: {  	[hbm4b:s14+s2] =	stream.linear.scatter [tilespmem:s5], [sflag:$0x5], $0x6400, $0x38;
	[tilespmem:$0x1F400] =	vst v63  }
0x265: {  	_ =	swait.ge [sflag:s3], $0x6400  }
0x266: {  	s1 =	sadd.s32 $0xFFFFFFFF, s1;
	s0 =	rddreg [dreg:$0x3];
	[sflag:s3] =	ssyncset.done $0x0  }
0x267: {  	s15 =	simm.s32 $0x3200  }
0x268: {  	s30 =	simm.s32 $0x3520;
	s29 =	simm.s32 $0x3840;
	s28 =	simm.s32 $0x3B60  }
0x269: {  	s26 =	simm.s32 $0x3E80;
	s25 =	simm.s32 $0x41A0;
	s24 =	simm.s32 $0x44C0  }
0x26a: {  	s23 =	simm.s32 $0x47E0;
	s22 =	simm.s32 $0x4B00;
	s21 =	simm.s32 $0x4E20  }
0x26b: {  	s20 =	simm.s32 $0x5140;
	s19 =	simm.s32 $0x5460;
	s18 =	simm.s32 $0x5780  }
0x26c: {  	s17 =	simm.s32 $0x5AA0;
	s16 =	simm.s32 $0x5DC0;
	s14 =	stileid.u32  }
.LBB2_6:
0x26d: {  	[sflag:s3] =	ssyncadd.s32 @p0 $0xFFFF9C00  }
0x26e: {  	[tilespmem:s2], [sflag:$0x5] =	stream.linear.gather [hbm4b:s0+s2], $0x6400, $0x38;
	[tilespmem:$0x1F400] =	vst v63  }
0x26f: {  	_ =	swait.ge [sflag:s3], $0x6400  }
0x270: {  	[sflag:s3] =	ssyncset.done $0x0  }
0x271: {  	[sflag:s3] =	ssyncadd.s32 $0xFFFF9C00  }
0x272: {  	[tilespmem:s9], [sflag:$0x1] =	stream.indirect.gather [hbm4b:s4+s10], $0x20, s2, s10, $0xb8;
	[tilespmem:$0x1F400] =	vst v63  }
0x273: {  	s0 =	sld [smem:$0x7F0]  }
0x274: {  	[tilespmem:s7], [sflag:$0x2] =	stream.indirect.gather [hbm4b:s4+s10], $0x20, s10, s10, $0xb8;
	[tilespmem:$0x1F400] =	vst v63  }
0x275: {  	s1 =	sld [smem:$0x7F1]  }
0x276: {  	[tilespmem:s6], [sflag:$0x3] =	stream.indirect.gather [hbm4b:s4+s10], $0x20, s0, s10, $0xb8;
	[tilespmem:$0x1F400] =	vst v63  }
0x277: {  	_ = 	snop  }
0x278: {  	[tilespmem:s5], [sflag:$0x4] =	stream.indirect.gather [hbm4b:s4+s10], $0x20, s1, s10, $0xb8;
	[tilespmem:$0x1F400] =	vst v63  }
0x279: {  	_ =	swait.ge [sflag:s13], $0x6400  }
0x27a: {  	[sflag:s13] =	ssyncset.done $0x0  }
0x27b: {  	[sflag:s13] =	ssyncadd.s32 $0xFFFF9C00  }
0x27c: {  	[hbm4b:s31+s2] =	stream.linear.scatter [tilespmem:s9], [sflag:$0x5], $0x6400, $0x38;
	[tilespmem:$0x1F400] =	vst v63  }
0x27d: {  	_ =	swait.ge [sflag:s3], $0x6400  }
0x27e: {  	s31 =	sld [smem:$0x7F2]  }
0x27f: {  	[sflag:s3] =	ssyncset.done $0x0  }
0x280: {  	[sflag:s3] =	ssyncadd.s32 $0xFFFF9C00  }
0x281: {  	[tilespmem:s9], [sflag:$0x1] =	stream.indirect.gather [hbm4b:s4+s10], $0x20, s31, s10, $0xb8;
	[tilespmem:$0x1F400] =	vst v63  }
0x282: {  	_ =	swait.ge [sflag:s12], $0x6400  }
0x283: {  	[sflag:s12] =	ssyncset.done $0x0  }
0x284: {  	s1 =	rddreg [dreg:$0x4];
	[sflag:s12] =	ssyncadd.s32 $0xFFFF9C00  }
0x285: {  	[hbm4b:s1+s2] =	stream.linear.scatter [tilespmem:s7], [sflag:$0x5], $0x6400, $0x38;
	[tilespmem:$0x1F400] =	vst v63  }
0x286: {  	_ =	swait.ge [sflag:s3], $0x6400  }
0x287: {  	s31 =	sld [smem:$0x7F3]  }
0x288: {  	[sflag:s3] =	ssyncset.done $0x0  }
0x289: {  	[sflag:s3] =	ssyncadd.s32 $0xFFFF9C00  }
0x28a: {  	[tilespmem:s7], [sflag:$0x2] =	stream.indirect.gather [hbm4b:s4+s10], $0x20, s31, s10, $0xb8;
	[tilespmem:$0x1F400] =	vst v63  }
0x28b: {  	_ =	swait.ge [sflag:s11], $0x6400  }
0x28c: {  	[sflag:s11] =	ssyncset.done $0x0  }
0x28d: {  	s1 =	rddreg [dreg:$0x5];
	[sflag:s11] =	ssyncadd.s32 $0xFFFF9C00  }
0x28e: {  	[hbm4b:s1+s2] =	stream.linear.scatter [tilespmem:s6], [sflag:$0x5], $0x6400, $0x38;
	[tilespmem:$0x1F400] =	vst v63  }
0x28f: {  	_ =	swait.ge [sflag:s3], $0x6400  }
0x290: {  	s31 =	sld [smem:$0x7F4]  }
0x291: {  	[sflag:s3] =	ssyncset.done $0x0  }
0x292: {  	[sflag:s3] =	ssyncadd.s32 $0xFFFF9C00  }
0x293: {  	[tilespmem:s6], [sflag:$0x3] =	stream.indirect.gather [hbm4b:s4+s10], $0x20, s31, s10, $0xb8;
	[tilespmem:$0x1F400] =	vst v63  }
0x294: {  	_ =	swait.ge [sflag:s8], $0x6400  }
0x295: {  	[sflag:s8] =	ssyncset.done $0x0  }
0x296: {  	s1 =	rddreg [dreg:$0x6];
	[sflag:s8] =	ssyncadd.s32 $0xFFFF9C00  }
0x297: {  	[hbm4b:s1+s2] =	stream.linear.scatter [tilespmem:s5], [sflag:$0x5], $0x6400, $0x38;
	[tilespmem:$0x1F400] =	vst v63  }
0x298: {  	_ =	swait.ge [sflag:s3], $0x6400  }
0x299: {  	s31 =	sld [smem:$0x7F5]  }
0x29a: {  	[sflag:s3] =	ssyncset.done $0x0  }
0x29b: {  	[sflag:s3] =	ssyncadd.s32 $0xFFFF9C00  }
0x29c: {  	[tilespmem:s5], [sflag:$0x4] =	stream.indirect.gather [hbm4b:s4+s10], $0x20, s31, s10, $0xb8;
	[tilespmem:$0x1F400] =	vst v63  }
0x29d: {  	_ =	swait.ge [sflag:s13], $0x6400  }
0x29e: {  	[sflag:s13] =	ssyncset.done $0x0  }
0x29f: {  	s1 =	rddreg [dreg:$0x7];
	[sflag:s13] =	ssyncadd.s32 $0xFFFF9C00  }
0x2a0: {  	[hbm4b:s1+s2] =	stream.linear.scatter [tilespmem:s9], [sflag:$0x5], $0x6400, $0x38;
	[tilespmem:$0x1F400] =	vst v63  }
0x2a1: {  	_ =	swait.ge [sflag:s3], $0x6400  }
0x2a2: {  	s31 =	sld [smem:$0x7F6]  }
0x2a3: {  	[sflag:s3] =	ssyncset.done $0x0  }
0x2a4: {  	[sflag:s3] =	ssyncadd.s32 $0xFFFF9C00  }
0x2a5: {  	[tilespmem:s9], [sflag:$0x1] =	stream.indirect.gather [hbm4b:s4+s10], $0x20, s31, s10, $0xb8;
	[tilespmem:$0x1F400] =	vst v63  }
0x2a6: {  	_ =	swait.ge [sflag:s12], $0x6400  }
0x2a7: {  	[sflag:s12] =	ssyncset.done $0x0  }
0x2a8: {  	s1 =	rddreg [dreg:$0x8];
	[sflag:s12] =	ssyncadd.s32 $0xFFFF9C00  }
0x2a9: {  	[hbm4b:s1+s2] =	stream.linear.scatter [tilespmem:s7], [sflag:$0x5], $0x6400, $0x38;
	[tilespmem:$0x1F400] =	vst v63  }
0x2aa: {  	_ =	swait.ge [sflag:s3], $0x6400  }
0x2ab: {  	s31 =	sld [smem:$0x7F7]  }
0x2ac: {  	[sflag:s3] =	ssyncset.done $0x0  }
0x2ad: {  	[sflag:s3] =	ssyncadd.s32 $0xFFFF9C00  }
0x2ae: {  	[tilespmem:s7], [sflag:$0x2] =	stream.indirect.gather [hbm4b:s4+s10], $0x20, s31, s10, $0xb8;
	[tilespmem:$0x1F400] =	vst v63  }
0x2af: {  	_ =	swait.ge [sflag:s11], $0x6400  }
0x2b0: {  	[sflag:s11] =	ssyncset.done $0x0  }
0x2b1: {  	s1 =	rddreg [dreg:$0x9];
	[sflag:s11] =	ssyncadd.s32 $0xFFFF9C00  }
0x2b2: {  	[hbm4b:s1+s2] =	stream.linear.scatter [tilespmem:s6], [sflag:$0x5], $0x6400, $0x38;
	[tilespmem:$0x1F400] =	vst v63  }
0x2b3: {  	_ =	swait.ge [sflag:s3], $0x6400  }
0x2b4: {  	s31 =	sld [smem:$0x7F8]  }
0x2b5: {  	[sflag:s3] =	ssyncset.done $0x0  }
0x2b6: {  	[sflag:s3] =	ssyncadd.s32 $0xFFFF9C00  }
0x2b7: {  	[tilespmem:s6], [sflag:$0x3] =	stream.indirect.gather [hbm4b:s4+s10], $0x20, s31, s10, $0xb8;
	[tilespmem:$0x1F400] =	vst v63  }
0x2b8: {  	_ =	swait.ge [sflag:s8], $0x6400  }
0x2b9: {  	[sflag:s8] =	ssyncset.done $0x0  }
0x2ba: {  	s1 =	rddreg [dreg:$0xa];
	[sflag:s8] =	ssyncadd.s32 $0xFFFF9C00  }
0x2bb: {  	[hbm4b:s1+s2] =	stream.linear.scatter [tilespmem:s5], [sflag:$0x5], $0x6400, $0x38;
	[tilespmem:$0x1F400] =	vst v63  }
0x2bc: {  	_ =	swait.ge [sflag:s3], $0x6400  }
0x2bd: {  	s31 =	sld [smem:$0x7F9]  }
0x2be: {  	[sflag:s3] =	ssyncset.done $0x0  }
0x2bf: {  	[sflag:s3] =	ssyncadd.s32 $0xFFFF9C00  }
0x2c0: {  	[tilespmem:s5], [sflag:$0x4] =	stream.indirect.gather [hbm4b:s4+s10], $0x20, s31, s10, $0xb8;
	[tilespmem:$0x1F400] =	vst v63  }
0x2c1: {  	_ =	swait.ge [sflag:s13], $0x6400  }
0x2c2: {  	[sflag:s13] =	ssyncset.done $0x0  }
0x2c3: {  	s1 =	rddreg [dreg:$0xb];
	[sflag:s13] =	ssyncadd.s32 $0xFFFF9C00  }
0x2c4: {  	[hbm4b:s1+s2] =	stream.linear.scatter [tilespmem:s9], [sflag:$0x5], $0x6400, $0x38;
	[tilespmem:$0x1F400] =	vst v63  }
0x2c5: {  	_ =	swait.ge [sflag:s3], $0x6400  }
0x2c6: {  	s31 =	sld [smem:$0x7FA]  }
0x2c7: {  	[sflag:s3] =	ssyncset.done $0x0  }
0x2c8: {  	[sflag:s3] =	ssyncadd.s32 $0xFFFF9C00  }
0x2c9: {  	[tilespmem:s9], [sflag:$0x1] =	stream.indirect.gather [hbm4b:s4+s10], $0x20, s31, s10, $0xb8;
	[tilespmem:$0x1F400] =	vst v63  }
0x2ca: {  	_ =	swait.ge [sflag:s12], $0x6400  }
0x2cb: {  	[sflag:s12] =	ssyncset.done $0x0  }
0x2cc: {  	s1 =	rddreg [dreg:$0xc];
	[sflag:s12] =	ssyncadd.s32 $0xFFFF9C00  }
0x2cd: {  	[hbm4b:s1+s2] =	stream.linear.scatter [tilespmem:s7], [sflag:$0x5], $0x6400, $0x38;
	[tilespmem:$0x1F400] =	vst v63  }
0x2ce: {  	_ =	swait.ge [sflag:s3], $0x6400  }
0x2cf: {  	s31 =	sld [smem:$0x7FB]  }
0x2d0: {  	[sflag:s3] =	ssyncset.done $0x0  }
0x2d1: {  	[sflag:s3] =	ssyncadd.s32 $0xFFFF9C00  }
0x2d2: {  	[tilespmem:s7], [sflag:$0x2] =	stream.indirect.gather [hbm4b:s4+s10], $0x20, s31, s10, $0xb8;
	[tilespmem:$0x1F400] =	vst v63  }
0x2d3: {  	_ =	swait.ge [sflag:s11], $0x6400  }
0x2d4: {  	[sflag:s11] =	ssyncset.done $0x0  }
0x2d5: {  	s1 =	rddreg [dreg:$0xd];
	[sflag:s11] =	ssyncadd.s32 $0xFFFF9C00  }
0x2d6: {  	[hbm4b:s1+s2] =	stream.linear.scatter [tilespmem:s6], [sflag:$0x5], $0x6400, $0x38;
	[tilespmem:$0x1F400] =	vst v63  }
0x2d7: {  	_ =	swait.ge [sflag:s3], $0x6400  }
0x2d8: {  	s31 =	sld [smem:$0x7FC]  }
0x2d9: {  	[sflag:s3] =	ssyncset.done $0x0  }
0x2da: {  	[sflag:s3] =	ssyncadd.s32 $0xFFFF9C00  }
0x2db: {  	[tilespmem:s6], [sflag:$0x3] =	stream.indirect.gather [hbm4b:s4+s10], $0x20, s31, s10, $0xb8;
	[tilespmem:$0x1F400] =	vst v63  }
0x2dc: {  	_ =	swait.ge [sflag:s8], $0x6400  }
0x2dd: {  	[sflag:s8] =	ssyncset.done $0x0  }
0x2de: {  	s1 =	rddreg [dreg:$0xe];
	[sflag:s8] =	ssyncadd.s32 $0xFFFF9C00  }
0x2df: {  	[hbm4b:s1+s2] =	stream.linear.scatter [tilespmem:s5], [sflag:$0x5], $0x6400, $0x38;
	[tilespmem:$0x1F400] =	vst v63  }
0x2e0: {  	_ =	swait.ge [sflag:s3], $0x6400  }
0x2e1: {  	s31 =	sld [smem:$0x7FD]  }
0x2e2: {  	[sflag:s3] =	ssyncset.done $0x0  }
0x2e3: {  	[sflag:s3] =	ssyncadd.s32 $0xFFFF9C00  }
0x2e4: {  	[tilespmem:s5], [sflag:$0x4] =	stream.indirect.gather [hbm4b:s4+s10], $0x20, s31, s10, $0xb8;
	[tilespmem:$0x1F400] =	vst v63  }
0x2e5: {  	_ =	swait.ge [sflag:s13], $0x6400  }
0x2e6: {  	[sflag:s13] =	ssyncset.done $0x0  }
0x2e7: {  	s1 =	rddreg [dreg:$0xf];
	[sflag:s13] =	ssyncadd.s32 $0xFFFF9C00  }
0x2e8: {  	[hbm4b:s1+s2] =	stream.linear.scatter [tilespmem:s9], [sflag:$0x5], $0x6400, $0x38;
	[tilespmem:$0x1F400] =	vst v63  }
0x2e9: {  	_ =	swait.ge [sflag:s3], $0x6400  }
0x2ea: {  	[sflag:s3] =	ssyncset.done $0x0  }
0x2eb: {  	[sflag:s3] =	ssyncadd.s32 $0xFFFF9C00  }
0x2ec: {  	[tilespmem:s9], [sflag:$0x1] =	stream.indirect.gather [hbm4b:s4+s10], $0x20, s15, s10, $0xb8;
	[tilespmem:$0x1F400] =	vst v63  }
0x2ed: {  	_ =	swait.ge [sflag:s12], $0x6400  }
0x2ee: {  	[sflag:s12] =	ssyncset.done $0x0  }
0x2ef: {  	s15 =	rddreg [dreg:$0x10];
	[sflag:s12] =	ssyncadd.s32 $0xFFFF9C00  }
0x2f0: {  	[hbm4b:s15+s2] =	stream.linear.scatter [tilespmem:s7], [sflag:$0x5], $0x6400, $0x38;
	[tilespmem:$0x1F400] =	vst v63  }
0x2f1: {  	_ =	swait.ge [sflag:s3], $0x6400  }
0x2f2: {  	[sflag:s3] =	ssyncset.done $0x0  }
0x2f3: {  	[sflag:s3] =	ssyncadd.s32 $0xFFFF9C00  }
0x2f4: {  	[tilespmem:s7], [sflag:$0x2] =	stream.indirect.gather [hbm4b:s4+s10], $0x20, s30, s10, $0xb8;
	[tilespmem:$0x1F400] =	vst v63  }
0x2f5: {  	_ =	swait.ge [sflag:s11], $0x6400  }
0x2f6: {  	[sflag:s11] =	ssyncset.done $0x0  }
0x2f7: {  	s31 =	rddreg [dreg:$0x11];
	[sflag:s11] =	ssyncadd.s32 $0xFFFF9C00  }
0x2f8: {  	[hbm4b:s31+s2] =	stream.linear.scatter [tilespmem:s6], [sflag:$0x5], $0x6400, $0x38;
	[tilespmem:$0x1F400] =	vst v63  }
0x2f9: {  	_ =	swait.ge [sflag:s3], $0x6400  }
0x2fa: {  	[sflag:s3] =	ssyncset.done $0x0  }
0x2fb: {  	[sflag:s3] =	ssyncadd.s32 $0xFFFF9C00  }
0x2fc: {  	[tilespmem:s6], [sflag:$0x3] =	stream.indirect.gather [hbm4b:s4+s10], $0x20, s29, s10, $0xb8;
	[tilespmem:$0x1F400] =	vst v63  }
0x2fd: {  	_ =	swait.ge [sflag:s8], $0x6400  }
0x2fe: {  	[sflag:s8] =	ssyncset.done $0x0  }
0x2ff: {  	s1 =	rddreg [dreg:$0x12];
	[sflag:s8] =	ssyncadd.s32 $0xFFFF9C00  }
0x300: {  	[hbm4b:s1+s2] =	stream.linear.scatter [tilespmem:s5], [sflag:$0x5], $0x6400, $0x38;
	[tilespmem:$0x1F400] =	vst v63  }
0x301: {  	_ =	swait.ge [sflag:s3], $0x6400  }
0x302: {  	[sflag:s3] =	ssyncset.done $0x0  }
0x303: {  	[sflag:s3] =	ssyncadd.s32 $0xFFFF9C00  }
0x304: {  	[tilespmem:s5], [sflag:$0x4] =	stream.indirect.gather [hbm4b:s4+s10], $0x20, s28, s10, $0xb8;
	[tilespmem:$0x1F400] =	vst v63  }
0x305: {  	_ =	swait.ge [sflag:s13], $0x6400  }
0x306: {  	[sflag:s13] =	ssyncset.done $0x0  }
0x307: {  	s15 =	rddreg [dreg:$0x13];
	[sflag:s13] =	ssyncadd.s32 $0xFFFF9C00  }
0x308: {  	[hbm4b:s15+s2] =	stream.linear.scatter [tilespmem:s9], [sflag:$0x5], $0x6400, $0x38;
	[tilespmem:$0x1F400] =	vst v63  }
0x309: {  	_ =	swait.ge [sflag:s3], $0x6400  }
0x30a: {  	[sflag:s3] =	ssyncset.done $0x0  }
0x30b: {  	[sflag:s3] =	ssyncadd.s32 $0xFFFF9C00  }
0x30c: {  	[tilespmem:s9], [sflag:$0x1] =	stream.indirect.gather [hbm4b:s4+s10], $0x20, s26, s10, $0xb8;
	[tilespmem:$0x1F400] =	vst v63  }
0x30d: {  	_ =	swait.ge [sflag:s12], $0x6400  }
0x30e: {  	[sflag:s12] =	ssyncset.done $0x0  }
0x30f: {  	s28 =	rddreg [dreg:$0x14];
	[sflag:s12] =	ssyncadd.s32 $0xFFFF9C00  }
0x310: {  	[hbm4b:s28+s2] =	stream.linear.scatter [tilespmem:s7], [sflag:$0x5], $0x6400, $0x38;
	[tilespmem:$0x1F400] =	vst v63  }
0x311: {  	_ =	swait.ge [sflag:s3], $0x6400  }
0x312: {  	[sflag:s3] =	ssyncset.done $0x0  }
0x313: {  	[sflag:s3] =	ssyncadd.s32 $0xFFFF9C00  }
0x314: {  	[tilespmem:s7], [sflag:$0x2] =	stream.indirect.gather [hbm4b:s4+s10], $0x20, s25, s10, $0xb8;
	[tilespmem:$0x1F400] =	vst v63  }
0x315: {  	_ =	swait.ge [sflag:s11], $0x6400  }
0x316: {  	[sflag:s11] =	ssyncset.done $0x0  }
0x317: {  	s29 =	rddreg [dreg:$0x15];
	[sflag:s11] =	ssyncadd.s32 $0xFFFF9C00  }
0x318: {  	[hbm4b:s29+s2] =	stream.linear.scatter [tilespmem:s6], [sflag:$0x5], $0x6400, $0x38;
	[tilespmem:$0x1F400] =	vst v63  }
0x319: {  	_ =	swait.ge [sflag:s3], $0x6400  }
0x31a: {  	[sflag:s3] =	ssyncset.done $0x0  }
0x31b: {  	[sflag:s3] =	ssyncadd.s32 $0xFFFF9C00  }
0x31c: {  	[tilespmem:s6], [sflag:$0x3] =	stream.indirect.gather [hbm4b:s4+s10], $0x20, s24, s10, $0xb8;
	[tilespmem:$0x1F400] =	vst v63  }
0x31d: {  	_ =	swait.ge [sflag:s8], $0x6400  }
0x31e: {  	[sflag:s8] =	ssyncset.done $0x0  }
0x31f: {  	s30 =	rddreg [dreg:$0x16];
	[sflag:s8] =	ssyncadd.s32 $0xFFFF9C00  }
0x320: {  	[hbm4b:s30+s2] =	stream.linear.scatter [tilespmem:s5], [sflag:$0x5], $0x6400, $0x38;
	[tilespmem:$0x1F400] =	vst v63  }
0x321: {  	_ =	swait.ge [sflag:s3], $0x6400  }
0x322: {  	[sflag:s3] =	ssyncset.done $0x0  }
0x323: {  	[sflag:s3] =	ssyncadd.s32 $0xFFFF9C00  }
0x324: {  	[tilespmem:s5], [sflag:$0x4] =	stream.indirect.gather [hbm4b:s4+s10], $0x20, s23, s10, $0xb8;
	[tilespmem:$0x1F400] =	vst v63  }
0x325: {  	_ =	swait.ge [sflag:s13], $0x6400  }
0x326: {  	[sflag:s13] =	ssyncset.done $0x0  }
0x327: {  	s31 =	rddreg [dreg:$0x17];
	[sflag:s13] =	ssyncadd.s32 $0xFFFF9C00  }
0x328: {  	[hbm4b:s31+s2] =	stream.linear.scatter [tilespmem:s9], [sflag:$0x5], $0x6400, $0x38;
	[tilespmem:$0x1F400] =	vst v63  }
0x329: {  	_ =	swait.ge [sflag:s3], $0x6400  }
0x32a: {  	[sflag:s3] =	ssyncset.done $0x0  }
0x32b: {  	[sflag:s3] =	ssyncadd.s32 $0xFFFF9C00  }
0x32c: {  	[tilespmem:s9], [sflag:$0x1] =	stream.indirect.gather [hbm4b:s4+s10], $0x20, s22, s10, $0xb8;
	[tilespmem:$0x1F400] =	vst v63  }
0x32d: {  	_ =	swait.ge [sflag:s12], $0x6400  }
0x32e: {  	[sflag:s12] =	ssyncset.done $0x0  }
0x32f: {  	s1 =	rddreg [dreg:$0x18];
	[sflag:s12] =	ssyncadd.s32 $0xFFFF9C00  }
0x330: {  	[hbm4b:s1+s2] =	stream.linear.scatter [tilespmem:s7], [sflag:$0x5], $0x6400, $0x38;
	[tilespmem:$0x1F400] =	vst v63  }
0x331: {  	_ =	swait.ge [sflag:s3], $0x6400  }
0x332: {  	[sflag:s3] =	ssyncset.done $0x0  }
0x333: {  	[sflag:s3] =	ssyncadd.s32 $0xFFFF9C00  }
0x334: {  	[tilespmem:s7], [sflag:$0x2] =	stream.indirect.gather [hbm4b:s4+s10], $0x20, s21, s10, $0xb8;
	[tilespmem:$0x1F400] =	vst v63  }
0x335: {  	_ =	swait.ge [sflag:s11], $0x6400  }
0x336: {  	[sflag:s11] =	ssyncset.done $0x0  }
0x337: {  	s15 =	rddreg [dreg:$0x19];
	[sflag:s11] =	ssyncadd.s32 $0xFFFF9C00  }
0x338: {  	[hbm4b:s15+s2] =	stream.linear.scatter [tilespmem:s6], [sflag:$0x5], $0x6400, $0x38;
	[tilespmem:$0x1F400] =	vst v63  }
0x339: {  	_ =	swait.ge [sflag:s3], $0x6400  }
0x33a: {  	[sflag:s3] =	ssyncset.done $0x0  }
0x33b: {  	[sflag:s3] =	ssyncadd.s32 $0xFFFF9C00  }
0x33c: {  	[tilespmem:s6], [sflag:$0x3] =	stream.indirect.gather [hbm4b:s4+s10], $0x20, s20, s10, $0xb8;
	[tilespmem:$0x1F400] =	vst v63  }
0x33d: {  	_ =	swait.ge [sflag:s8], $0x6400  }
0x33e: {  	[sflag:s8] =	ssyncset.done $0x0  }
0x33f: {  	s21 =	rddreg [dreg:$0x1a];
	[sflag:s8] =	ssyncadd.s32 $0xFFFF9C00  }
0x340: {  	[hbm4b:s21+s2] =	stream.linear.scatter [tilespmem:s5], [sflag:$0x5], $0x6400, $0x38;
	[tilespmem:$0x1F400] =	vst v63  }
0x341: {  	_ =	swait.ge [sflag:s3], $0x6400  }
0x342: {  	[sflag:s3] =	ssyncset.done $0x0  }
0x343: {  	[sflag:s3] =	ssyncadd.s32 $0xFFFF9C00  }
0x344: {  	[tilespmem:s5], [sflag:$0x4] =	stream.indirect.gather [hbm4b:s4+s10], $0x20, s19, s10, $0xb8;
	[tilespmem:$0x1F400] =	vst v63  }
0x345: {  	_ =	swait.ge [sflag:s13], $0x6400  }
0x346: {  	[sflag:s13] =	ssyncset.done $0x0  }
0x347: {  	s22 =	rddreg [dreg:$0x1b];
	[sflag:s13] =	ssyncadd.s32 $0xFFFF9C00  }
0x348: {  	[hbm4b:s22+s2] =	stream.linear.scatter [tilespmem:s9], [sflag:$0x5], $0x6400, $0x38;
	[tilespmem:$0x1F400] =	vst v63  }
0x349: {  	_ =	swait.ge [sflag:s3], $0x6400  }
0x34a: {  	[sflag:s3] =	ssyncset.done $0x0  }
0x34b: {  	[sflag:s3] =	ssyncadd.s32 $0xFFFF9C00  }
0x34c: {  	[tilespmem:s9], [sflag:$0x1] =	stream.indirect.gather [hbm4b:s4+s10], $0x20, s18, s10, $0xb8;
	[tilespmem:$0x1F400] =	vst v63  }
0x34d: {  	_ =	swait.ge [sflag:s12], $0x6400  }
0x34e: {  	[sflag:s12] =	ssyncset.done $0x0  }
0x34f: {  	s23 =	rddreg [dreg:$0x1c];
	[sflag:s12] =	ssyncadd.s32 $0xFFFF9C00  }
0x350: {  	[hbm4b:s23+s2] =	stream.linear.scatter [tilespmem:s7], [sflag:$0x5], $0x6400, $0x38;
	[tilespmem:$0x1F400] =	vst v63  }
0x351: {  	_ =	swait.ge [sflag:s3], $0x6400  }
0x352: {  	[sflag:s3] =	ssyncset.done $0x0  }
0x353: {  	[sflag:s3] =	ssyncadd.s32 $0xFFFF9C00  }
0x354: {  	[tilespmem:s7], [sflag:$0x2] =	stream.indirect.gather [hbm4b:s4+s10], $0x20, s17, s10, $0xb8;
	[tilespmem:$0x1F400] =	vst v63  }
0x355: {  	_ =	swait.ge [sflag:s11], $0x6400  }
0x356: {  	[sflag:s11] =	ssyncset.done $0x0  }
0x357: {  	s24 =	rddreg [dreg:$0x1d];
	[sflag:s11] =	ssyncadd.s32 $0xFFFF9C00  }
0x358: {  	[hbm4b:s24+s2] =	stream.linear.scatter [tilespmem:s6], [sflag:$0x5], $0x6400, $0x38;
	[tilespmem:$0x1F400] =	vst v63  }
0x359: {  	_ =	swait.ge [sflag:s3], $0x6400  }
0x35a: {  	[sflag:s3] =	ssyncset.done $0x0  }
0x35b: {  	[sflag:s3] =	ssyncadd.s32 $0xFFFF9C00  }
0x35c: {  	[tilespmem:s6], [sflag:$0x3] =	stream.indirect.gather [hbm4b:s4+s10], $0x20, s16, s10, $0xb8;
	[tilespmem:$0x1F400] =	vst v63  }
0x35d: {  	_ =	swait.ge [sflag:s8], $0x6400  }
0x35e: {  	[sflag:s8] =	ssyncset.done $0x0  }
0x35f: {  	s25 =	rddreg [dreg:$0x1e];
	[sflag:s8] =	ssyncadd.s32 $0xFFFF9C00  }
0x360: {  	[hbm4b:s25+s2] =	stream.linear.scatter [tilespmem:s5], [sflag:$0x5], $0x6400, $0x38;
	[tilespmem:$0x1F400] =	vst v63  }
0x361: {  	_ =	swait.ge [sflag:s3], $0x6400  }
0x362: {  	[sflag:s3] =	ssyncset.done $0x0  }
0x363: {  	s26 =	simm.s32 $0x60E0;
	[sflag:s3] =	ssyncadd.s32 $0xFFFF9C00  }
0x364: {  	[tilespmem:s5], [sflag:$0x4] =	stream.indirect.gather [hbm4b:s4+s10], $0x20, s26, s10, $0xb8;
	[tilespmem:$0x1F400] =	vst v63  }
0x365: {  	_ =	swait.ge [sflag:s13], $0x6400  }
0x366: {  	[sflag:s13] =	ssyncset.done $0x0  }
0x367: {  	s28 =	rddreg [dreg:$0x1f];
	[sflag:s13] =	ssyncadd.s32 $0xFFFF9C00  }
0x368: {  	[hbm4b:s28+s2] =	stream.linear.scatter [tilespmem:s9], [sflag:$0x5], $0x6400, $0x38;
	[tilespmem:$0x1F400] =	vst v63  }
0x369: {  	_ =	swait.ge [sflag:s3], $0x6400  }
0x36a: {  	[sflag:s3] =	ssyncset.done $0x0  }
0x36b: {  	[sflag:s3] =	ssyncadd.s32 $0xFFFF9C00  }
0x36c: {  	_ =	swait.ge [sflag:s12], $0x6400  }
0x36d: {  	s29 =	sld [smem:$0x7ED]  }
0x36e: {  	[sflag:s12] =	ssyncset.done $0x0  }
0x36f: {  	[sflag:s12] =	ssyncadd.s32 $0xFFFF9C00  }
0x370: {  	[hbm4b:s29+s2] =	stream.linear.scatter [tilespmem:s7], [sflag:$0x5], $0x6400, $0x38;
	[tilespmem:$0x1F400] =	vst v63  }
0x371: {  	_ =	swait.ge [sflag:s3], $0x6400  }
0x372: {  	[sflag:s3] =	ssyncset.done $0x0  }
0x373: {  	[sflag:s3] =	ssyncadd.s32 $0xFFFF9C00  }
0x374: {  	_ =	swait.ge [sflag:s11], $0x6400  }
0x375: {  	s30 =	sld [smem:$0x7EE]  }
0x376: {  	[sflag:s11] =	ssyncset.done $0x0  }
0x377: {  	[sflag:s11] =	ssyncadd.s32 $0xFFFF9C00  }
0x378: {  	[hbm4b:s30+s2] =	stream.linear.scatter [tilespmem:s6], [sflag:$0x5], $0x6400, $0x38;
	[tilespmem:$0x1F400] =	vst v63  }
0x379: {  	_ =	swait.ge [sflag:s3], $0x6400  }
0x37a: {  	[sflag:s3] =	ssyncset.done $0x0  }
0x37b: {  	[sflag:s3] =	ssyncadd.s32 $0xFFFF9C00  }
0x37c: {  	_ =	swait.ge [sflag:s8], $0x6400  }
0x37d: {  	s31 =	sld [smem:$0x7EF]  }
0x37e: {  	[sflag:s8] =	ssyncset.done $0x0  }
0x37f: {  	[sflag:s8] =	ssyncadd.s32 $0xFFFF9C00  }
0x380: {  	[hbm4b:s31+s2] =	stream.linear.scatter [tilespmem:s5], [sflag:$0x5], $0x6400, $0x38;
	[tilespmem:$0x1F400] =	vst v63  }
0x381: {  	_ =	swait.ge [sflag:s3], $0x6400  }
0x382: {  	[sflag:s3] =	ssyncset.done $0x0  }
0x383: {  	[sflag:s3] =	ssyncadd.s32 $0xFFFF9C00  }
0x384: {  	_ =	sfence.sel $0x180000  }
0x385: {  	[bflag:$0x0] =	sbarrier.arrive $0xFFFF  }
0x386: {  	_ =	strace $0x90000047  }
0x387: {  	[bflag:$0x2] =	sbarrier.arrive $0xFFFF  }
0x388: {  	p0 =	sne.s32 s14, $0x0;
	s0 =	rddreg [dreg:$0x2]  }
0x389: {  	s0 =	sadd.s32 @!p0 $0x100000, s0  }
0x38a: {  	[sflag:s0] =	ssyncadd.tile.s32 @!p0 $0x1;
	_ =	shalt  }
.LBB2_1:
0x38b: {  	s15 =	simm.s32 $0x3200  }
.Ltmp3:
0x38c: {  	s30 =	simm.s32 $0x3520;
	s29 =	simm.s32 $0x3840;
	(pc) =	sbr.rel .LBB2_6-.Ltmp3, $4  }
0x38d: {  	s28 =	simm.s32 $0x3B60;
	s26 =	simm.s32 $0x3E80;
	s25 =	simm.s32 $0x41A0  }
0x38e: {  	s24 =	simm.s32 $0x44C0;
	s23 =	simm.s32 $0x47E0;
	s22 =	simm.s32 $0x4B00  }
0x38f: {  	s21 =	simm.s32 $0x4E20;
	s20 =	simm.s32 $0x5140;
	s19 =	simm.s32 $0x5460  }
0x390: {  	s18 =	simm.s32 $0x5780;
	s17 =	simm.s32 $0x5AA0;
	s16 =	simm.s32 $0x5DC0  }
.LBB2_3:
0x391: {  	s15 =	simm.s32 $0x3200;
	s30 =	simm.s32 $0x3520  }
.Ltmp4:
0x392: {  	s29 =	simm.s32 $0x3840;
	s28 =	simm.s32 $0x3B60;
	(pc) =	sbr.rel .LBB2_6-.Ltmp4, $4  }
0x393: {  	s26 =	simm.s32 $0x3E80;
	s25 =	simm.s32 $0x41A0;
	s24 =	simm.s32 $0x44C0  }
0x394: {  	s23 =	simm.s32 $0x47E0;
	s22 =	simm.s32 $0x4B00;
	s21 =	simm.s32 $0x4E20  }
0x395: {  	s20 =	simm.s32 $0x5140;
	s19 =	simm.s32 $0x5460;
	s18 =	simm.s32 $0x5780  }
0x396: {  	s17 =	simm.s32 $0x5AA0;
	s16 =	simm.s32 $0x5DC0;
	s14 =	stileid.u32  }
.Lfunc_end2:
_tile_overlayer_lowered:
.L_overlay_start_2:
0x397: {  	(tag) =	ssettag $0x2  }
0x398: {  	s0 =	rddreg [dreg:$0x0];
	s2 =	stileid.u32  }
0x399: {  	s1 =	rddreg [dreg:$0x1];
	p0 =	sne.s32 s2, $0x0  }
0x39a: {  	s3 =	rddreg [dreg:$0x2];
	[bflag:$0x3] =	sbarrier.arrive $0xFFFF;
	s2 =	simm.s32 @!p0 $0x1C05  }
0x39b: {  	[timem:s3], [sflag:s2] =	dma.local @!p0 [hbm:s0], s1  }
0x39c: {  	s0 =	simm.s32 @!p0 $0x5  }
0x39d: {  	_ =	swait.ge @!p0 [sflag:s0], s1  }
0x39e: {  	s1 =	ssub.s32 @!p0 $0x0, s1;
	[sflag:s0] =	ssyncset.done @!p0 $0x0  }
0x39f: {  	[sflag:s0] =	ssyncadd.s32 @!p0 s1  }
0x3a0: {  	[bflag:$0x3] =	sbarrier.arrive $0xFFFF  }
0x3a1: {  	_ =	shalt  }

// kernel: sparse-core-data-format-call.cloned.1.call-start
scs
called_computation_lowered:
.L_overlay_start_0:
0x0: {  	s2 =	sld [smem:$0x3FD9]  }
0x1: {  	s3 =	sld [smem:$0x3FFE];
	_ =	sdelay $0x1  }
0x2: {  	s1 =	srdreg.scid  }
0x3: {  	s0 =	sand.u32 $0x1, s1  }
0x4: {  	s18 =	sshll.u32 s0, $0xA;
	s2 =	sadd.s32 s3, s2  }
0x5: {  	s2 =	sadd.s32 s2, s18  }
0x6: {  	[smem:$0x3FC6] =	sst s2  }
0x7: {  	_ = 	snop  }
0x8: {  	s2 =	sld [smem:$0x3FD0];
	(tm) =	ssettm $0x1  }
0x9: {  	s19 =	sld [smem:$0x3FFB];
	_ =	sdelay $0x3  }
0xa: {  	_ =	strace s19  }
0xb: {  	s3 =	sld [smem:$0x3FFC];
	_ =	sdelay $0x3  }
0xc: {  	_ =	strace s3  }
0xd: {  	s3 =	sld [smem:$0x3FFD];
	_ =	sdelay $0x3  }
0xe: {  	_ =	strace s3  }
0xf: {  	_ =	strace $0x8FFFFFFF  }
0x10: {  	s20 =	sld [smem:$0x3FDB];
	_ =	sdelay $0x1  }
0x11: {  	s4 =	simm.s32 $_scs_section_size  }
0x12: {  	s5 =	simm.s32 $_size__tile_overlayer_lowered;
	s6 =	simm.s32 $_tile_overlayer_lowered  }
0x13: {  	s23 =	simm.s32 $0x1BFF;
	s22 =	sshll.u32 s6, $0x1;
	s3 =	sadd.s32 s4, s20  }
0x14: {  	s7 =	simm.s32 $0x0;
	s21 =	sshll.u32 s5, $0x1;
	s5 =	sadd.s32 s22, s3  }
0x15: {  	[timem:s7], [sflag:s23] =	dma.local [hbm:s5], s21  }
0x16: {  	_ =	swait.ge [sflag:s23], s21  }
0x17: {  	s4 =	ssub.s32 $0x0, s21;
	[sflag:s23] =	ssyncset.done $0x0  }
0x18: {  	[sflag:s23] =	ssyncadd.s32 s4;
	_ =	sdelay $0x1  }
0x19: {  	s24 =	simm.s32 $0x1B8B  }
0x1a: {  	_ =	swait.ge [sflag:s24], $0x1  }
0x1b: {  	[sflag:s24] =	ssyncset.done $0x0  }
0x1c: {  	s26 =	simm.s32 $0x1B8E;
	s25 =	sld [smem:$0x3FFE];
	[sflag:s24] =	ssyncadd.s32 $0xFFFFFFFF  }
0x1d: {  	s27 =	simm.s32 $execute0_lowered;
	[smem:$0x3FD2] =	sst s26  }
0x1e: {  	s5 =	sshll.u32 s27, $0x1;
	_ =	strace $0x80000049;
	[dreg:$0x1] =	wrdreg $0xFFFFFFFF  }
0x1f: {  	s28 =	simm.s32 $_size_execute0_lowered;
	s3 =	sadd.s32 s3, s5;
	[dreg:$0x0] =	wrdreg $0x0  }
0x20: {  	s5 =	sshll.u32 s28, $0x1;
	[dreg:$0x2] =	wrdreg s3  }
0x21: {  	[dreg:$0x3] =	wrdreg s5  }
0x22: {  	[dreg:$0x4] =	wrdreg $0xC0  }
0x23: {  	_ =	task [dreg:s7], $0x5FFFF  }
0x24: {  	[dreg:$0x1] =	wrdreg $0xFFFFFFFF  }
0x25: {  	[dreg:$0x0] =	wrdreg $0x60  }
0x26: {  	[dreg:$0x2] =	wrdreg s25  }
0x27: {  	[dreg:$0x3] =	wrdreg s2  }
0x28: {  	[dreg:$0x4] =	wrdreg $0x9  }
0x29: {  	_ =	task.clear_ibuf [dreg:s7], $0x5FFFF;
	_ =	strace $0x90000049  }
0x2a: {  	s29 =	simm.s32 $0x9;
	_ =	strace $0x8000004B  }
0x2b: {  	_ =	swait.ge [sflag:s29], $0x1  }
0x2c: {  	[sflag:s29] =	ssyncadd.s32 $0xFFFFFFFF  }
0x2d: {  	_ =	strace $0x9000004B  }
0x2e: {  	_ =	sfence  }
0x2f: {  	s30 =	sld [smem:$0x0];
	_ =	sdelay $0x2  }
0x30: {  	s31 =	sshll.u32 s1, $0xD;
	s1 =	sshrl.u32 s1, $0x2  }
0x31: {  	s3 =	sand.u32 $0x4000, s31;
	s1 =	sadd.s32 s1, s30  }
0x32: {  	s0 =	sor.u32 s3, s0;
	s1 =	sshll.u32 s1, $0x11  }
0x33: {  	s0 =	sor.u32 s1, s0  }
0x34: {  	s0 =	sadd.s32 $0x8F2B, s0  }
0x35: {  	[sflag:s0] =	ssyncadd.remote.s32 $0x1  }
0x36: {  	_ =	sfence.sel $0xFFFF  }
0x37: {  	[dreg:$0x0] =	wrdreg $0xFFFFFFFF;
	(pc) =	sbr.abs _section_cstart, $3  }
0x38: {  	[dreg:$0x1] =	wrdreg $0xFFFFFFFF  }
0x39: {  	_ =	task.clear_ibuf [dreg:s7], $0x2FFFF;
	_ =	strace $0x9FFFFFFF  }
0x3a: {  	(tm) =	ssettm $0x7FFFFFFF  }
0x3b: {  	_ =	shalt  }
tec
execute0_lowered:
.L_overlay_start_1:
0x0: {  	(tag) =	ssettag $0x1  }
0x1: {  	s0 =	srdreg.scid  }
0x2: {  	s1 =	sshll.u32 s0, $0x4  }
0x3: {  	s0 =	stileid.u32;
	s1 =	sand.u32 $0x10, s1  }
0x4: {  	s1 =	sor.u32 s0, s1  }
0x5: {  	s6 =	rddreg [dreg:$0x0];
	s4 =	simm.s32 $0x1;
	s2 =	sshll.u32 s1, $0x7  }
0x6: {  	s7 =	simm.s32 $0x2;
	s12 =	simm.s32 $0x0;
	s1 =	ssub.s32 $0x1000, s2  }
0x7: {  	s8 =	simm.s32 $0x8000;
	s13 =	simm.s32 $0x0;
	s3 =	sand.u32 $0xF80, s1  }
0x8: {  	s9 =	simm.s32 $0x0;
	s5 =	sshrl.u32 s1, $0xC;
	p0 =	sne.s32 s3, $0x0  }
.Ltmp0:
0x9: {  	s1 =	rddreg [dreg:$0x2];
	s4 =	simm.s32 @!p0 $0x0;
	(pc) =	sbr.rel .LBB1_1-.Ltmp0, $4  }
0xa: {  	s11 =	simm.s32 $0x0;
	s3 =	rddreg [dreg:$0x1];
	s5 =	sadd.s32 s4, s5  }
0xb: {  	_ =	strace $0x8000004A;
	s4 =	simm.s32 $0x1;
	s5 =	smul.u32 $0xC8, s5  }
0xc: {  	s6 =	sadd.s32 $0xA00, s6;
	s10 =	smov.u32 s2;
	[sflag:s4] =	ssyncpa.u1 $0x0  }
0xd: {  	p0 =	por $0x0, $0x0;
	[sflag:s7] =	ssyncpa.u1 $0x0;
	s7 =	sor.u32 $0x1, s5  }
.LBB1_4:
0xe: {  	s16 =	sshll.u32 s13, $0x3;
	s17 =	sand.u32 $0x78, s13  }
0xf: {  	s30 =	sand.u32 $0x3E00, s13;
	s12 =	sshll.u32 s12, $0xE;
	s16 =	sand.u32 $0xC00, s16  }
0x10: {  	s31 =	sand.u32 $0x7, s13;
	s16 =	sor.u32 s17, s16;
	s17 =	sadd.s32 s3, s30  }
0x11: {  	s13 =	sshll.u32 s31, $0x12;
	s16 =	sshrl.u32 s16, $0x3;
	s12 =	sadd.s32 s12, s17  }
0x12: {  	[tilespmem:s15+$0x0 ss:$0x81] =	vst.msk $0xffff, v0;
	s13 =	sor.u32 $0x400, s13;
	s12 =	sadd.s32 s16, s12  }
0x13: {  	[hbm4b:s12+s13] =	stream.strided.scatter [tilespmem:s14], [sflag:$0x2], $0x1000, s8, s13, $0x20;
	[tilespmem:$0x4040] =	vst v63  }
.LBB1_5:
0x14: {  	s14 =	sadd.s32 $0x1, s9  }
0x15: {  	s12 =	sadd.s32 $0x1000, s10;
	s16 =	smov.u32 s10;
	p2 =	sgt.s32 s14, $0xC7  }
0x16: {  	s16 =	smov.u32 @p2 s12  }
0x17: {  	s14 =	simm.s32 @p2 $0x0;
	p2 =	sgt.s32 s16, $0xFFF  }
0x18: {  	s16 =	smov.u32 @p2 s2;
	p2 =	sne.s32 s11, s7  }
.Ltmp1:
0x19: {  	p1 =	slt.u32 s11, $0x2;
	(pc) =	sbr.rel @!p2 .LBB1_6-.Ltmp1, $4  }
0x1a: {  	s15 =	simm.s32 @!p1 $0x2  }
0x1b: {  	s13 =	smov.u32 s10;
	p0 =	por !p0, !p0;
	_ =	swait.ge @!p1 [sflag:s15], $0x1000  }
0x1c: {  	s12 =	smov.u32 s9;
	[sflag:s15] =	ssyncset.done @!p1 $0x0;
	s9 =	smov.u32 s14  }
0x1d: {  	s11 =	sadd.s32 $0x1, s11;
	[sflag:s15] =	ssyncadd.s32 @!p1 $0xFFFFF000;
	s10 =	smov.u32 s16  }
.LBB1_1:
0x1e: {  	p1 =	sge.u32 s11, s5  }
0x1f: {  	s14 =	sand.u32 @!p1 $0x1FFFFFF, s9  }
0x20: {  	s15 =	smulhi.u32 @!p1 $0x147AE15, s14;
	_ =	sdelay $0x1  }
0x21: {  	s15 =	smul.u32 @!p1 $0xC8, s15  }
0x22: {  	s16 =	sxor.u32 @!p1 $0xFFFFFFFF, s11;
	s17 =	smul.u32 @!p1 $0xC80, s10  }
0x23: {  	s31 =	sadd.s32 $0xFFFFFFFF, s11;
	s16 =	sshll.u32 @!p1 s16, $0xC;
	s14 =	ssub.s32 @!p1 s14, s15  }
0x24: {  	s15 =	sand.u32 @!p1 $0x1000, s16;
	s16 =	sadd.s32 @!p1 s6, s17;
	s14 =	sshll.u32 @!p1 s14, $0x4  }
0x25: {  	s17 =	simm.s32 @!p1 $0x6400;
	s14 =	sadd.s32 @!p1 s14, s16;
	s16 =	simm.s32 @!p1 $0x20  }
0x26: {  	[tilespmem:s15], [sflag:$0x1] =	stream.strided.gather @!p1 [hbm4b:s14+s16], $0x1000, s17, s16, $0x38;
	[tilespmem:$0x4040] =	vst v63  }
0x27: {  	p1 =	sge.u32 s31, s5  }
.Ltmp2:
0x28: {  	_ = 	snop;
	(pc) =	sbr.rel @p1 .LBB1_5-.Ltmp2, $1  }
0x29: {  	_ =	sdelay $0x3  }
0x2a: {  	s14 =	simm.s32 $0x1  }
0x2b: {  	_ =	swait.ge [sflag:s4], $0x1000;
	s14 =	simm.s32 @!p0 $0x0  }
0x2c: {  	[sflag:s4] =	ssyncset.done $0x0;
	s15 =	sshll.u32 s14, $0xC  }
0x2d: {  	[sflag:s4] =	ssyncadd.s32 $0xFFFFF000;
	s18 =	sor.u32 $0x10, s15  }
0x2e: {  	s14 =	smul.u32 $0x4080, s14;
	v1 =	vld [tilespmem:s18+$0x0]  }
0x2f: {  	s30 =	sand.u32 $0x1, s11;
	v0 =	vld [tilespmem:s18+$0xFFFFFFF0]  }
0x30: {  	s15 =	smul.u32 $0x4080, s30;
	s14 =	sshrl.u32 s14, $0x2  }
0x31: {  	s16 =	sor.u32 $0x2000, s14  }
0x32: {  	s31 =	sshrl.u32 s15, $0x2;
	s15 =	sadd.s32 $0x0, s16  }
0x33: {  	s17 =	simm.s32 $0x4;
	s18 =	sadd.s32 $0x20, s18;
	s14 =	sor.u32 $0x2000, s31;
	[tilespmem:s15+$0x810 ss:$0x81] =	vst.msk $0xffff, v1  }
.LBB1_3:
0x34: {  	v1 =	vld [tilespmem:s18+$0x0];
	p1 =	sne.s32 s17, $0x1FC;
	[tilespmem:s15+$0x0 ss:$0x81] =	vst.msk $0xffff, v0;
	s15 =	smov.u32 s17;
	s17 =	sadd.s32 $0x4, s17  }
.Ltmp3:
0x35: {  	v0 =	vld [tilespmem:s18+$0xFFFFFFF0];
	(pc) =	sbr.rel @p1 .LBB1_3-.Ltmp3, $4  }
0x36: {  	_ = 	snop  }
0x37: {  	s15 =	sshra.s32 s15, $0x2  }
0x38: {  	s15 =	sadd.s32 s15, s16  }
0x39: {  	s18 =	sadd.s32 $0x20, s18;
	[tilespmem:s15+$0x810 ss:$0x81] =	vst.msk $0xffff, v1  }
.Ltmp4:
0x3a: {  	_ = 	snop;
	(pc) =	sbr.rel .LBB1_4-.Ltmp4, $1  }
0x3b: {  	_ =	sdelay $0x3  }
.LBB1_6:
0x3c: {  	_ =	sfence.sel $0x180000  }
0x3d: {  	s2 =	simm.s32 $0x1;
	[bflag:$0x0] =	sbarrier.arrive $0xFFFF  }
0x3e: {  	s31 =	simm.s32 $0x2;
	[sflag:s2] =	ssyncpa.u1 $0x1  }
0x3f: {  	[sflag:s31] =	ssyncpa.u1 $0x1  }
0x40: {  	p0 =	sne.s32 s0, $0x0;
	_ =	strace $0x9000004A  }
0x41: {  	s0 =	sadd.s32 @!p0 $0x100000, s1;
	[bflag:$0x2] =	sbarrier.arrive $0xFFFF  }
0x42: {  	[sflag:s0] =	ssyncadd.tile.s32 @!p0 $0x1;
	_ =	shalt  }
.Lfunc_end1:
_tile_overlayer_lowered:
.L_overlay_start_2:
0x43: {  	(tag) =	ssettag $0x2  }
0x44: {  	s0 =	rddreg [dreg:$0x0];
	s2 =	stileid.u32  }
0x45: {  	s1 =	rddreg [dreg:$0x1];
	p0 =	sne.s32 s2, $0x0  }
0x46: {  	s3 =	rddreg [dreg:$0x2];
	[bflag:$0x3] =	sbarrier.arrive $0xFFFF;
	s2 =	simm.s32 @!p0 $0x1C01  }
0x47: {  	[timem:s3], [sflag:s2] =	dma.local @!p0 [hbm:s0], s1  }
0x48: {  	s0 =	simm.s32 @!p0 $0x1  }
0x49: {  	_ =	swait.ge @!p0 [sflag:s0], s1  }
0x4a: {  	s1 =	ssub.s32 @!p0 $0x0, s1;
	[sflag:s0] =	ssyncset.done @!p0 $0x0  }
0x4b: {  	[sflag:s0] =	ssyncadd.s32 @!p0 s1  }
0x4c: {  	[bflag:$0x3] =	sbarrier.arrive $0xFFFF  }
0x4d: {  	_ =	shalt  }

</sc_bundles>
